<compile_context>
chip_gen: v7x
topology: tpu7x:2x2x1
jax: 0.10.2.dev20260603
libtpu: 0.0.44.dev20260713+nightly
codegen_flags: <defaults>
</compile_context>

<pallas_src>
import functools
import jax
import jax.numpy as jnp
from jax import lax
from jax.experimental import pallas as pl
from jax.experimental.pallas import tpu as pltpu
from jax.experimental.pallas import tpu_sc as plsc

N = 10000
NPAD = 10240
E = 320000
NC = 2
NS = 16
DH = 128
HN = NPAD // 2
TRASH = 128
AROWS = HN + TRASH
CHUNK = 125
BLKC = 16
NBLK = (E // NS) // (BLKC * CHUNK)
NBLK2 = (E // (NC * NS)) // (BLKC * CHUNK)
RPT = AROWS // NS
WPT = HN // NS
ZROWS = 64

_mesh = plsc.VectorSubcoreMesh(
    core_axis_name="c", subcore_axis_name="s", num_cores=NC, num_subcores=NS
)


def _fill_vmem(ref, rows, width, value):
    v = jnp.full((16,), value, jnp.float32)

    def body(r, carry):
        for k in range(width // 16):
            ref[r, pl.ds(k * 16, 16)] = v
        return carry

    lax.fori_loop(0, rows, body, 0, unroll=False)


@functools.partial(
    pl.kernel,
    out_type=jax.ShapeDtypeStruct((NC, NPAD, DH), jnp.float32),
    mesh=_mesh,
    scratch_types=[
        pltpu.VMEM((NBLK * BLKC, CHUNK), jnp.int32),
        pltpu.VMEM((NBLK * BLKC, CHUNK), jnp.int32),
        pltpu.VMEM((CHUNK, DH), jnp.float32),
        pltpu.VMEM((CHUNK, DH), jnp.float32),
        pltpu.VMEM((ZROWS, DH), jnp.float32),
        pltpu.VMEM_SHARED((AROWS, DH), jnp.float32),
        pltpu.SemaphoreType.DMA,
        pltpu.SemaphoreType.DMA,
    ],
)
def _scatter_kernel(g_hbm, srcc_hbm, dstm_hbm, out_hbm,
                    src_v, dstm_v, rows_a, rows_b, zbuf, acc, sem_a, sem_b):
    c = lax.axis_index("c")
    s = lax.axis_index("s")

    _fill_vmem(zbuf, ZROWS, DH, 0.0)

    for r in range(2):
        zb = s * RPT
        for i in range(RPT // ZROWS):
            pltpu.sync_copy(zbuf, acc.at[pl.ds(zb + i * ZROWS, ZROWS)])
        pltpu.sync_copy(zbuf.at[pl.ds(0, RPT % ZROWS)],
                        acc.at[pl.ds(zb + (RPT // ZROWS) * ZROWS, RPT % ZROWS)])
        plsc.subcore_barrier()

        lo = r * HN
        pltpu.sync_copy(srcc_hbm.at[c, s], src_v)
        pltpu.sync_copy(dstm_hbm.at[r, s], dstm_v)

        def body(j2, carry):
            ja = 2 * j2
            da = pltpu.async_copy(g_hbm.at[src_v.at[ja]], rows_a, sem_a)
            db = pltpu.async_copy(g_hbm.at[src_v.at[ja + 1]], rows_b, sem_b)
            da.wait()
            pltpu.sync_copy(rows_a, acc.at[dstm_v.at[ja]], add=True)
            db.wait()
            pltpu.sync_copy(rows_b, acc.at[dstm_v.at[ja + 1]], add=True)
            return carry

        lax.fori_loop(0, (NBLK * BLKC) // 2, body, 0, unroll=False)
        plsc.subcore_barrier()

        wb = s * WPT
        for i in range(WPT // ZROWS):
            pltpu.sync_copy(acc.at[pl.ds(wb + i * ZROWS, ZROWS)], zbuf)
            pltpu.sync_copy(
                zbuf, out_hbm.at[c, pl.ds(lo + wb + i * ZROWS, ZROWS)])
        plsc.subcore_barrier()
        _fill_vmem(zbuf, ZROWS, DH, 0.0)


QN = NPAD // 4
DAROWS = QN + TRASH


@functools.partial(
    pl.kernel,
    out_type=jax.ShapeDtypeStruct((NC, NPAD, 16), jnp.float32),
    mesh=_mesh,
    scratch_types=[
        pltpu.VMEM((NBLK2 * BLKC, CHUNK), jnp.int32),
        pltpu.VMEM((CHUNK, 16), jnp.float32),
        pltpu.VMEM((128, 16), jnp.float32),
        pltpu.VMEM_SHARED((DAROWS, 16), jnp.float32),
    ],
)
def _degree_kernel(dstq_hbm, out_hbm, dst_v, ones_v, zbuf, acc):
    c = lax.axis_index("c")
    s = lax.axis_index("s")
    w = c * NS + s

    _fill_vmem(zbuf, 128, 16, 0.0)
    _fill_vmem(ones_v, CHUNK, 16, 1.0)

    for r in range(4):
        zb = s * (DAROWS // NS)
        pltpu.sync_copy(zbuf, acc.at[pl.ds(zb, 128)])
        pltpu.sync_copy(zbuf.at[pl.ds(0, 40)], acc.at[pl.ds(zb + 128, 40)])
        pltpu.sync_copy(dstq_hbm.at[r, w], dst_v)
        plsc.subcore_barrier()

        def body(j, carry):
            pltpu.sync_copy(ones_v, acc.at[dst_v.at[j]], add=True)
            return carry

        lax.fori_loop(0, NBLK2 * BLKC, body, 0, unroll=False)
        plsc.subcore_barrier()

        wb = s * (QN // NS)
        pltpu.sync_copy(acc.at[pl.ds(wb, 128)], zbuf)
        pltpu.sync_copy(zbuf, out_hbm.at[c, pl.ds(r * QN + wb, 128)])
        pltpu.sync_copy(acc.at[pl.ds(wb + 128, 32)], zbuf.at[pl.ds(0, 32)])
        pltpu.sync_copy(zbuf.at[pl.ds(0, 32)],
                        out_hbm.at[c, pl.ds(r * QN + wb + 128, 32)])
        plsc.subcore_barrier()


def _dis_of(cnt_blk):
    deg = cnt_blk[0, :, 0:1] + cnt_blk[1, :, 0:1] + 1.0
    return lax.rsqrt(deg)


ROWS_B = 400


def _t1_body(x_ref, w1_ref, cnt_ref, out_ref):
    dis = _dis_of(cnt_ref[...])
    y = jnp.dot(x_ref[...], w1_ref[...], preferred_element_type=jnp.float32)
    out_ref[0] = dis * y[:, :128]
    out_ref[1] = dis * y[:, 128:]


def _t_mid_body(s_ref, g_ref, b_ref, w_ref, cnt_ref, out_ref):
    dis = _dis_of(cnt_ref[...])
    ua = jax.nn.relu(dis * (s_ref[0] + g_ref[0]) + b_ref[0, 0][None, :])
    ub = jax.nn.relu(dis * (s_ref[1] + g_ref[1]) + b_ref[0, 1][None, :])
    y = (jnp.dot(ua, w_ref[0], preferred_element_type=jnp.float32)
         + jnp.dot(ub, w_ref[1], preferred_element_type=jnp.float32))
    out_ref[0] = dis * y[:, :128]
    out_ref[1] = dis * y[:, 128:]


def _t4_body(s_ref, g_ref, b_ref, cnt_ref, out_ref):
    dis = _dis_of(cnt_ref[...])
    out_ref[:, pl.ds(0, 64)] = (
        dis * (s_ref[0, :, :64] + g_ref[0, :, :64]) + b_ref[0, 0][None, :])
    out_ref[:, pl.ds(64, 64)] = (
        dis * (s_ref[1, :, :64] + g_ref[1, :, :64]) + b_ref[0, 1][None, :])


def _t1_call(x, w1, cnt2):
    return pl.pallas_call(
        _t1_body,
        grid=(N // ROWS_B,),
        in_specs=[
            pl.BlockSpec((ROWS_B, 128), lambda i: (i, 0)),
            pl.BlockSpec((128, 256), lambda i: (0, 0)),
            pl.BlockSpec((2, ROWS_B, 16), lambda i: (0, i, 0)),
        ],
        out_specs=pl.BlockSpec((2, ROWS_B, 128), lambda i: (0, i, 0)),
        out_shape=jax.ShapeDtypeStruct((2, NPAD, 128), jnp.float32),
    )(x, w1, cnt2)


def _t_mid_call(s_in, g_in, b_in, w_in, cnt2):
    return pl.pallas_call(
        _t_mid_body,
        grid=(N // ROWS_B,),
        in_specs=[
            pl.BlockSpec((2, ROWS_B, 128), lambda i: (0, i, 0)),
            pl.BlockSpec((2, ROWS_B, 128), lambda i: (0, i, 0)),
            pl.BlockSpec((1, 2, 128), lambda i: (0, 0, 0)),
            pl.BlockSpec((2, 128, 256), lambda i: (0, 0, 0)),
            pl.BlockSpec((2, ROWS_B, 16), lambda i: (0, i, 0)),
        ],
        out_specs=pl.BlockSpec((2, ROWS_B, 128), lambda i: (0, i, 0)),
        out_shape=jax.ShapeDtypeStruct((2, NPAD, 128), jnp.float32),
    )(s_in, g_in, b_in, w_in, cnt2)


def _t4_call(s3, g3, b3, cnt2):
    return pl.pallas_call(
        _t4_body,
        grid=(N // ROWS_B,),
        in_specs=[
            pl.BlockSpec((2, ROWS_B, 128), lambda i: (0, i, 0)),
            pl.BlockSpec((2, ROWS_B, 128), lambda i: (0, i, 0)),
            pl.BlockSpec((1, 2, 64), lambda i: (0, 0, 0)),
            pl.BlockSpec((2, ROWS_B, 16), lambda i: (0, i, 0)),
        ],
        out_specs=pl.BlockSpec((ROWS_B, 128), lambda i: (i, 0)),
        out_shape=jax.ShapeDtypeStruct((N, 128), jnp.float32),
    )(s3, g3, b3, cnt2)


def kernel(x, edge_index, W1, b1, W2, b2, W3, b3):
    src = edge_index[0]
    dst = edge_index[1]
    srcc = jnp.stack([src, src + NPAD]).reshape(NC, NS, NBLK * BLKC, CHUNK)
    trash = HN + (dst & (TRASH - 1))
    dstm = jnp.stack([
        jnp.where(dst < HN, dst, trash),
        jnp.where(dst >= HN, dst - HN, trash),
    ]).reshape(2, NS, NBLK * BLKC, CHUNK)
    trashq = QN + (dst & (TRASH - 1))
    dstq = jnp.stack([
        jnp.where((dst >= r * QN) & (dst < (r + 1) * QN), dst - r * QN, trashq)
        for r in range(4)
    ]).reshape(4, NC * NS, NBLK2 * BLKC, CHUNK)

    w2r = W2.reshape(2, 128, 256)
    w3p = (jnp.zeros((256, 256), jnp.float32)
           .at[:, 0:64].set(W3[:, 0:64])
           .at[:, 128:192].set(W3[:, 64:128]))
    w3r = w3p.reshape(2, 128, 256)
    b1r = b1.reshape(1, 2, 128)
    b2r = b2.reshape(1, 2, 128)
    b3r = b3.reshape(1, 2, 64)

    wstack = jnp.stack([w2r, w3r, w3r])
    bstack = jnp.stack([b1r, b2r, b2r])

    cnt2 = _degree_kernel(dstq)
    g1 = _t1_call(x, W1, cnt2)

    def body(carry, wb):
        g_cur, _, _ = carry
        w, b = wb
        s_cur = _scatter_kernel(g_cur.reshape(2 * NPAD, 128), srcc, dstm)
        g_next = _t_mid_call(s_cur, g_cur, b, w, cnt2)
        return (g_next, g_cur, s_cur), None

    init = (g1, g1, jnp.zeros((NC, NPAD, 128), jnp.float32))
    (_, g3, s3), _ = lax.scan(body, init, (wstack, bstack))
    return _t4_call(s3, g3, b3r, cnt2)

# --- scband reference (transcript-rebuilt; emitter-appended) ---
"""Pipeline reference for scband-gcn-8486855376924 (READ-ONLY COPY).

The authoritative reference and input builder live on the scoring server;
editing this copy changes nothing except your own understanding.
"""

import jax, jax.numpy as jnp
import numpy as np

N_NODES = 10000
N_EDGES = 320000
D_IN = 128
D_HID = 256
D_OUT = 128


def setup_inputs(seed: int = 0) -> dict:
    key = jax.random.key(seed)
    ks = jax.random.split(key, 8)
    x = jax.random.normal(ks[0], (N_NODES, D_IN), dtype=jnp.float32)
    edge_index = jax.random.randint(ks[1], (2, N_EDGES), 0, N_NODES, dtype=jnp.int64 if jax.config.jax_enable_x64 else jnp.int32).astype(jnp.int32)
    W1 = jax.random.normal(ks[2], (D_IN, D_HID), dtype=jnp.float32) * 0.05
    b1 = jnp.zeros((D_HID,), dtype=jnp.float32)
    W2 = jax.random.normal(ks[3], (D_HID, D_HID), dtype=jnp.float32) * 0.05
    b2 = jnp.zeros((D_HID,), dtype=jnp.float32)
    W3 = jax.random.normal(ks[4], (D_HID, D_OUT), dtype=jnp.float32) * 0.05
    b3 = jnp.zeros((D_OUT,), dtype=jnp.float32)
    return {"x": x, "edge_index": edge_index, "W1": W1, "b1": b1, "W2": W2, "b2": b2, "W3": W3, "b3": b3}


def gcn_conv(x, edge_index, W, b):
    # PyG-style GCNConv: add self-loops, symmetric normalization, linear transform
    num_nodes = x.shape[0]
    loop = jnp.arange(num_nodes, dtype=edge_index.dtype)
    src = jnp.concatenate([edge_index[0], loop])
    dst = jnp.concatenate([edge_index[1], loop])
    deg = jnp.zeros((num_nodes,), dtype=x.dtype).at[dst].add(1.0)
    deg_inv_sqrt = jnp.where(deg > 0, deg ** -0.5, 0.0)
    norm = deg_inv_sqrt[src] * deg_inv_sqrt[dst]
    h = x @ W
    msg = h[src] * norm[:, None]
    out = jax.ops.segment_sum(msg, dst, num_segments=num_nodes)
    return out + b


def reference(x, edge_index, W1, b1, W2, b2, W3, b3):
    h = gcn_conv(x, edge_index, W1, b1)
    h = jax.nn.relu(h)
    h = gcn_conv(h, edge_index, W2, b2)
    h = jax.nn.relu(h)
    out = gcn_conv(h, edge_index, W3, b3)
    return out

if __name__ == "__main__":
    import jax
    _d = setup_inputs()
    print(jax.jit(kernel)(*tuple(_d.values())))

</pallas_src>

<mosaic_0001>
#map = affine_map<(d0, d1) -> (0, 0, 0, 0)>
#map1 = affine_map<(d0, d1) -> (0, 0, 0)>
module attributes {stable_mosaic.version = 14 : i64} {
  func.func @_degree_kernel(%arg0: i32, %arg1: i32, %arg2: memref<4x32x80x125xi32, #tpu.memory_space<hbm>>, %arg3: memref<2x10240x16xf32, #tpu.memory_space<hbm>>, %arg4: memref<80x125xi32, #tpu.memory_space<vmem>>, %arg5: memref<125x16xf32, #tpu.memory_space<vmem>>, %arg6: memref<128x16xf32, #tpu.memory_space<vmem>>, %arg7: memref<2688x16xf32, #tpu.memory_space<vmem_shared>>) attributes {dimension_semantics = [#tpu.dimension_semantics<core_parallel>, #tpu.dimension_semantics<subcore_parallel>], iteration_bounds = array<i64: 2, 16>, scalar_prefetch = 0 : i64, scratch_operands = 4 : i64, tpu.core_type = #tpu.core_type<sc_vector_subcore>, window_params = [{transform_indices = #map}, {transform_indices = #map1}]} {
    %mul3A = arith.constant 16 : i32
    %mul3A_0 = arith.muli %arg0, %mul3A : i32
    %add3A = arith.addi %mul3A_0, %arg1 : i32
    %broadcast_in_dim3A = arith.constant 0.000000e+00 : f32
    %broadcast_in_dim3A_1 = vector.broadcast %broadcast_in_dim3A : f32 to vector<16xf32>
    %scan3A = arith.constant 0 : i32
    %scan3A_2 = arith.constant 0 : i32
    %scan3A_3 = arith.constant 128 : i32
    %scan3A_4 = arith.addi %scan3A_2, %scan3A_3 : i32
    %scan3A_5 = arith.constant 1 : i32
    scf.for %scan3A_109 = %scan3A_2 to %scan3A_4 step %scan3A_5  : i32 {
      %swap3A = arith.index_cast %scan3A_109 : i32 to index
      %swap3A_110 = arith.constant 0 : index
      %swap3A_111 = tpu.vector_load %arg6[%swap3A, %swap3A_110] {strides = array<i32>} : memref<128x16xf32, #tpu.memory_space<vmem>>, vector<1x16xf32>,
      %swap3A_112 = vector.shape_cast %swap3A_111 : vector<1x16xf32> to vector<16xf32>
      %swap3A_113 = vector.shape_cast %broadcast_in_dim3A_1 : vector<16xf32> to vector<1x16xf32>
      tpu.vector_store %arg6[%swap3A, %swap3A_110], %swap3A_113 {strides = array<i32>} : memref<128x16xf32, #tpu.memory_space<vmem>>, vector<1x16xf32>,
    }
    %scan3A_6 = arith.constant 128 : i32
    %broadcast_in_dim3A_7 = arith.constant 1.000000e+00 : f32
    %broadcast_in_dim3A_8 = vector.broadcast %broadcast_in_dim3A_7 : f32 to vector<16xf32>
    %scan3A_9 = arith.constant 0 : i32
    %scan3A_10 = arith.constant 0 : i32
    %scan3A_11 = arith.constant 125 : i32
    %scan3A_12 = arith.addi %scan3A_10, %scan3A_11 : i32
    %scan3A_13 = arith.constant 1 : i32
    scf.for %scan3A_109 = %scan3A_10 to %scan3A_12 step %scan3A_13  : i32 {
      %swap3A = arith.index_cast %scan3A_109 : i32 to index
      %swap3A_110 = arith.constant 0 : index
      %swap3A_111 = tpu.vector_load %arg5[%swap3A, %swap3A_110] {strides = array<i32>} : memref<125x16xf32, #tpu.memory_space<vmem>>, vector<1x16xf32>,
      %swap3A_112 = vector.shape_cast %swap3A_111 : vector<1x16xf32> to vector<16xf32>
      %swap3A_113 = vector.shape_cast %broadcast_in_dim3A_8 : vector<16xf32> to vector<1x16xf32>
      tpu.vector_store %arg5[%swap3A, %swap3A_110], %swap3A_113 {strides = array<i32>} : memref<125x16xf32, #tpu.memory_space<vmem>>, vector<1x16xf32>,
    }
    %scan3A_14 = arith.constant 125 : i32
    %mul3A_15 = arith.constant 168 : i32
    %mul3A_16 = arith.muli %arg1, %mul3A_15 : i32
    "tpu.region"() ({
      %run_scoped3A_109 = tpu.sem_alloc : memref<!tpu.dma_semaphore, #tpu.memory_space<semaphore_mem>>
      %dma_start3A = arith.constant 0 : i32
      %dma_start3A_110 = tpu.memref_slice %arg7[%mul3A_16, %dma_start3A] : memref<2688x16xf32, #tpu.memory_space<vmem_shared>> -> memref<128x16xf32, #tpu.memory_space<vmem_shared>>
      %dma_start3A_111 = arith.constant 0 : i32
      %dma_start3A_112 = tpu.memref_slice %arg7[%mul3A_16, %dma_start3A_111] : memref<2688x16xf32, #tpu.memory_space<vmem_shared>> -> memref<128x16xf32, #tpu.memory_space<vmem_shared>>
      tpu.enqueue_dma source(%arg6 : memref<128x16xf32, #tpu.memory_space<vmem>>) target(%dma_start3A_112 : memref<128x16xf32, #tpu.memory_space<vmem_shared>>) target_semaphore(%run_scoped3A_109 : memref<!tpu.dma_semaphore, #tpu.memory_space<semaphore_mem>>)
      %dma_wait3A = arith.constant 0 : i32
      %dma_wait3A_113 = tpu.memref_slice %arg7[%mul3A_16, %dma_wait3A] : memref<2688x16xf32, #tpu.memory_space<vmem_shared>> -> memref<128x16xf32, #tpu.memory_space<vmem_shared>>
      %dma_wait3A_114 = arith.constant 0 : i32
      %dma_wait3A_115 = tpu.memref_slice %arg7[%mul3A_16, %dma_wait3A_114] : memref<2688x16xf32, #tpu.memory_space<vmem_shared>> -> memref<128x16xf32, #tpu.memory_space<vmem_shared>>
      tpu.wait_dma2 semaphore(%run_scoped3A_109 : memref<!tpu.dma_semaphore, #tpu.memory_space<semaphore_mem>>) src(%arg6 : memref<128x16xf32, #tpu.memory_space<vmem>>) dst(%dma_wait3A_115 : memref<128x16xf32, #tpu.memory_space<vmem_shared>>)
      tpu.yield
    }) : () -> ()
    %add3A_17 = arith.constant 128 : i32
    %add3A_18 = arith.addi %mul3A_16, %add3A_17 : i32
    "tpu.region"() ({
      %run_scoped3A_109 = tpu.sem_alloc : memref<!tpu.dma_semaphore, #tpu.memory_space<semaphore_mem>>
      %dma_start3A = arith.constant 0 : i32
      %dma_start3A_110 = arith.constant 0 : i32
      %dma_start3A_111 = tpu.memref_slice %arg6[%dma_start3A, %dma_start3A_110] : memref<128x16xf32, #tpu.memory_space<vmem>> -> memref<40x16xf32, #tpu.memory_space<vmem>>
      %dma_start3A_112 = arith.constant 0 : i32
      %dma_start3A_113 = tpu.memref_slice %arg7[%add3A_18, %dma_start3A_112] : memref<2688x16xf32, #tpu.memory_space<vmem_shared>> -> memref<40x16xf32, #tpu.memory_space<vmem_shared>>
      %dma_start3A_114 = arith.constant 0 : i32
      %dma_start3A_115 = tpu.memref_slice %arg7[%add3A_18, %dma_start3A_114] : memref<2688x16xf32, #tpu.memory_space<vmem_shared>> -> memref<40x16xf32, #tpu.memory_space<vmem_shared>>
      %dma_start3A_116 = arith.constant 0 : i32
      %dma_start3A_117 = arith.constant 0 : i32
      %dma_start3A_118 = tpu.memref_slice %arg6[%dma_start3A_116, %dma_start3A_117] : memref<128x16xf32, #tpu.memory_space<vmem>> -> memref<40x16xf32, #tpu.memory_space<vmem>>
      tpu.enqueue_dma source(%dma_start3A_118 : memref<40x16xf32, #tpu.memory_space<vmem>>) target(%dma_start3A_115 : memref<40x16xf32, #tpu.memory_space<vmem_shared>>) target_semaphore(%run_scoped3A_109 : memref<!tpu.dma_semaphore, #tpu.memory_space<semaphore_mem>>)
      %dma_wait3A = arith.constant 0 : i32
      %dma_wait3A_119 = arith.constant 0 : i32
      %dma_wait3A_120 = tpu.memref_slice %arg6[%dma_wait3A, %dma_wait3A_119] : memref<128x16xf32, #tpu.memory_space<vmem>> -> memref<40x16xf32, #tpu.memory_space<vmem>>
      %dma_wait3A_121 = arith.constant 0 : i32
      %dma_wait3A_122 = tpu.memref_slice %arg7[%add3A_18, %dma_wait3A_121] : memref<2688x16xf32, #tpu.memory_space<vmem_shared>> -> memref<40x16xf32, #tpu.memory_space<vmem_shared>>
      %dma_wait3A_123 = arith.constant 0 : i32
      %dma_wait3A_124 = tpu.memref_slice %arg7[%add3A_18, %dma_wait3A_123] : memref<2688x16xf32, #tpu.memory_space<vmem_shared>> -> memref<40x16xf32, #tpu.memory_space<vmem_shared>>
      %dma_wait3A_125 = arith.constant 0 : i32
      %dma_wait3A_126 = arith.constant 0 : i32
      %dma_wait3A_127 = tpu.memref_slice %arg6[%dma_wait3A_125, %dma_wait3A_126] : memref<128x16xf32, #tpu.memory_space<vmem>> -> memref<40x16xf32, #tpu.memory_space<vmem>>
      tpu.wait_dma2 semaphore(%run_scoped3A_109 : memref<!tpu.dma_semaphore, #tpu.memory_space<semaphore_mem>>) src(%dma_wait3A_127 : memref<40x16xf32, #tpu.memory_space<vmem>>) dst(%dma_wait3A_124 : memref<40x16xf32, #tpu.memory_space<vmem_shared>>)
      tpu.yield
    }) : () -> ()
    %run_scoped3A = arith.constant 0 : i32
    "tpu.region"() ({
      %run_scoped3A_109 = tpu.sem_alloc : memref<!tpu.dma_semaphore, #tpu.memory_space<semaphore_mem>>
      %dma_start3A = arith.constant 0 : i32
      %dma_start3A_110 = arith.constant 0 : i32
      %dma_start3A_111 = tpu.memref_slice %arg2[%run_scoped3A, %add3A, %dma_start3A, %dma_start3A_110] : memref<4x32x80x125xi32, #tpu.memory_space<hbm>> -> memref<1x1x80x125xi32, #tpu.memory_space<hbm>>
      %dma_start3A_112 = tpu.memref_squeeze %dma_start3A_111 : memref<1x1x80x125xi32, #tpu.memory_space<hbm>> -> memref<80x125xi32, #tpu.memory_space<hbm>>
      %dma_start3A_113 = arith.constant 0 : i32
      %dma_start3A_114 = arith.constant 0 : i32
      %dma_start3A_115 = tpu.memref_slice %arg2[%run_scoped3A, %add3A, %dma_start3A_113, %dma_start3A_114] : memref<4x32x80x125xi32, #tpu.memory_space<hbm>> -> memref<1x1x80x125xi32, #tpu.memory_space<hbm>>
      %dma_start3A_116 = tpu.memref_squeeze %dma_start3A_115 : memref<1x1x80x125xi32, #tpu.memory_space<hbm>> -> memref<80x125xi32, #tpu.memory_space<hbm>>
      tpu.enqueue_dma source(%dma_start3A_116 : memref<80x125xi32, #tpu.memory_space<hbm>>) target(%arg4 : memref<80x125xi32, #tpu.memory_space<vmem>>) target_semaphore(%run_scoped3A_109 : memref<!tpu.dma_semaphore, #tpu.memory_space<semaphore_mem>>)
      %dma_wait3A = arith.constant 0 : i32
      %dma_wait3A_117 = arith.constant 0 : i32
      %dma_wait3A_118 = tpu.memref_slice %arg2[%run_scoped3A, %add3A, %dma_wait3A, %dma_wait3A_117] : memref<4x32x80x125xi32, #tpu.memory_space<hbm>> -> memref<1x1x80x125xi32, #tpu.memory_space<hbm>>
      %dma_wait3A_119 = tpu.memref_squeeze %dma_wait3A_118 : memref<1x1x80x125xi32, #tpu.memory_space<hbm>> -> memref<80x125xi32, #tpu.memory_space<hbm>>
      %dma_wait3A_120 = arith.constant 0 : i32
      %dma_wait3A_121 = arith.constant 0 : i32
      %dma_wait3A_122 = tpu.memref_slice %arg2[%run_scoped3A, %add3A, %dma_wait3A_120, %dma_wait3A_121] : memref<4x32x80x125xi32, #tpu.memory_space<hbm>> -> memref<1x1x80x125xi32, #tpu.memory_space<hbm>>
      %dma_wait3A_123 = tpu.memref_squeeze %dma_wait3A_122 : memref<1x1x80x125xi32, #tpu.memory_space<hbm>> -> memref<80x125xi32, #tpu.memory_space<hbm>>
      tpu.wait_dma2 semaphore(%run_scoped3A_109 : memref<!tpu.dma_semaphore, #tpu.memory_space<semaphore_mem>>) src(%dma_wait3A_123 : memref<80x125xi32, #tpu.memory_space<hbm>>) dst(%arg4 : memref<80x125xi32, #tpu.memory_space<vmem>>)
      tpu.yield
    }) : () -> ()
    %barrier3A = arith.constant 0 : index
    tpu.barrier barrier_id(%barrier3A)
    %scan3A_19 = arith.constant 0 : i32
    %scan3A_20 = arith.constant 0 : i32
    %scan3A_21 = arith.constant 80 : i32
    %scan3A_22 = arith.addi %scan3A_20, %scan3A_21 : i32
    %scan3A_23 = arith.constant 1 : i32
    scf.for %scan3A_109 = %scan3A_20 to %scan3A_22 step %scan3A_23  : i32 {
      "tpu.region"() ({
        %run_scoped3A_110 = tpu.sem_alloc : memref<!tpu.dma_semaphore, #tpu.memory_space<semaphore_mem>>
        %dma_start3A = arith.constant 0 : i32
        %dma_start3A_111 = tpu.memref_slice %arg4[%scan3A_109, %dma_start3A] : memref<80x125xi32, #tpu.memory_space<vmem>> -> memref<1x125xi32, #tpu.memory_space<vmem>>
        %dma_start3A_112 = tpu.memref_squeeze %dma_start3A_111 : memref<1x125xi32, #tpu.memory_space<vmem>> -> memref<125xi32, #tpu.memory_space<vmem>>
        %dma_start3A_113 = arith.constant 0 : i32
        %dma_start3A_114 = arith.constant 0 : i32
        %dma_start3A_115 = tpu.memref_slice %arg7[%dma_start3A_113, %dma_start3A_114] : memref<2688x16xf32, #tpu.memory_space<vmem_shared>> -> memref<2688x16xf32, #tpu.memory_space<vmem_shared>>
        tpu.enqueue_indirect_dma source(%arg5 : memref<125x16xf32, #tpu.memory_space<vmem>>) target(%dma_start3A_115 : memref<2688x16xf32, #tpu.memory_space<vmem_shared>>) offsets(%dma_start3A_112 : memref<125xi32, #tpu.memory_space<vmem>>) semaphore(%run_scoped3A_110 : memref<!tpu.dma_semaphore, #tpu.memory_space<semaphore_mem>>) {add = true}
        %dma_wait3A = arith.constant 0 : i32
        %dma_wait3A_116 = tpu.memref_slice %arg4[%scan3A_109, %dma_wait3A] : memref<80x125xi32, #tpu.memory_space<vmem>> -> memref<1x125xi32, #tpu.memory_space<vmem>>
        %dma_wait3A_117 = tpu.memref_squeeze %dma_wait3A_116 : memref<1x125xi32, #tpu.memory_space<vmem>> -> memref<125xi32, #tpu.memory_space<vmem>>
        %dma_wait3A_118 = arith.constant 0 : i32
        %dma_wait3A_119 = arith.constant 0 : i32
        %dma_wait3A_120 = tpu.memref_slice %arg7[%dma_wait3A_118, %dma_wait3A_119] : memref<2688x16xf32, #tpu.memory_space<vmem_shared>> -> memref<2688x16xf32, #tpu.memory_space<vmem_shared>>
        tpu.wait_indirect_dma semaphore(%run_scoped3A_110 : memref<!tpu.dma_semaphore, #tpu.memory_space<semaphore_mem>>) src(%arg5 : memref<125x16xf32, #tpu.memory_space<vmem>>) dst(%dma_wait3A_120 : memref<2688x16xf32, #tpu.memory_space<vmem_shared>>)
        tpu.yield
      }) : () -> ()
    }
    %scan3A_24 = arith.constant 80 : i32
    %barrier3A_25 = arith.constant 0 : index
    tpu.barrier barrier_id(%barrier3A_25)
    %mul3A_26 = arith.constant 160 : i32
    %mul3A_27 = arith.muli %arg1, %mul3A_26 : i32
    "tpu.region"() ({
      %run_scoped3A_109 = tpu.sem_alloc : memref<!tpu.dma_semaphore, #tpu.memory_space<semaphore_mem>>
      %dma_start3A = arith.constant 0 : i32
      %dma_start3A_110 = tpu.memref_slice %arg7[%mul3A_27, %dma_start3A] : memref<2688x16xf32, #tpu.memory_space<vmem_shared>> -> memref<128x16xf32, #tpu.memory_space<vmem_shared>>
      %dma_start3A_111 = arith.constant 0 : i32
      %dma_start3A_112 = tpu.memref_slice %arg7[%mul3A_27, %dma_start3A_111] : memref<2688x16xf32, #tpu.memory_space<vmem_shared>> -> memref<128x16xf32, #tpu.memory_space<vmem_shared>>
      tpu.enqueue_dma source(%dma_start3A_112 : memref<128x16xf32, #tpu.memory_space<vmem_shared>>) target(%arg6 : memref<128x16xf32, #tpu.memory_space<vmem>>) target_semaphore(%run_scoped3A_109 : memref<!tpu.dma_semaphore, #tpu.memory_space<semaphore_mem>>)
      %dma_wait3A = arith.constant 0 : i32
      %dma_wait3A_113 = tpu.memref_slice %arg7[%mul3A_27, %dma_wait3A] : memref<2688x16xf32, #tpu.memory_space<vmem_shared>> -> memref<128x16xf32, #tpu.memory_space<vmem_shared>>
      %dma_wait3A_114 = arith.constant 0 : i32
      %dma_wait3A_115 = tpu.memref_slice %arg7[%mul3A_27, %dma_wait3A_114] : memref<2688x16xf32, #tpu.memory_space<vmem_shared>> -> memref<128x16xf32, #tpu.memory_space<vmem_shared>>
      tpu.wait_dma2 semaphore(%run_scoped3A_109 : memref<!tpu.dma_semaphore, #tpu.memory_space<semaphore_mem>>) src(%dma_wait3A_115 : memref<128x16xf32, #tpu.memory_space<vmem_shared>>) dst(%arg6 : memref<128x16xf32, #tpu.memory_space<vmem>>)
      tpu.yield
    }) : () -> ()
    %add3A_28 = arith.constant 0 : i32
    %add3A_29 = arith.addi %add3A_28, %mul3A_27 : i32
    "tpu.region"() ({
      %run_scoped3A_109 = tpu.sem_alloc : memref<!tpu.dma_semaphore, #tpu.memory_space<semaphore_mem>>
      %dma_start3A = arith.constant 0 : i32
      %dma_start3A_110 = tpu.memref_slice %arg3[%arg0, %add3A_29, %dma_start3A] : memref<2x10240x16xf32, #tpu.memory_space<hbm>> -> memref<1x128x16xf32, #tpu.memory_space<hbm>>
      %dma_start3A_111 = tpu.memref_squeeze %dma_start3A_110 : memref<1x128x16xf32, #tpu.memory_space<hbm>> -> memref<128x16xf32, #tpu.memory_space<hbm>>
      %dma_start3A_112 = arith.constant 0 : i32
      %dma_start3A_113 = tpu.memref_slice %arg3[%arg0, %add3A_29, %dma_start3A_112] : memref<2x10240x16xf32, #tpu.memory_space<hbm>> -> memref<1x128x16xf32, #tpu.memory_space<hbm>>
      %dma_start3A_114 = tpu.memref_squeeze %dma_start3A_113 : memref<1x128x16xf32, #tpu.memory_space<hbm>> -> memref<128x16xf32, #tpu.memory_space<hbm>>
      tpu.enqueue_dma source(%arg6 : memref<128x16xf32, #tpu.memory_space<vmem>>) target(%dma_start3A_114 : memref<128x16xf32, #tpu.memory_space<hbm>>) target_semaphore(%run_scoped3A_109 : memref<!tpu.dma_semaphore, #tpu.memory_space<semaphore_mem>>)
      %dma_wait3A = arith.constant 0 : i32
      %dma_wait3A_115 = tpu.memref_slice %arg3[%arg0, %add3A_29, %dma_wait3A] : memref<2x10240x16xf32, #tpu.memory_space<hbm>> -> memref<1x128x16xf32, #tpu.memory_space<hbm>>
      %dma_wait3A_116 = tpu.memref_squeeze %dma_wait3A_115 : memref<1x128x16xf32, #tpu.memory_space<hbm>> -> memref<128x16xf32, #tpu.memory_space<hbm>>
      %dma_wait3A_117 = arith.constant 0 : i32
      %dma_wait3A_118 = tpu.memref_slice %arg3[%arg0, %add3A_29, %dma_wait3A_117] : memref<2x10240x16xf32, #tpu.memory_space<hbm>> -> memref<1x128x16xf32, #tpu.memory_space<hbm>>
      %dma_wait3A_119 = tpu.memref_squeeze %dma_wait3A_118 : memref<1x128x16xf32, #tpu.memory_space<hbm>> -> memref<128x16xf32, #tpu.memory_space<hbm>>
      tpu.wait_dma2 semaphore(%run_scoped3A_109 : memref<!tpu.dma_semaphore, #tpu.memory_space<semaphore_mem>>) src(%arg6 : memref<128x16xf32, #tpu.memory_space<vmem>>) dst(%dma_wait3A_119 : memref<128x16xf32, #tpu.memory_space<hbm>>)
      tpu.yield
    }) : () -> ()
    %add3A_30 = arith.constant 128 : i32
    %add3A_31 = arith.addi %mul3A_27, %add3A_30 : i32
    "tpu.region"() ({
      %run_scoped3A_109 = tpu.sem_alloc : memref<!tpu.dma_semaphore, #tpu.memory_space<semaphore_mem>>
      %dma_start3A = arith.constant 0 : i32
      %dma_start3A_110 = arith.constant 0 : i32
      %dma_start3A_111 = tpu.memref_slice %arg6[%dma_start3A, %dma_start3A_110] : memref<128x16xf32, #tpu.memory_space<vmem>> -> memref<32x16xf32, #tpu.memory_space<vmem>>
      %dma_start3A_112 = arith.constant 0 : i32
      %dma_start3A_113 = tpu.memref_slice %arg7[%add3A_31, %dma_start3A_112] : memref<2688x16xf32, #tpu.memory_space<vmem_shared>> -> memref<32x16xf32, #tpu.memory_space<vmem_shared>>
      %dma_start3A_114 = arith.constant 0 : i32
      %dma_start3A_115 = arith.constant 0 : i32
      %dma_start3A_116 = tpu.memref_slice %arg6[%dma_start3A_114, %dma_start3A_115] : memref<128x16xf32, #tpu.memory_space<vmem>> -> memref<32x16xf32, #tpu.memory_space<vmem>>
      %dma_start3A_117 = arith.constant 0 : i32
      %dma_start3A_118 = tpu.memref_slice %arg7[%add3A_31, %dma_start3A_117] : memref<2688x16xf32, #tpu.memory_space<vmem_shared>> -> memref<32x16xf32, #tpu.memory_space<vmem_shared>>
      tpu.enqueue_dma source(%dma_start3A_118 : memref<32x16xf32, #tpu.memory_space<vmem_shared>>) target(%dma_start3A_116 : memref<32x16xf32, #tpu.memory_space<vmem>>) target_semaphore(%run_scoped3A_109 : memref<!tpu.dma_semaphore, #tpu.memory_space<semaphore_mem>>)
      %dma_wait3A = arith.constant 0 : i32
      %dma_wait3A_119 = arith.constant 0 : i32
      %dma_wait3A_120 = tpu.memref_slice %arg6[%dma_wait3A, %dma_wait3A_119] : memref<128x16xf32, #tpu.memory_space<vmem>> -> memref<32x16xf32, #tpu.memory_space<vmem>>
      %dma_wait3A_121 = arith.constant 0 : i32
      %dma_wait3A_122 = tpu.memref_slice %arg7[%add3A_31, %dma_wait3A_121] : memref<2688x16xf32, #tpu.memory_space<vmem_shared>> -> memref<32x16xf32, #tpu.memory_space<vmem_shared>>
      %dma_wait3A_123 = arith.constant 0 : i32
      %dma_wait3A_124 = arith.constant 0 : i32
      %dma_wait3A_125 = tpu.memref_slice %arg6[%dma_wait3A_123, %dma_wait3A_124] : memref<128x16xf32, #tpu.memory_space<vmem>> -> memref<32x16xf32, #tpu.memory_space<vmem>>
      %dma_wait3A_126 = arith.constant 0 : i32
      %dma_wait3A_127 = tpu.memref_slice %arg7[%add3A_31, %dma_wait3A_126] : memref<2688x16xf32, #tpu.memory_space<vmem_shared>> -> memref<32x16xf32, #tpu.memory_space<vmem_shared>>
      tpu.wait_dma2 semaphore(%run_scoped3A_109 : memref<!tpu.dma_semaphore, #tpu.memory_space<semaphore_mem>>) src(%dma_wait3A_127 : memref<32x16xf32, #tpu.memory_space<vmem_shared>>) dst(%dma_wait3A_125 : memref<32x16xf32, #tpu.memory_space<vmem>>)
      tpu.yield
    }) : () -> ()
    %add3A_32 = arith.constant 0 : i32
    %add3A_33 = arith.addi %add3A_32, %mul3A_27 : i32
    %add3A_34 = arith.constant 128 : i32
    %add3A_35 = arith.addi %add3A_33, %add3A_34 : i32
    "tpu.region"() ({
      %run_scoped3A_109 = tpu.sem_alloc : memref<!tpu.dma_semaphore, #tpu.memory_space<semaphore_mem>>
      %dma_start3A = arith.constant 0 : i32
      %dma_start3A_110 = arith.constant 0 : i32
      %dma_start3A_111 = tpu.memref_slice %arg6[%dma_start3A, %dma_start3A_110] : memref<128x16xf32, #tpu.memory_space<vmem>> -> memref<32x16xf32, #tpu.memory_space<vmem>>
      %dma_start3A_112 = arith.constant 0 : i32
      %dma_start3A_113 = tpu.memref_slice %arg3[%arg0, %add3A_35, %dma_start3A_112] : memref<2x10240x16xf32, #tpu.memory_space<hbm>> -> memref<1x32x16xf32, #tpu.memory_space<hbm>>
      %dma_start3A_114 = tpu.memref_squeeze %dma_start3A_113 : memref<1x32x16xf32, #tpu.memory_space<hbm>> -> memref<32x16xf32, #tpu.memory_space<hbm>>
      %dma_start3A_115 = arith.constant 0 : i32
      %dma_start3A_116 = tpu.memref_slice %arg3[%arg0, %add3A_35, %dma_start3A_115] : memref<2x10240x16xf32, #tpu.memory_space<hbm>> -> memref<1x32x16xf32, #tpu.memory_space<hbm>>
      %dma_start3A_117 = tpu.memref_squeeze %dma_start3A_116 : memref<1x32x16xf32, #tpu.memory_space<hbm>> -> memref<32x16xf32, #tpu.memory_space<hbm>>
      %dma_start3A_118 = arith.constant 0 : i32
      %dma_start3A_119 = arith.constant 0 : i32
      %dma_start3A_120 = tpu.memref_slice %arg6[%dma_start3A_118, %dma_start3A_119] : memref<128x16xf32, #tpu.memory_space<vmem>> -> memref<32x16xf32, #tpu.memory_space<vmem>>
      tpu.enqueue_dma source(%dma_start3A_120 : memref<32x16xf32, #tpu.memory_space<vmem>>) target(%dma_start3A_117 : memref<32x16xf32, #tpu.memory_space<hbm>>) target_semaphore(%run_scoped3A_109 : memref<!tpu.dma_semaphore, #tpu.memory_space<semaphore_mem>>)
      %dma_wait3A = arith.constant 0 : i32
      %dma_wait3A_121 = arith.constant 0 : i32
      %dma_wait3A_122 = tpu.memref_slice %arg6[%dma_wait3A, %dma_wait3A_121] : memref<128x16xf32, #tpu.memory_space<vmem>> -> memref<32x16xf32, #tpu.memory_space<vmem>>
      %dma_wait3A_123 = arith.constant 0 : i32
      %dma_wait3A_124 = tpu.memref_slice %arg3[%arg0, %add3A_35, %dma_wait3A_123] : memref<2x10240x16xf32, #tpu.memory_space<hbm>> -> memref<1x32x16xf32, #tpu.memory_space<hbm>>
      %dma_wait3A_125 = tpu.memref_squeeze %dma_wait3A_124 : memref<1x32x16xf32, #tpu.memory_space<hbm>> -> memref<32x16xf32, #tpu.memory_space<hbm>>
      %dma_wait3A_126 = arith.constant 0 : i32
      %dma_wait3A_127 = tpu.memref_slice %arg3[%arg0, %add3A_35, %dma_wait3A_126] : memref<2x10240x16xf32, #tpu.memory_space<hbm>> -> memref<1x32x16xf32, #tpu.memory_space<hbm>>
      %dma_wait3A_128 = tpu.memref_squeeze %dma_wait3A_127 : memref<1x32x16xf32, #tpu.memory_space<hbm>> -> memref<32x16xf32, #tpu.memory_space<hbm>>
      %dma_wait3A_129 = arith.constant 0 : i32
      %dma_wait3A_130 = arith.constant 0 : i32
      %dma_wait3A_131 = tpu.memref_slice %arg6[%dma_wait3A_129, %dma_wait3A_130] : memref<128x16xf32, #tpu.memory_space<vmem>> -> memref<32x16xf32, #tpu.memory_space<vmem>>
      tpu.wait_dma2 semaphore(%run_scoped3A_109 : memref<!tpu.dma_semaphore, #tpu.memory_space<semaphore_mem>>) src(%dma_wait3A_131 : memref<32x16xf32, #tpu.memory_space<vmem>>) dst(%dma_wait3A_128 : memref<32x16xf32, #tpu.memory_space<hbm>>)
      tpu.yield
    }) : () -> ()
    %barrier3A_36 = arith.constant 0 : index
    tpu.barrier barrier_id(%barrier3A_36)
    %mul3A_37 = arith.constant 168 : i32
    %mul3A_38 = arith.muli %arg1, %mul3A_37 : i32
    "tpu.region"() ({
      %run_scoped3A_109 = tpu.sem_alloc : memref<!tpu.dma_semaphore, #tpu.memory_space<semaphore_mem>>
      %dma_start3A = arith.constant 0 : i32
      %dma_start3A_110 = tpu.memref_slice %arg7[%mul3A_38, %dma_start3A] : memref<2688x16xf32, #tpu.memory_space<vmem_shared>> -> memref<128x16xf32, #tpu.memory_space<vmem_shared>>
      %dma_start3A_111 = arith.constant 0 : i32
      %dma_start3A_112 = tpu.memref_slice %arg7[%mul3A_38, %dma_start3A_111] : memref<2688x16xf32, #tpu.memory_space<vmem_shared>> -> memref<128x16xf32, #tpu.memory_space<vmem_shared>>
      tpu.enqueue_dma source(%arg6 : memref<128x16xf32, #tpu.memory_space<vmem>>) target(%dma_start3A_112 : memref<128x16xf32, #tpu.memory_space<vmem_shared>>) target_semaphore(%run_scoped3A_109 : memref<!tpu.dma_semaphore, #tpu.memory_space<semaphore_mem>>)
      %dma_wait3A = arith.constant 0 : i32
      %dma_wait3A_113 = tpu.memref_slice %arg7[%mul3A_38, %dma_wait3A] : memref<2688x16xf32, #tpu.memory_space<vmem_shared>> -> memref<128x16xf32, #tpu.memory_space<vmem_shared>>
      %dma_wait3A_114 = arith.constant 0 : i32
      %dma_wait3A_115 = tpu.memref_slice %arg7[%mul3A_38, %dma_wait3A_114] : memref<2688x16xf32, #tpu.memory_space<vmem_shared>> -> memref<128x16xf32, #tpu.memory_space<vmem_shared>>
      tpu.wait_dma2 semaphore(%run_scoped3A_109 : memref<!tpu.dma_semaphore, #tpu.memory_space<semaphore_mem>>) src(%arg6 : memref<128x16xf32, #tpu.memory_space<vmem>>) dst(%dma_wait3A_115 : memref<128x16xf32, #tpu.memory_space<vmem_shared>>)
      tpu.yield
    }) : () -> ()
    %add3A_39 = arith.constant 128 : i32
    %add3A_40 = arith.addi %mul3A_38, %add3A_39 : i32
    "tpu.region"() ({
      %run_scoped3A_109 = tpu.sem_alloc : memref<!tpu.dma_semaphore, #tpu.memory_space<semaphore_mem>>
      %dma_start3A = arith.constant 0 : i32
      %dma_start3A_110 = arith.constant 0 : i32
      %dma_start3A_111 = tpu.memref_slice %arg6[%dma_start3A, %dma_start3A_110] : memref<128x16xf32, #tpu.memory_space<vmem>> -> memref<40x16xf32, #tpu.memory_space<vmem>>
      %dma_start3A_112 = arith.constant 0 : i32
      %dma_start3A_113 = tpu.memref_slice %arg7[%add3A_40, %dma_start3A_112] : memref<2688x16xf32, #tpu.memory_space<vmem_shared>> -> memref<40x16xf32, #tpu.memory_space<vmem_shared>>
      %dma_start3A_114 = arith.constant 0 : i32
      %dma_start3A_115 = tpu.memref_slice %arg7[%add3A_40, %dma_start3A_114] : memref<2688x16xf32, #tpu.memory_space<vmem_shared>> -> memref<40x16xf32, #tpu.memory_space<vmem_shared>>
      %dma_start3A_116 = arith.constant 0 : i32
      %dma_start3A_117 = arith.constant 0 : i32
      %dma_start3A_118 = tpu.memref_slice %arg6[%dma_start3A_116, %dma_start3A_117] : memref<128x16xf32, #tpu.memory_space<vmem>> -> memref<40x16xf32, #tpu.memory_space<vmem>>
      tpu.enqueue_dma source(%dma_start3A_118 : memref<40x16xf32, #tpu.memory_space<vmem>>) target(%dma_start3A_115 : memref<40x16xf32, #tpu.memory_space<vmem_shared>>) target_semaphore(%run_scoped3A_109 : memref<!tpu.dma_semaphore, #tpu.memory_space<semaphore_mem>>)
      %dma_wait3A = arith.constant 0 : i32
      %dma_wait3A_119 = arith.constant 0 : i32
      %dma_wait3A_120 = tpu.memref_slice %arg6[%dma_wait3A, %dma_wait3A_119] : memref<128x16xf32, #tpu.memory_space<vmem>> -> memref<40x16xf32, #tpu.memory_space<vmem>>
      %dma_wait3A_121 = arith.constant 0 : i32
      %dma_wait3A_122 = tpu.memref_slice %arg7[%add3A_40, %dma_wait3A_121] : memref<2688x16xf32, #tpu.memory_space<vmem_shared>> -> memref<40x16xf32, #tpu.memory_space<vmem_shared>>
      %dma_wait3A_123 = arith.constant 0 : i32
      %dma_wait3A_124 = tpu.memref_slice %arg7[%add3A_40, %dma_wait3A_123] : memref<2688x16xf32, #tpu.memory_space<vmem_shared>> -> memref<40x16xf32, #tpu.memory_space<vmem_shared>>
      %dma_wait3A_125 = arith.constant 0 : i32
      %dma_wait3A_126 = arith.constant 0 : i32
      %dma_wait3A_127 = tpu.memref_slice %arg6[%dma_wait3A_125, %dma_wait3A_126] : memref<128x16xf32, #tpu.memory_space<vmem>> -> memref<40x16xf32, #tpu.memory_space<vmem>>
      tpu.wait_dma2 semaphore(%run_scoped3A_109 : memref<!tpu.dma_semaphore, #tpu.memory_space<semaphore_mem>>) src(%dma_wait3A_127 : memref<40x16xf32, #tpu.memory_space<vmem>>) dst(%dma_wait3A_124 : memref<40x16xf32, #tpu.memory_space<vmem_shared>>)
      tpu.yield
    }) : () -> ()
    %run_scoped3A_41 = arith.constant 1 : i32
    "tpu.region"() ({
      %run_scoped3A_109 = tpu.sem_alloc : memref<!tpu.dma_semaphore, #tpu.memory_space<semaphore_mem>>
      %dma_start3A = arith.constant 0 : i32
      %dma_start3A_110 = arith.constant 0 : i32
      %dma_start3A_111 = tpu.memref_slice %arg2[%run_scoped3A_41, %add3A, %dma_start3A, %dma_start3A_110] : memref<4x32x80x125xi32, #tpu.memory_space<hbm>> -> memref<1x1x80x125xi32, #tpu.memory_space<hbm>>
      %dma_start3A_112 = tpu.memref_squeeze %dma_start3A_111 : memref<1x1x80x125xi32, #tpu.memory_space<hbm>> -> memref<80x125xi32, #tpu.memory_space<hbm>>
      %dma_start3A_113 = arith.constant 0 : i32
      %dma_start3A_114 = arith.constant 0 : i32
      %dma_start3A_115 = tpu.memref_slice %arg2[%run_scoped3A_41, %add3A, %dma_start3A_113, %dma_start3A_114] : memref<4x32x80x125xi32, #tpu.memory_space<hbm>> -> memref<1x1x80x125xi32, #tpu.memory_space<hbm>>
      %dma_start3A_116 = tpu.memref_squeeze %dma_start3A_115 : memref<1x1x80x125xi32, #tpu.memory_space<hbm>> -> memref<80x125xi32, #tpu.memory_space<hbm>>
      tpu.enqueue_dma source(%dma_start3A_116 : memref<80x125xi32, #tpu.memory_space<hbm>>) target(%arg4 : memref<80x125xi32, #tpu.memory_space<vmem>>) target_semaphore(%run_scoped3A_109 : memref<!tpu.dma_semaphore, #tpu.memory_space<semaphore_mem>>)
      %dma_wait3A = arith.constant 0 : i32
      %dma_wait3A_117 = arith.constant 0 : i32
      %dma_wait3A_118 = tpu.memref_slice %arg2[%run_scoped3A_41, %add3A, %dma_wait3A, %dma_wait3A_117] : memref<4x32x80x125xi32, #tpu.memory_space<hbm>> -> memref<1x1x80x125xi32, #tpu.memory_space<hbm>>
      %dma_wait3A_119 = tpu.memref_squeeze %dma_wait3A_118 : memref<1x1x80x125xi32, #tpu.memory_space<hbm>> -> memref<80x125xi32, #tpu.memory_space<hbm>>
      %dma_wait3A_120 = arith.constant 0 : i32
      %dma_wait3A_121 = arith.constant 0 : i32
      %dma_wait3A_122 = tpu.memref_slice %arg2[%run_scoped3A_41, %add3A, %dma_wait3A_120, %dma_wait3A_121] : memref<4x32x80x125xi32, #tpu.memory_space<hbm>> -> memref<1x1x80x125xi32, #tpu.memory_space<hbm>>
      %dma_wait3A_123 = tpu.memref_squeeze %dma_wait3A_122 : memref<1x1x80x125xi32, #tpu.memory_space<hbm>> -> memref<80x125xi32, #tpu.memory_space<hbm>>
      tpu.wait_dma2 semaphore(%run_scoped3A_109 : memref<!tpu.dma_semaphore, #tpu.memory_space<semaphore_mem>>) src(%dma_wait3A_123 : memref<80x125xi32, #tpu.memory_space<hbm>>) dst(%arg4 : memref<80x125xi32, #tpu.memory_space<vmem>>)
      tpu.yield
    }) : () -> ()
    %barrier3A_42 = arith.constant 0 : index
    tpu.barrier barrier_id(%barrier3A_42)
    %scan3A_43 = arith.constant 0 : i32
    %scan3A_44 = arith.constant 0 : i32
    %scan3A_45 = arith.constant 80 : i32
    %scan3A_46 = arith.addi %scan3A_44, %scan3A_45 : i32
    %scan3A_47 = arith.constant 1 : i32
    scf.for %scan3A_109 = %scan3A_44 to %scan3A_46 step %scan3A_47  : i32 {
      "tpu.region"() ({
        %run_scoped3A_110 = tpu.sem_alloc : memref<!tpu.dma_semaphore, #tpu.memory_space<semaphore_mem>>
        %dma_start3A = arith.constant 0 : i32
        %dma_start3A_111 = tpu.memref_slice %arg4[%scan3A_109, %dma_start3A] : memref<80x125xi32, #tpu.memory_space<vmem>> -> memref<1x125xi32, #tpu.memory_space<vmem>>
        %dma_start3A_112 = tpu.memref_squeeze %dma_start3A_111 : memref<1x125xi32, #tpu.memory_space<vmem>> -> memref<125xi32, #tpu.memory_space<vmem>>
        %dma_start3A_113 = arith.constant 0 : i32
        %dma_start3A_114 = arith.constant 0 : i32
        %dma_start3A_115 = tpu.memref_slice %arg7[%dma_start3A_113, %dma_start3A_114] : memref<2688x16xf32, #tpu.memory_space<vmem_shared>> -> memref<2688x16xf32, #tpu.memory_space<vmem_shared>>
        tpu.enqueue_indirect_dma source(%arg5 : memref<125x16xf32, #tpu.memory_space<vmem>>) target(%dma_start3A_115 : memref<2688x16xf32, #tpu.memory_space<vmem_shared>>) offsets(%dma_start3A_112 : memref<125xi32, #tpu.memory_space<vmem>>) semaphore(%run_scoped3A_110 : memref<!tpu.dma_semaphore, #tpu.memory_space<semaphore_mem>>) {add = true}
        %dma_wait3A = arith.constant 0 : i32
        %dma_wait3A_116 = tpu.memref_slice %arg4[%scan3A_109, %dma_wait3A] : memref<80x125xi32, #tpu.memory_space<vmem>> -> memref<1x125xi32, #tpu.memory_space<vmem>>
        %dma_wait3A_117 = tpu.memref_squeeze %dma_wait3A_116 : memref<1x125xi32, #tpu.memory_space<vmem>> -> memref<125xi32, #tpu.memory_space<vmem>>
        %dma_wait3A_118 = arith.constant 0 : i32
        %dma_wait3A_119 = arith.constant 0 : i32
        %dma_wait3A_120 = tpu.memref_slice %arg7[%dma_wait3A_118, %dma_wait3A_119] : memref<2688x16xf32, #tpu.memory_space<vmem_shared>> -> memref<2688x16xf32, #tpu.memory_space<vmem_shared>>
        tpu.wait_indirect_dma semaphore(%run_scoped3A_110 : memref<!tpu.dma_semaphore, #tpu.memory_space<semaphore_mem>>) src(%arg5 : memref<125x16xf32, #tpu.memory_space<vmem>>) dst(%dma_wait3A_120 : memref<2688x16xf32, #tpu.memory_space<vmem_shared>>)
        tpu.yield
      }) : () -> ()
    }
    %scan3A_48 = arith.constant 80 : i32
    %barrier3A_49 = arith.constant 0 : index
    tpu.barrier barrier_id(%barrier3A_49)
    %mul3A_50 = arith.constant 160 : i32
    %mul3A_51 = arith.muli %arg1, %mul3A_50 : i32
    "tpu.region"() ({
      %run_scoped3A_109 = tpu.sem_alloc : memref<!tpu.dma_semaphore, #tpu.memory_space<semaphore_mem>>
      %dma_start3A = arith.constant 0 : i32
      %dma_start3A_110 = tpu.memref_slice %arg7[%mul3A_51, %dma_start3A] : memref<2688x16xf32, #tpu.memory_space<vmem_shared>> -> memref<128x16xf32, #tpu.memory_space<vmem_shared>>
      %dma_start3A_111 = arith.constant 0 : i32
      %dma_start3A_112 = tpu.memref_slice %arg7[%mul3A_51, %dma_start3A_111] : memref<2688x16xf32, #tpu.memory_space<vmem_shared>> -> memref<128x16xf32, #tpu.memory_space<vmem_shared>>
      tpu.enqueue_dma source(%dma_start3A_112 : memref<128x16xf32, #tpu.memory_space<vmem_shared>>) target(%arg6 : memref<128x16xf32, #tpu.memory_space<vmem>>) target_semaphore(%run_scoped3A_109 : memref<!tpu.dma_semaphore, #tpu.memory_space<semaphore_mem>>)
      %dma_wait3A = arith.constant 0 : i32
      %dma_wait3A_113 = tpu.memref_slice %arg7[%mul3A_51, %dma_wait3A] : memref<2688x16xf32, #tpu.memory_space<vmem_shared>> -> memref<128x16xf32, #tpu.memory_space<vmem_shared>>
      %dma_wait3A_114 = arith.constant 0 : i32
      %dma_wait3A_115 = tpu.memref_slice %arg7[%mul3A_51, %dma_wait3A_114] : memref<2688x16xf32, #tpu.memory_space<vmem_shared>> -> memref<128x16xf32, #tpu.memory_space<vmem_shared>>
      tpu.wait_dma2 semaphore(%run_scoped3A_109 : memref<!tpu.dma_semaphore, #tpu.memory_space<semaphore_mem>>) src(%dma_wait3A_115 : memref<128x16xf32, #tpu.memory_space<vmem_shared>>) dst(%arg6 : memref<128x16xf32, #tpu.memory_space<vmem>>)
      tpu.yield
    }) : () -> ()
    %add3A_52 = arith.constant 2560 : i32
    %add3A_53 = arith.addi %add3A_52, %mul3A_51 : i32
    "tpu.region"() ({
      %run_scoped3A_109 = tpu.sem_alloc : memref<!tpu.dma_semaphore, #tpu.memory_space<semaphore_mem>>
      %dma_start3A = arith.constant 0 : i32
      %dma_start3A_110 = tpu.memref_slice %arg3[%arg0, %add3A_53, %dma_start3A] : memref<2x10240x16xf32, #tpu.memory_space<hbm>> -> memref<1x128x16xf32, #tpu.memory_space<hbm>>
      %dma_start3A_111 = tpu.memref_squeeze %dma_start3A_110 : memref<1x128x16xf32, #tpu.memory_space<hbm>> -> memref<128x16xf32, #tpu.memory_space<hbm>>
      %dma_start3A_112 = arith.constant 0 : i32
      %dma_start3A_113 = tpu.memref_slice %arg3[%arg0, %add3A_53, %dma_start3A_112] : memref<2x10240x16xf32, #tpu.memory_space<hbm>> -> memref<1x128x16xf32, #tpu.memory_space<hbm>>
      %dma_start3A_114 = tpu.memref_squeeze %dma_start3A_113 : memref<1x128x16xf32, #tpu.memory_space<hbm>> -> memref<128x16xf32, #tpu.memory_space<hbm>>
      tpu.enqueue_dma source(%arg6 : memref<128x16xf32, #tpu.memory_space<vmem>>) target(%dma_start3A_114 : memref<128x16xf32, #tpu.memory_space<hbm>>) target_semaphore(%run_scoped3A_109 : memref<!tpu.dma_semaphore, #tpu.memory_space<semaphore_mem>>)
      %dma_wait3A = arith.constant 0 : i32
      %dma_wait3A_115 = tpu.memref_slice %arg3[%arg0, %add3A_53, %dma_wait3A] : memref<2x10240x16xf32, #tpu.memory_space<hbm>> -> memref<1x128x16xf32, #tpu.memory_space<hbm>>
      %dma_wait3A_116 = tpu.memref_squeeze %dma_wait3A_115 : memref<1x128x16xf32, #tpu.memory_space<hbm>> -> memref<128x16xf32, #tpu.memory_space<hbm>>
      %dma_wait3A_117 = arith.constant 0 : i32
      %dma_wait3A_118 = tpu.memref_slice %arg3[%arg0, %add3A_53, %dma_wait3A_117] : memref<2x10240x16xf32, #tpu.memory_space<hbm>> -> memref<1x128x16xf32, #tpu.memory_space<hbm>>
      %dma_wait3A_119 = tpu.memref_squeeze %dma_wait3A_118 : memref<1x128x16xf32, #tpu.memory_space<hbm>> -> memref<128x16xf32, #tpu.memory_space<hbm>>
      tpu.wait_dma2 semaphore(%run_scoped3A_109 : memref<!tpu.dma_semaphore, #tpu.memory_space<semaphore_mem>>) src(%arg6 : memref<128x16xf32, #tpu.memory_space<vmem>>) dst(%dma_wait3A_119 : memref<128x16xf32, #tpu.memory_space<hbm>>)
      tpu.yield
    }) : () -> ()
    %add3A_54 = arith.constant 128 : i32
    %add3A_55 = arith.addi %mul3A_51, %add3A_54 : i32
    "tpu.region"() ({
      %run_scoped3A_109 = tpu.sem_alloc : memref<!tpu.dma_semaphore, #tpu.memory_space<semaphore_mem>>
      %dma_start3A = arith.constant 0 : i32
      %dma_start3A_110 = arith.constant 0 : i32
      %dma_start3A_111 = tpu.memref_slice %arg6[%dma_start3A, %dma_start3A_110] : memref<128x16xf32, #tpu.memory_space<vmem>> -> memref<32x16xf32, #tpu.memory_space<vmem>>
      %dma_start3A_112 = arith.constant 0 : i32
      %dma_start3A_113 = tpu.memref_slice %arg7[%add3A_55, %dma_start3A_112] : memref<2688x16xf32, #tpu.memory_space<vmem_shared>> -> memref<32x16xf32, #tpu.memory_space<vmem_shared>>
      %dma_start3A_114 = arith.constant 0 : i32
      %dma_start3A_115 = arith.constant 0 : i32
      %dma_start3A_116 = tpu.memref_slice %arg6[%dma_start3A_114, %dma_start3A_115] : memref<128x16xf32, #tpu.memory_space<vmem>> -> memref<32x16xf32, #tpu.memory_space<vmem>>
      %dma_start3A_117 = arith.constant 0 : i32
      %dma_start3A_118 = tpu.memref_slice %arg7[%add3A_55, %dma_start3A_117] : memref<2688x16xf32, #tpu.memory_space<vmem_shared>> -> memref<32x16xf32, #tpu.memory_space<vmem_shared>>
      tpu.enqueue_dma source(%dma_start3A_118 : memref<32x16xf32, #tpu.memory_space<vmem_shared>>) target(%dma_start3A_116 : memref<32x16xf32, #tpu.memory_space<vmem>>) target_semaphore(%run_scoped3A_109 : memref<!tpu.dma_semaphore, #tpu.memory_space<semaphore_mem>>)
      %dma_wait3A = arith.constant 0 : i32
      %dma_wait3A_119 = arith.constant 0 : i32
      %dma_wait3A_120 = tpu.memref_slice %arg6[%dma_wait3A, %dma_wait3A_119] : memref<128x16xf32, #tpu.memory_space<vmem>> -> memref<32x16xf32, #tpu.memory_space<vmem>>
      %dma_wait3A_121 = arith.constant 0 : i32
      %dma_wait3A_122 = tpu.memref_slice %arg7[%add3A_55, %dma_wait3A_121] : memref<2688x16xf32, #tpu.memory_space<vmem_shared>> -> memref<32x16xf32, #tpu.memory_space<vmem_shared>>
      %dma_wait3A_123 = arith.constant 0 : i32
      %dma_wait3A_124 = arith.constant 0 : i32
      %dma_wait3A_125 = tpu.memref_slice %arg6[%dma_wait3A_123, %dma_wait3A_124] : memref<128x16xf32, #tpu.memory_space<vmem>> -> memref<32x16xf32, #tpu.memory_space<vmem>>
      %dma_wait3A_126 = arith.constant 0 : i32
      %dma_wait3A_127 = tpu.memref_slice %arg7[%add3A_55, %dma_wait3A_126] : memref<2688x16xf32, #tpu.memory_space<vmem_shared>> -> memref<32x16xf32, #tpu.memory_space<vmem_shared>>
      tpu.wait_dma2 semaphore(%run_scoped3A_109 : memref<!tpu.dma_semaphore, #tpu.memory_space<semaphore_mem>>) src(%dma_wait3A_127 : memref<32x16xf32, #tpu.memory_space<vmem_shared>>) dst(%dma_wait3A_125 : memref<32x16xf32, #tpu.memory_space<vmem>>)
      tpu.yield
    }) : () -> ()
    %add3A_56 = arith.constant 2560 : i32
    %add3A_57 = arith.addi %add3A_56, %mul3A_51 : i32
    %add3A_58 = arith.constant 128 : i32
    %add3A_59 = arith.addi %add3A_57, %add3A_58 : i32
    "tpu.region"() ({
      %run_scoped3A_109 = tpu.sem_alloc : memref<!tpu.dma_semaphore, #tpu.memory_space<semaphore_mem>>
      %dma_start3A = arith.constant 0 : i32
      %dma_start3A_110 = arith.constant 0 : i32
      %dma_start3A_111 = tpu.memref_slice %arg6[%dma_start3A, %dma_start3A_110] : memref<128x16xf32, #tpu.memory_space<vmem>> -> memref<32x16xf32, #tpu.memory_space<vmem>>
      %dma_start3A_112 = arith.constant 0 : i32
      %dma_start3A_113 = tpu.memref_slice %arg3[%arg0, %add3A_59, %dma_start3A_112] : memref<2x10240x16xf32, #tpu.memory_space<hbm>> -> memref<1x32x16xf32, #tpu.memory_space<hbm>>
      %dma_start3A_114 = tpu.memref_squeeze %dma_start3A_113 : memref<1x32x16xf32, #tpu.memory_space<hbm>> -> memref<32x16xf32, #tpu.memory_space<hbm>>
      %dma_start3A_115 = arith.constant 0 : i32
      %dma_start3A_116 = tpu.memref_slice %arg3[%arg0, %add3A_59, %dma_start3A_115] : memref<2x10240x16xf32, #tpu.memory_space<hbm>> -> memref<1x32x16xf32, #tpu.memory_space<hbm>>
      %dma_start3A_117 = tpu.memref_squeeze %dma_start3A_116 : memref<1x32x16xf32, #tpu.memory_space<hbm>> -> memref<32x16xf32, #tpu.memory_space<hbm>>
      %dma_start3A_118 = arith.constant 0 : i32
      %dma_start3A_119 = arith.constant 0 : i32
      %dma_start3A_120 = tpu.memref_slice %arg6[%dma_start3A_118, %dma_start3A_119] : memref<128x16xf32, #tpu.memory_space<vmem>> -> memref<32x16xf32, #tpu.memory_space<vmem>>
      tpu.enqueue_dma source(%dma_start3A_120 : memref<32x16xf32, #tpu.memory_space<vmem>>) target(%dma_start3A_117 : memref<32x16xf32, #tpu.memory_space<hbm>>) target_semaphore(%run_scoped3A_109 : memref<!tpu.dma_semaphore, #tpu.memory_space<semaphore_mem>>)
      %dma_wait3A = arith.constant 0 : i32
      %dma_wait3A_121 = arith.constant 0 : i32
      %dma_wait3A_122 = tpu.memref_slice %arg6[%dma_wait3A, %dma_wait3A_121] : memref<128x16xf32, #tpu.memory_space<vmem>> -> memref<32x16xf32, #tpu.memory_space<vmem>>
      %dma_wait3A_123 = arith.constant 0 : i32
      %dma_wait3A_124 = tpu.memref_slice %arg3[%arg0, %add3A_59, %dma_wait3A_123] : memref<2x10240x16xf32, #tpu.memory_space<hbm>> -> memref<1x32x16xf32, #tpu.memory_space<hbm>>
      %dma_wait3A_125 = tpu.memref_squeeze %dma_wait3A_124 : memref<1x32x16xf32, #tpu.memory_space<hbm>> -> memref<32x16xf32, #tpu.memory_space<hbm>>
      %dma_wait3A_126 = arith.constant 0 : i32
      %dma_wait3A_127 = tpu.memref_slice %arg3[%arg0, %add3A_59, %dma_wait3A_126] : memref<2x10240x16xf32, #tpu.memory_space<hbm>> -> memref<1x32x16xf32, #tpu.memory_space<hbm>>
      %dma_wait3A_128 = tpu.memref_squeeze %dma_wait3A_127 : memref<1x32x16xf32, #tpu.memory_space<hbm>> -> memref<32x16xf32, #tpu.memory_space<hbm>>
      %dma_wait3A_129 = arith.constant 0 : i32
      %dma_wait3A_130 = arith.constant 0 : i32
      %dma_wait3A_131 = tpu.memref_slice %arg6[%dma_wait3A_129, %dma_wait3A_130] : memref<128x16xf32, #tpu.memory_space<vmem>> -> memref<32x16xf32, #tpu.memory_space<vmem>>
      tpu.wait_dma2 semaphore(%run_scoped3A_109 : memref<!tpu.dma_semaphore, #tpu.memory_space<semaphore_mem>>) src(%dma_wait3A_131 : memref<32x16xf32, #tpu.memory_space<vmem>>) dst(%dma_wait3A_128 : memref<32x16xf32, #tpu.memory_space<hbm>>)
      tpu.yield
    }) : () -> ()
    %barrier3A_60 = arith.constant 0 : index
    tpu.barrier barrier_id(%barrier3A_60)
    %mul3A_61 = arith.constant 168 : i32
    %mul3A_62 = arith.muli %arg1, %mul3A_61 : i32
    "tpu.region"() ({
      %run_scoped3A_109 = tpu.sem_alloc : memref<!tpu.dma_semaphore, #tpu.memory_space<semaphore_mem>>
      %dma_start3A = arith.constant 0 : i32
      %dma_start3A_110 = tpu.memref_slice %arg7[%mul3A_62, %dma_start3A] : memref<2688x16xf32, #tpu.memory_space<vmem_shared>> -> memref<128x16xf32, #tpu.memory_space<vmem_shared>>
      %dma_start3A_111 = arith.constant 0 : i32
      %dma_start3A_112 = tpu.memref_slice %arg7[%mul3A_62, %dma_start3A_111] : memref<2688x16xf32, #tpu.memory_space<vmem_shared>> -> memref<128x16xf32, #tpu.memory_space<vmem_shared>>
      tpu.enqueue_dma source(%arg6 : memref<128x16xf32, #tpu.memory_space<vmem>>) target(%dma_start3A_112 : memref<128x16xf32, #tpu.memory_space<vmem_shared>>) target_semaphore(%run_scoped3A_109 : memref<!tpu.dma_semaphore, #tpu.memory_space<semaphore_mem>>)
      %dma_wait3A = arith.constant 0 : i32
      %dma_wait3A_113 = tpu.memref_slice %arg7[%mul3A_62, %dma_wait3A] : memref<2688x16xf32, #tpu.memory_space<vmem_shared>> -> memref<128x16xf32, #tpu.memory_space<vmem_shared>>
      %dma_wait3A_114 = arith.constant 0 : i32
      %dma_wait3A_115 = tpu.memref_slice %arg7[%mul3A_62, %dma_wait3A_114] : memref<2688x16xf32, #tpu.memory_space<vmem_shared>> -> memref<128x16xf32, #tpu.memory_space<vmem_shared>>
      tpu.wait_dma2 semaphore(%run_scoped3A_109 : memref<!tpu.dma_semaphore, #tpu.memory_space<semaphore_mem>>) src(%arg6 : memref<128x16xf32, #tpu.memory_space<vmem>>) dst(%dma_wait3A_115 : memref<128x16xf32, #tpu.memory_space<vmem_shared>>)
      tpu.yield
    }) : () -> ()
    %add3A_63 = arith.constant 128 : i32
    %add3A_64 = arith.addi %mul3A_62, %add3A_63 : i32
    "tpu.region"() ({
      %run_scoped3A_109 = tpu.sem_alloc : memref<!tpu.dma_semaphore, #tpu.memory_space<semaphore_mem>>
      %dma_start3A = arith.constant 0 : i32
      %dma_start3A_110 = arith.constant 0 : i32
      %dma_start3A_111 = tpu.memref_slice %arg6[%dma_start3A, %dma_start3A_110] : memref<128x16xf32, #tpu.memory_space<vmem>> -> memref<40x16xf32, #tpu.memory_space<vmem>>
      %dma_start3A_112 = arith.constant 0 : i32
      %dma_start3A_113 = tpu.memref_slice %arg7[%add3A_64, %dma_start3A_112] : memref<2688x16xf32, #tpu.memory_space<vmem_shared>> -> memref<40x16xf32, #tpu.memory_space<vmem_shared>>
      %dma_start3A_114 = arith.constant 0 : i32
      %dma_start3A_115 = tpu.memref_slice %arg7[%add3A_64, %dma_start3A_114] : memref<2688x16xf32, #tpu.memory_space<vmem_shared>> -> memref<40x16xf32, #tpu.memory_space<vmem_shared>>
      %dma_start3A_116 = arith.constant 0 : i32
      %dma_start3A_117 = arith.constant 0 : i32
      %dma_start3A_118 = tpu.memref_slice %arg6[%dma_start3A_116, %dma_start3A_117] : memref<128x16xf32, #tpu.memory_space<vmem>> -> memref<40x16xf32, #tpu.memory_space<vmem>>
      tpu.enqueue_dma source(%dma_start3A_118 : memref<40x16xf32, #tpu.memory_space<vmem>>) target(%dma_start3A_115 : memref<40x16xf32, #tpu.memory_space<vmem_shared>>) target_semaphore(%run_scoped3A_109 : memref<!tpu.dma_semaphore, #tpu.memory_space<semaphore_mem>>)
      %dma_wait3A = arith.constant 0 : i32
      %dma_wait3A_119 = arith.constant 0 : i32
      %dma_wait3A_120 = tpu.memref_slice %arg6[%dma_wait3A, %dma_wait3A_119] : memref<128x16xf32, #tpu.memory_space<vmem>> -> memref<40x16xf32, #tpu.memory_space<vmem>>
      %dma_wait3A_121 = arith.constant 0 : i32
      %dma_wait3A_122 = tpu.memref_slice %arg7[%add3A_64, %dma_wait3A_121] : memref<2688x16xf32, #tpu.memory_space<vmem_shared>> -> memref<40x16xf32, #tpu.memory_space<vmem_shared>>
      %dma_wait3A_123 = arith.constant 0 : i32
      %dma_wait3A_124 = tpu.memref_slice %arg7[%add3A_64, %dma_wait3A_123] : memref<2688x16xf32, #tpu.memory_space<vmem_shared>> -> memref<40x16xf32, #tpu.memory_space<vmem_shared>>
      %dma_wait3A_125 = arith.constant 0 : i32
      %dma_wait3A_126 = arith.constant 0 : i32
      %dma_wait3A_127 = tpu.memref_slice %arg6[%dma_wait3A_125, %dma_wait3A_126] : memref<128x16xf32, #tpu.memory_space<vmem>> -> memref<40x16xf32, #tpu.memory_space<vmem>>
      tpu.wait_dma2 semaphore(%run_scoped3A_109 : memref<!tpu.dma_semaphore, #tpu.memory_space<semaphore_mem>>) src(%dma_wait3A_127 : memref<40x16xf32, #tpu.memory_space<vmem>>) dst(%dma_wait3A_124 : memref<40x16xf32, #tpu.memory_space<vmem_shared>>)
      tpu.yield
    }) : () -> ()
    %run_scoped3A_65 = arith.constant 2 : i32
    "tpu.region"() ({
      %run_scoped3A_109 = tpu.sem_alloc : memref<!tpu.dma_semaphore, #tpu.memory_space<semaphore_mem>>
      %dma_start3A = arith.constant 0 : i32
      %dma_start3A_110 = arith.constant 0 : i32
      %dma_start3A_111 = tpu.memref_slice %arg2[%run_scoped3A_65, %add3A, %dma_start3A, %dma_start3A_110] : memref<4x32x80x125xi32, #tpu.memory_space<hbm>> -> memref<1x1x80x125xi32, #tpu.memory_space<hbm>>
      %dma_start3A_112 = tpu.memref_squeeze %dma_start3A_111 : memref<1x1x80x125xi32, #tpu.memory_space<hbm>> -> memref<80x125xi32, #tpu.memory_space<hbm>>
      %dma_start3A_113 = arith.constant 0 : i32
      %dma_start3A_114 = arith.constant 0 : i32
      %dma_start3A_115 = tpu.memref_slice %arg2[%run_scoped3A_65, %add3A, %dma_start3A_113, %dma_start3A_114] : memref<4x32x80x125xi32, #tpu.memory_space<hbm>> -> memref<1x1x80x125xi32, #tpu.memory_space<hbm>>
      %dma_start3A_116 = tpu.memref_squeeze %dma_start3A_115 : memref<1x1x80x125xi32, #tpu.memory_space<hbm>> -> memref<80x125xi32, #tpu.memory_space<hbm>>
      tpu.enqueue_dma source(%dma_start3A_116 : memref<80x125xi32, #tpu.memory_space<hbm>>) target(%arg4 : memref<80x125xi32, #tpu.memory_space<vmem>>) target_semaphore(%run_scoped3A_109 : memref<!tpu.dma_semaphore, #tpu.memory_space<semaphore_mem>>)
      %dma_wait3A = arith.constant 0 : i32
      %dma_wait3A_117 = arith.constant 0 : i32
      %dma_wait3A_118 = tpu.memref_slice %arg2[%run_scoped3A_65, %add3A, %dma_wait3A, %dma_wait3A_117] : memref<4x32x80x125xi32, #tpu.memory_space<hbm>> -> memref<1x1x80x125xi32, #tpu.memory_space<hbm>>
      %dma_wait3A_119 = tpu.memref_squeeze %dma_wait3A_118 : memref<1x1x80x125xi32, #tpu.memory_space<hbm>> -> memref<80x125xi32, #tpu.memory_space<hbm>>
      %dma_wait3A_120 = arith.constant 0 : i32
      %dma_wait3A_121 = arith.constant 0 : i32
      %dma_wait3A_122 = tpu.memref_slice %arg2[%run_scoped3A_65, %add3A, %dma_wait3A_120, %dma_wait3A_121] : memref<4x32x80x125xi32, #tpu.memory_space<hbm>> -> memref<1x1x80x125xi32, #tpu.memory_space<hbm>>
      %dma_wait3A_123 = tpu.memref_squeeze %dma_wait3A_122 : memref<1x1x80x125xi32, #tpu.memory_space<hbm>> -> memref<80x125xi32, #tpu.memory_space<hbm>>
      tpu.wait_dma2 semaphore(%run_scoped3A_109 : memref<!tpu.dma_semaphore, #tpu.memory_space<semaphore_mem>>) src(%dma_wait3A_123 : memref<80x125xi32, #tpu.memory_space<hbm>>) dst(%arg4 : memref<80x125xi32, #tpu.memory_space<vmem>>)
      tpu.yield
    }) : () -> ()
    %barrier3A_66 = arith.constant 0 : index
    tpu.barrier barrier_id(%barrier3A_66)
    %scan3A_67 = arith.constant 0 : i32
    %scan3A_68 = arith.constant 0 : i32
    %scan3A_69 = arith.constant 80 : i32
    %scan3A_70 = arith.addi %scan3A_68, %scan3A_69 : i32
    %scan3A_71 = arith.constant 1 : i32
    scf.for %scan3A_109 = %scan3A_68 to %scan3A_70 step %scan3A_71  : i32 {
      "tpu.region"() ({
        %run_scoped3A_110 = tpu.sem_alloc : memref<!tpu.dma_semaphore, #tpu.memory_space<semaphore_mem>>
        %dma_start3A = arith.constant 0 : i32
        %dma_start3A_111 = tpu.memref_slice %arg4[%scan3A_109, %dma_start3A] : memref<80x125xi32, #tpu.memory_space<vmem>> -> memref<1x125xi32, #tpu.memory_space<vmem>>
        %dma_start3A_112 = tpu.memref_squeeze %dma_start3A_111 : memref<1x125xi32, #tpu.memory_space<vmem>> -> memref<125xi32, #tpu.memory_space<vmem>>
        %dma_start3A_113 = arith.constant 0 : i32
        %dma_start3A_114 = arith.constant 0 : i32
        %dma_start3A_115 = tpu.memref_slice %arg7[%dma_start3A_113, %dma_start3A_114] : memref<2688x16xf32, #tpu.memory_space<vmem_shared>> -> memref<2688x16xf32, #tpu.memory_space<vmem_shared>>
        tpu.enqueue_indirect_dma source(%arg5 : memref<125x16xf32, #tpu.memory_space<vmem>>) target(%dma_start3A_115 : memref<2688x16xf32, #tpu.memory_space<vmem_shared>>) offsets(%dma_start3A_112 : memref<125xi32, #tpu.memory_space<vmem>>) semaphore(%run_scoped3A_110 : memref<!tpu.dma_semaphore, #tpu.memory_space<semaphore_mem>>) {add = true}
        %dma_wait3A = arith.constant 0 : i32
        %dma_wait3A_116 = tpu.memref_slice %arg4[%scan3A_109, %dma_wait3A] : memref<80x125xi32, #tpu.memory_space<vmem>> -> memref<1x125xi32, #tpu.memory_space<vmem>>
        %dma_wait3A_117 = tpu.memref_squeeze %dma_wait3A_116 : memref<1x125xi32, #tpu.memory_space<vmem>> -> memref<125xi32, #tpu.memory_space<vmem>>
        %dma_wait3A_118 = arith.constant 0 : i32
        %dma_wait3A_119 = arith.constant 0 : i32
        %dma_wait3A_120 = tpu.memref_slice %arg7[%dma_wait3A_118, %dma_wait3A_119] : memref<2688x16xf32, #tpu.memory_space<vmem_shared>> -> memref<2688x16xf32, #tpu.memory_space<vmem_shared>>
        tpu.wait_indirect_dma semaphore(%run_scoped3A_110 : memref<!tpu.dma_semaphore, #tpu.memory_space<semaphore_mem>>) src(%arg5 : memref<125x16xf32, #tpu.memory_space<vmem>>) dst(%dma_wait3A_120 : memref<2688x16xf32, #tpu.memory_space<vmem_shared>>)
        tpu.yield
      }) : () -> ()
    }
    %scan3A_72 = arith.constant 80 : i32
    %barrier3A_73 = arith.constant 0 : index
    tpu.barrier barrier_id(%barrier3A_73)
    %mul3A_74 = arith.constant 160 : i32
    %mul3A_75 = arith.muli %arg1, %mul3A_74 : i32
    "tpu.region"() ({
      %run_scoped3A_109 = tpu.sem_alloc : memref<!tpu.dma_semaphore, #tpu.memory_space<semaphore_mem>>
      %dma_start3A = arith.constant 0 : i32
      %dma_start3A_110 = tpu.memref_slice %arg7[%mul3A_75, %dma_start3A] : memref<2688x16xf32, #tpu.memory_space<vmem_shared>> -> memref<128x16xf32, #tpu.memory_space<vmem_shared>>
      %dma_start3A_111 = arith.constant 0 : i32
      %dma_start3A_112 = tpu.memref_slice %arg7[%mul3A_75, %dma_start3A_111] : memref<2688x16xf32, #tpu.memory_space<vmem_shared>> -> memref<128x16xf32, #tpu.memory_space<vmem_shared>>
      tpu.enqueue_dma source(%dma_start3A_112 : memref<128x16xf32, #tpu.memory_space<vmem_shared>>) target(%arg6 : memref<128x16xf32, #tpu.memory_space<vmem>>) target_semaphore(%run_scoped3A_109 : memref<!tpu.dma_semaphore, #tpu.memory_space<semaphore_mem>>)
      %dma_wait3A = arith.constant 0 : i32
      %dma_wait3A_113 = tpu.memref_slice %arg7[%mul3A_75, %dma_wait3A] : memref<2688x16xf32, #tpu.memory_space<vmem_shared>> -> memref<128x16xf32, #tpu.memory_space<vmem_shared>>
      %dma_wait3A_114 = arith.constant 0 : i32
      %dma_wait3A_115 = tpu.memref_slice %arg7[%mul3A_75, %dma_wait3A_114] : memref<2688x16xf32, #tpu.memory_space<vmem_shared>> -> memref<128x16xf32, #tpu.memory_space<vmem_shared>>
      tpu.wait_dma2 semaphore(%run_scoped3A_109 : memref<!tpu.dma_semaphore, #tpu.memory_space<semaphore_mem>>) src(%dma_wait3A_115 : memref<128x16xf32, #tpu.memory_space<vmem_shared>>) dst(%arg6 : memref<128x16xf32, #tpu.memory_space<vmem>>)
      tpu.yield
    }) : () -> ()
    %add3A_76 = arith.constant 5120 : i32
    %add3A_77 = arith.addi %add3A_76, %mul3A_75 : i32
    "tpu.region"() ({
      %run_scoped3A_109 = tpu.sem_alloc : memref<!tpu.dma_semaphore, #tpu.memory_space<semaphore_mem>>
      %dma_start3A = arith.constant 0 : i32
      %dma_start3A_110 = tpu.memref_slice %arg3[%arg0, %add3A_77, %dma_start3A] : memref<2x10240x16xf32, #tpu.memory_space<hbm>> -> memref<1x128x16xf32, #tpu.memory_space<hbm>>
      %dma_start3A_111 = tpu.memref_squeeze %dma_start3A_110 : memref<1x128x16xf32, #tpu.memory_space<hbm>> -> memref<128x16xf32, #tpu.memory_space<hbm>>
      %dma_start3A_112 = arith.constant 0 : i32
      %dma_start3A_113 = tpu.memref_slice %arg3[%arg0, %add3A_77, %dma_start3A_112] : memref<2x10240x16xf32, #tpu.memory_space<hbm>> -> memref<1x128x16xf32, #tpu.memory_space<hbm>>
      %dma_start3A_114 = tpu.memref_squeeze %dma_start3A_113 : memref<1x128x16xf32, #tpu.memory_space<hbm>> -> memref<128x16xf32, #tpu.memory_space<hbm>>
      tpu.enqueue_dma source(%arg6 : memref<128x16xf32, #tpu.memory_space<vmem>>) target(%dma_start3A_114 : memref<128x16xf32, #tpu.memory_space<hbm>>) target_semaphore(%run_scoped3A_109 : memref<!tpu.dma_semaphore, #tpu.memory_space<semaphore_mem>>)
      %dma_wait3A = arith.constant 0 : i32
      %dma_wait3A_115 = tpu.memref_slice %arg3[%arg0, %add3A_77, %dma_wait3A] : memref<2x10240x16xf32, #tpu.memory_space<hbm>> -> memref<1x128x16xf32, #tpu.memory_space<hbm>>
      %dma_wait3A_116 = tpu.memref_squeeze %dma_wait3A_115 : memref<1x128x16xf32, #tpu.memory_space<hbm>> -> memref<128x16xf32, #tpu.memory_space<hbm>>
      %dma_wait3A_117 = arith.constant 0 : i32
      %dma_wait3A_118 = tpu.memref_slice %arg3[%arg0, %add3A_77, %dma_wait3A_117] : memref<2x10240x16xf32, #tpu.memory_space<hbm>> -> memref<1x128x16xf32, #tpu.memory_space<hbm>>
      %dma_wait3A_119 = tpu.memref_squeeze %dma_wait3A_118 : memref<1x128x16xf32, #tpu.memory_space<hbm>> -> memref<128x16xf32, #tpu.memory_space<hbm>>
      tpu.wait_dma2 semaphore(%run_scoped3A_109 : memref<!tpu.dma_semaphore, #tpu.memory_space<semaphore_mem>>) src(%arg6 : memref<128x16xf32, #tpu.memory_space<vmem>>) dst(%dma_wait3A_119 : memref<128x16xf32, #tpu.memory_space<hbm>>)
      tpu.yield
    }) : () -> ()
    %add3A_78 = arith.constant 128 : i32
    %add3A_79 = arith.addi %mul3A_75, %add3A_78 : i32
    "tpu.region"() ({
      %run_scoped3A_109 = tpu.sem_alloc : memref<!tpu.dma_semaphore, #tpu.memory_space<semaphore_mem>>
      %dma_start3A = arith.constant 0 : i32
      %dma_start3A_110 = arith.constant 0 : i32
      %dma_start3A_111 = tpu.memref_slice %arg6[%dma_start3A, %dma_start3A_110] : memref<128x16xf32, #tpu.memory_space<vmem>> -> memref<32x16xf32, #tpu.memory_space<vmem>>
      %dma_start3A_112 = arith.constant 0 : i32
      %dma_start3A_113 = tpu.memref_slice %arg7[%add3A_79, %dma_start3A_112] : memref<2688x16xf32, #tpu.memory_space<vmem_shared>> -> memref<32x16xf32, #tpu.memory_space<vmem_shared>>
      %dma_start3A_114 = arith.constant 0 : i32
      %dma_start3A_115 = arith.constant 0 : i32
      %dma_start3A_116 = tpu.memref_slice %arg6[%dma_start3A_114, %dma_start3A_115] : memref<128x16xf32, #tpu.memory_space<vmem>> -> memref<32x16xf32, #tpu.memory_space<vmem>>
      %dma_start3A_117 = arith.constant 0 : i32
      %dma_start3A_118 = tpu.memref_slice %arg7[%add3A_79, %dma_start3A_117] : memref<2688x16xf32, #tpu.memory_space<vmem_shared>> -> memref<32x16xf32, #tpu.memory_space<vmem_shared>>
      tpu.enqueue_dma source(%dma_start3A_118 : memref<32x16xf32, #tpu.memory_space<vmem_shared>>) target(%dma_start3A_116 : memref<32x16xf32, #tpu.memory_space<vmem>>) target_semaphore(%run_scoped3A_109 : memref<!tpu.dma_semaphore, #tpu.memory_space<semaphore_mem>>)
      %dma_wait3A = arith.constant 0 : i32
      %dma_wait3A_119 = arith.constant 0 : i32
      %dma_wait3A_120 = tpu.memref_slice %arg6[%dma_wait3A, %dma_wait3A_119] : memref<128x16xf32, #tpu.memory_space<vmem>> -> memref<32x16xf32, #tpu.memory_space<vmem>>
      %dma_wait3A_121 = arith.constant 0 : i32
      %dma_wait3A_122 = tpu.memref_slice %arg7[%add3A_79, %dma_wait3A_121] : memref<2688x16xf32, #tpu.memory_space<vmem_shared>> -> memref<32x16xf32, #tpu.memory_space<vmem_shared>>
      %dma_wait3A_123 = arith.constant 0 : i32
      %dma_wait3A_124 = arith.constant 0 : i32
      %dma_wait3A_125 = tpu.memref_slice %arg6[%dma_wait3A_123, %dma_wait3A_124] : memref<128x16xf32, #tpu.memory_space<vmem>> -> memref<32x16xf32, #tpu.memory_space<vmem>>
      %dma_wait3A_126 = arith.constant 0 : i32
      %dma_wait3A_127 = tpu.memref_slice %arg7[%add3A_79, %dma_wait3A_126] : memref<2688x16xf32, #tpu.memory_space<vmem_shared>> -> memref<32x16xf32, #tpu.memory_space<vmem_shared>>
      tpu.wait_dma2 semaphore(%run_scoped3A_109 : memref<!tpu.dma_semaphore, #tpu.memory_space<semaphore_mem>>) src(%dma_wait3A_127 : memref<32x16xf32, #tpu.memory_space<vmem_shared>>) dst(%dma_wait3A_125 : memref<32x16xf32, #tpu.memory_space<vmem>>)
      tpu.yield
    }) : () -> ()
    %add3A_80 = arith.constant 5120 : i32
    %add3A_81 = arith.addi %add3A_80, %mul3A_75 : i32
    %add3A_82 = arith.constant 128 : i32
    %add3A_83 = arith.addi %add3A_81, %add3A_82 : i32
    "tpu.region"() ({
      %run_scoped3A_109 = tpu.sem_alloc : memref<!tpu.dma_semaphore, #tpu.memory_space<semaphore_mem>>
      %dma_start3A = arith.constant 0 : i32
      %dma_start3A_110 = arith.constant 0 : i32
      %dma_start3A_111 = tpu.memref_slice %arg6[%dma_start3A, %dma_start3A_110] : memref<128x16xf32, #tpu.memory_space<vmem>> -> memref<32x16xf32, #tpu.memory_space<vmem>>
      %dma_start3A_112 = arith.constant 0 : i32
      %dma_start3A_113 = tpu.memref_slice %arg3[%arg0, %add3A_83, %dma_start3A_112] : memref<2x10240x16xf32, #tpu.memory_space<hbm>> -> memref<1x32x16xf32, #tpu.memory_space<hbm>>
      %dma_start3A_114 = tpu.memref_squeeze %dma_start3A_113 : memref<1x32x16xf32, #tpu.memory_space<hbm>> -> memref<32x16xf32, #tpu.memory_space<hbm>>
      %dma_start3A_115 = arith.constant 0 : i32
      %dma_start3A_116 = tpu.memref_slice %arg3[%arg0, %add3A_83, %dma_start3A_115] : memref<2x10240x16xf32, #tpu.memory_space<hbm>> -> memref<1x32x16xf32, #tpu.memory_space<hbm>>
      %dma_start3A_117 = tpu.memref_squeeze %dma_start3A_116 : memref<1x32x16xf32, #tpu.memory_space<hbm>> -> memref<32x16xf32, #tpu.memory_space<hbm>>
      %dma_start3A_118 = arith.constant 0 : i32
      %dma_start3A_119 = arith.constant 0 : i32
      %dma_start3A_120 = tpu.memref_slice %arg6[%dma_start3A_118, %dma_start3A_119] : memref<128x16xf32, #tpu.memory_space<vmem>> -> memref<32x16xf32, #tpu.memory_space<vmem>>
      tpu.enqueue_dma source(%dma_start3A_120 : memref<32x16xf32, #tpu.memory_space<vmem>>) target(%dma_start3A_117 : memref<32x16xf32, #tpu.memory_space<hbm>>) target_semaphore(%run_scoped3A_109 : memref<!tpu.dma_semaphore, #tpu.memory_space<semaphore_mem>>)
      %dma_wait3A = arith.constant 0 : i32
      %dma_wait3A_121 = arith.constant 0 : i32
      %dma_wait3A_122 = tpu.memref_slice %arg6[%dma_wait3A, %dma_wait3A_121] : memref<128x16xf32, #tpu.memory_space<vmem>> -> memref<32x16xf32, #tpu.memory_space<vmem>>
      %dma_wait3A_123 = arith.constant 0 : i32
      %dma_wait3A_124 = tpu.memref_slice %arg3[%arg0, %add3A_83, %dma_wait3A_123] : memref<2x10240x16xf32, #tpu.memory_space<hbm>> -> memref<1x32x16xf32, #tpu.memory_space<hbm>>
      %dma_wait3A_125 = tpu.memref_squeeze %dma_wait3A_124 : memref<1x32x16xf32, #tpu.memory_space<hbm>> -> memref<32x16xf32, #tpu.memory_space<hbm>>
      %dma_wait3A_126 = arith.constant 0 : i32
      %dma_wait3A_127 = tpu.memref_slice %arg3[%arg0, %add3A_83, %dma_wait3A_126] : memref<2x10240x16xf32, #tpu.memory_space<hbm>> -> memref<1x32x16xf32, #tpu.memory_space<hbm>>
      %dma_wait3A_128 = tpu.memref_squeeze %dma_wait3A_127 : memref<1x32x16xf32, #tpu.memory_space<hbm>> -> memref<32x16xf32, #tpu.memory_space<hbm>>
      %dma_wait3A_129 = arith.constant 0 : i32
      %dma_wait3A_130 = arith.constant 0 : i32
      %dma_wait3A_131 = tpu.memref_slice %arg6[%dma_wait3A_129, %dma_wait3A_130] : memref<128x16xf32, #tpu.memory_space<vmem>> -> memref<32x16xf32, #tpu.memory_space<vmem>>
      tpu.wait_dma2 semaphore(%run_scoped3A_109 : memref<!tpu.dma_semaphore, #tpu.memory_space<semaphore_mem>>) src(%dma_wait3A_131 : memref<32x16xf32, #tpu.memory_space<vmem>>) dst(%dma_wait3A_128 : memref<32x16xf32, #tpu.memory_space<hbm>>)
      tpu.yield
    }) : () -> ()
    %barrier3A_84 = arith.constant 0 : index
    tpu.barrier barrier_id(%barrier3A_84)
    %mul3A_85 = arith.constant 168 : i32
    %mul3A_86 = arith.muli %arg1, %mul3A_85 : i32
    "tpu.region"() ({
      %run_scoped3A_109 = tpu.sem_alloc : memref<!tpu.dma_semaphore, #tpu.memory_space<semaphore_mem>>
      %dma_start3A = arith.constant 0 : i32
      %dma_start3A_110 = tpu.memref_slice %arg7[%mul3A_86, %dma_start3A] : memref<2688x16xf32, #tpu.memory_space<vmem_shared>> -> memref<128x16xf32, #tpu.memory_space<vmem_shared>>
      %dma_start3A_111 = arith.constant 0 : i32
      %dma_start3A_112 = tpu.memref_slice %arg7[%mul3A_86, %dma_start3A_111] : memref<2688x16xf32, #tpu.memory_space<vmem_shared>> -> memref<128x16xf32, #tpu.memory_space<vmem_shared>>
      tpu.enqueue_dma source(%arg6 : memref<128x16xf32, #tpu.memory_space<vmem>>) target(%dma_start3A_112 : memref<128x16xf32, #tpu.memory_space<vmem_shared>>) target_semaphore(%run_scoped3A_109 : memref<!tpu.dma_semaphore, #tpu.memory_space<semaphore_mem>>)
      %dma_wait3A = arith.constant 0 : i32
      %dma_wait3A_113 = tpu.memref_slice %arg7[%mul3A_86, %dma_wait3A] : memref<2688x16xf32, #tpu.memory_space<vmem_shared>> -> memref<128x16xf32, #tpu.memory_space<vmem_shared>>
      %dma_wait3A_114 = arith.constant 0 : i32
      %dma_wait3A_115 = tpu.memref_slice %arg7[%mul3A_86, %dma_wait3A_114] : memref<2688x16xf32, #tpu.memory_space<vmem_shared>> -> memref<128x16xf32, #tpu.memory_space<vmem_shared>>
      tpu.wait_dma2 semaphore(%run_scoped3A_109 : memref<!tpu.dma_semaphore, #tpu.memory_space<semaphore_mem>>) src(%arg6 : memref<128x16xf32, #tpu.memory_space<vmem>>) dst(%dma_wait3A_115 : memref<128x16xf32, #tpu.memory_space<vmem_shared>>)
      tpu.yield
    }) : () -> ()
    %add3A_87 = arith.constant 128 : i32
    %add3A_88 = arith.addi %mul3A_86, %add3A_87 : i32
    "tpu.region"() ({
      %run_scoped3A_109 = tpu.sem_alloc : memref<!tpu.dma_semaphore, #tpu.memory_space<semaphore_mem>>
      %dma_start3A = arith.constant 0 : i32
      %dma_start3A_110 = arith.constant 0 : i32
      %dma_start3A_111 = tpu.memref_slice %arg6[%dma_start3A, %dma_start3A_110] : memref<128x16xf32, #tpu.memory_space<vmem>> -> memref<40x16xf32, #tpu.memory_space<vmem>>
      %dma_start3A_112 = arith.constant 0 : i32
      %dma_start3A_113 = tpu.memref_slice %arg7[%add3A_88, %dma_start3A_112] : memref<2688x16xf32, #tpu.memory_space<vmem_shared>> -> memref<40x16xf32, #tpu.memory_space<vmem_shared>>
      %dma_start3A_114 = arith.constant 0 : i32
      %dma_start3A_115 = tpu.memref_slice %arg7[%add3A_88, %dma_start3A_114] : memref<2688x16xf32, #tpu.memory_space<vmem_shared>> -> memref<40x16xf32, #tpu.memory_space<vmem_shared>>
      %dma_start3A_116 = arith.constant 0 : i32
      %dma_start3A_117 = arith.constant 0 : i32
      %dma_start3A_118 = tpu.memref_slice %arg6[%dma_start3A_116, %dma_start3A_117] : memref<128x16xf32, #tpu.memory_space<vmem>> -> memref<40x16xf32, #tpu.memory_space<vmem>>
      tpu.enqueue_dma source(%dma_start3A_118 : memref<40x16xf32, #tpu.memory_space<vmem>>) target(%dma_start3A_115 : memref<40x16xf32, #tpu.memory_space<vmem_shared>>) target_semaphore(%run_scoped3A_109 : memref<!tpu.dma_semaphore, #tpu.memory_space<semaphore_mem>>)
      %dma_wait3A = arith.constant 0 : i32
      %dma_wait3A_119 = arith.constant 0 : i32
      %dma_wait3A_120 = tpu.memref_slice %arg6[%dma_wait3A, %dma_wait3A_119] : memref<128x16xf32, #tpu.memory_space<vmem>> -> memref<40x16xf32, #tpu.memory_space<vmem>>
      %dma_wait3A_121 = arith.constant 0 : i32
      %dma_wait3A_122 = tpu.memref_slice %arg7[%add3A_88, %dma_wait3A_121] : memref<2688x16xf32, #tpu.memory_space<vmem_shared>> -> memref<40x16xf32, #tpu.memory_space<vmem_shared>>
      %dma_wait3A_123 = arith.constant 0 : i32
      %dma_wait3A_124 = tpu.memref_slice %arg7[%add3A_88, %dma_wait3A_123] : memref<2688x16xf32, #tpu.memory_space<vmem_shared>> -> memref<40x16xf32, #tpu.memory_space<vmem_shared>>
      %dma_wait3A_125 = arith.constant 0 : i32
      %dma_wait3A_126 = arith.constant 0 : i32
      %dma_wait3A_127 = tpu.memref_slice %arg6[%dma_wait3A_125, %dma_wait3A_126] : memref<128x16xf32, #tpu.memory_space<vmem>> -> memref<40x16xf32, #tpu.memory_space<vmem>>
      tpu.wait_dma2 semaphore(%run_scoped3A_109 : memref<!tpu.dma_semaphore, #tpu.memory_space<semaphore_mem>>) src(%dma_wait3A_127 : memref<40x16xf32, #tpu.memory_space<vmem>>) dst(%dma_wait3A_124 : memref<40x16xf32, #tpu.memory_space<vmem_shared>>)
      tpu.yield
    }) : () -> ()
    %run_scoped3A_89 = arith.constant 3 : i32
    "tpu.region"() ({
      %run_scoped3A_109 = tpu.sem_alloc : memref<!tpu.dma_semaphore, #tpu.memory_space<semaphore_mem>>
      %dma_start3A = arith.constant 0 : i32
      %dma_start3A_110 = arith.constant 0 : i32
      %dma_start3A_111 = tpu.memref_slice %arg2[%run_scoped3A_89, %add3A, %dma_start3A, %dma_start3A_110] : memref<4x32x80x125xi32, #tpu.memory_space<hbm>> -> memref<1x1x80x125xi32, #tpu.memory_space<hbm>>
      %dma_start3A_112 = tpu.memref_squeeze %dma_start3A_111 : memref<1x1x80x125xi32, #tpu.memory_space<hbm>> -> memref<80x125xi32, #tpu.memory_space<hbm>>
      %dma_start3A_113 = arith.constant 0 : i32
      %dma_start3A_114 = arith.constant 0 : i32
      %dma_start3A_115 = tpu.memref_slice %arg2[%run_scoped3A_89, %add3A, %dma_start3A_113, %dma_start3A_114] : memref<4x32x80x125xi32, #tpu.memory_space<hbm>> -> memref<1x1x80x125xi32, #tpu.memory_space<hbm>>
      %dma_start3A_116 = tpu.memref_squeeze %dma_start3A_115 : memref<1x1x80x125xi32, #tpu.memory_space<hbm>> -> memref<80x125xi32, #tpu.memory_space<hbm>>
      tpu.enqueue_dma source(%dma_start3A_116 : memref<80x125xi32, #tpu.memory_space<hbm>>) target(%arg4 : memref<80x125xi32, #tpu.memory_space<vmem>>) target_semaphore(%run_scoped3A_109 : memref<!tpu.dma_semaphore, #tpu.memory_space<semaphore_mem>>)
      %dma_wait3A = arith.constant 0 : i32
      %dma_wait3A_117 = arith.constant 0 : i32
      %dma_wait3A_118 = tpu.memref_slice %arg2[%run_scoped3A_89, %add3A, %dma_wait3A, %dma_wait3A_117] : memref<4x32x80x125xi32, #tpu.memory_space<hbm>> -> memref<1x1x80x125xi32, #tpu.memory_space<hbm>>
      %dma_wait3A_119 = tpu.memref_squeeze %dma_wait3A_118 : memref<1x1x80x125xi32, #tpu.memory_space<hbm>> -> memref<80x125xi32, #tpu.memory_space<hbm>>
      %dma_wait3A_120 = arith.constant 0 : i32
      %dma_wait3A_121 = arith.constant 0 : i32
      %dma_wait3A_122 = tpu.memref_slice %arg2[%run_scoped3A_89, %add3A, %dma_wait3A_120, %dma_wait3A_121] : memref<4x32x80x125xi32, #tpu.memory_space<hbm>> -> memref<1x1x80x125xi32, #tpu.memory_space<hbm>>
      %dma_wait3A_123 = tpu.memref_squeeze %dma_wait3A_122 : memref<1x1x80x125xi32, #tpu.memory_space<hbm>> -> memref<80x125xi32, #tpu.memory_space<hbm>>
      tpu.wait_dma2 semaphore(%run_scoped3A_109 : memref<!tpu.dma_semaphore, #tpu.memory_space<semaphore_mem>>) src(%dma_wait3A_123 : memref<80x125xi32, #tpu.memory_space<hbm>>) dst(%arg4 : memref<80x125xi32, #tpu.memory_space<vmem>>)
      tpu.yield
    }) : () -> ()
    %barrier3A_90 = arith.constant 0 : index
    tpu.barrier barrier_id(%barrier3A_90)
    %scan3A_91 = arith.constant 0 : i32
    %scan3A_92 = arith.constant 0 : i32
    %scan3A_93 = arith.constant 80 : i32
    %scan3A_94 = arith.addi %scan3A_92, %scan3A_93 : i32
    %scan3A_95 = arith.constant 1 : i32
    scf.for %scan3A_109 = %scan3A_92 to %scan3A_94 step %scan3A_95  : i32 {
      "tpu.region"() ({
        %run_scoped3A_110 = tpu.sem_alloc : memref<!tpu.dma_semaphore, #tpu.memory_space<semaphore_mem>>
        %dma_start3A = arith.constant 0 : i32
        %dma_start3A_111 = tpu.memref_slice %arg4[%scan3A_109, %dma_start3A] : memref<80x125xi32, #tpu.memory_space<vmem>> -> memref<1x125xi32, #tpu.memory_space<vmem>>
        %dma_start3A_112 = tpu.memref_squeeze %dma_start3A_111 : memref<1x125xi32, #tpu.memory_space<vmem>> -> memref<125xi32, #tpu.memory_space<vmem>>
        %dma_start3A_113 = arith.constant 0 : i32
        %dma_start3A_114 = arith.constant 0 : i32
        %dma_start3A_115 = tpu.memref_slice %arg7[%dma_start3A_113, %dma_start3A_114] : memref<2688x16xf32, #tpu.memory_space<vmem_shared>> -> memref<2688x16xf32, #tpu.memory_space<vmem_shared>>
        tpu.enqueue_indirect_dma source(%arg5 : memref<125x16xf32, #tpu.memory_space<vmem>>) target(%dma_start3A_115 : memref<2688x16xf32, #tpu.memory_space<vmem_shared>>) offsets(%dma_start3A_112 : memref<125xi32, #tpu.memory_space<vmem>>) semaphore(%run_scoped3A_110 : memref<!tpu.dma_semaphore, #tpu.memory_space<semaphore_mem>>) {add = true}
        %dma_wait3A = arith.constant 0 : i32
        %dma_wait3A_116 = tpu.memref_slice %arg4[%scan3A_109, %dma_wait3A] : memref<80x125xi32, #tpu.memory_space<vmem>> -> memref<1x125xi32, #tpu.memory_space<vmem>>
        %dma_wait3A_117 = tpu.memref_squeeze %dma_wait3A_116 : memref<1x125xi32, #tpu.memory_space<vmem>> -> memref<125xi32, #tpu.memory_space<vmem>>
        %dma_wait3A_118 = arith.constant 0 : i32
        %dma_wait3A_119 = arith.constant 0 : i32
        %dma_wait3A_120 = tpu.memref_slice %arg7[%dma_wait3A_118, %dma_wait3A_119] : memref<2688x16xf32, #tpu.memory_space<vmem_shared>> -> memref<2688x16xf32, #tpu.memory_space<vmem_shared>>
        tpu.wait_indirect_dma semaphore(%run_scoped3A_110 : memref<!tpu.dma_semaphore, #tpu.memory_space<semaphore_mem>>) src(%arg5 : memref<125x16xf32, #tpu.memory_space<vmem>>) dst(%dma_wait3A_120 : memref<2688x16xf32, #tpu.memory_space<vmem_shared>>)
        tpu.yield
      }) : () -> ()
    }
    %scan3A_96 = arith.constant 80 : i32
    %barrier3A_97 = arith.constant 0 : index
    tpu.barrier barrier_id(%barrier3A_97)
    %mul3A_98 = arith.constant 160 : i32
    %mul3A_99 = arith.muli %arg1, %mul3A_98 : i32
    "tpu.region"() ({
      %run_scoped3A_109 = tpu.sem_alloc : memref<!tpu.dma_semaphore, #tpu.memory_space<semaphore_mem>>
      %dma_start3A = arith.constant 0 : i32
      %dma_start3A_110 = tpu.memref_slice %arg7[%mul3A_99, %dma_start3A] : memref<2688x16xf32, #tpu.memory_space<vmem_shared>> -> memref<128x16xf32, #tpu.memory_space<vmem_shared>>
      %dma_start3A_111 = arith.constant 0 : i32
      %dma_start3A_112 = tpu.memref_slice %arg7[%mul3A_99, %dma_start3A_111] : memref<2688x16xf32, #tpu.memory_space<vmem_shared>> -> memref<128x16xf32, #tpu.memory_space<vmem_shared>>
      tpu.enqueue_dma source(%dma_start3A_112 : memref<128x16xf32, #tpu.memory_space<vmem_shared>>) target(%arg6 : memref<128x16xf32, #tpu.memory_space<vmem>>) target_semaphore(%run_scoped3A_109 : memref<!tpu.dma_semaphore, #tpu.memory_space<semaphore_mem>>)
      %dma_wait3A = arith.constant 0 : i32
      %dma_wait3A_113 = tpu.memref_slice %arg7[%mul3A_99, %dma_wait3A] : memref<2688x16xf32, #tpu.memory_space<vmem_shared>> -> memref<128x16xf32, #tpu.memory_space<vmem_shared>>
      %dma_wait3A_114 = arith.constant 0 : i32
      %dma_wait3A_115 = tpu.memref_slice %arg7[%mul3A_99, %dma_wait3A_114] : memref<2688x16xf32, #tpu.memory_space<vmem_shared>> -> memref<128x16xf32, #tpu.memory_space<vmem_shared>>
      tpu.wait_dma2 semaphore(%run_scoped3A_109 : memref<!tpu.dma_semaphore, #tpu.memory_space<semaphore_mem>>) src(%dma_wait3A_115 : memref<128x16xf32, #tpu.memory_space<vmem_shared>>) dst(%arg6 : memref<128x16xf32, #tpu.memory_space<vmem>>)
      tpu.yield
    }) : () -> ()
    %add3A_100 = arith.constant 7680 : i32
    %add3A_101 = arith.addi %add3A_100, %mul3A_99 : i32
    "tpu.region"() ({
      %run_scoped3A_109 = tpu.sem_alloc : memref<!tpu.dma_semaphore, #tpu.memory_space<semaphore_mem>>
      %dma_start3A = arith.constant 0 : i32
      %dma_start3A_110 = tpu.memref_slice %arg3[%arg0, %add3A_101, %dma_start3A] : memref<2x10240x16xf32, #tpu.memory_space<hbm>> -> memref<1x128x16xf32, #tpu.memory_space<hbm>>
      %dma_start3A_111 = tpu.memref_squeeze %dma_start3A_110 : memref<1x128x16xf32, #tpu.memory_space<hbm>> -> memref<128x16xf32, #tpu.memory_space<hbm>>
      %dma_start3A_112 = arith.constant 0 : i32
      %dma_start3A_113 = tpu.memref_slice %arg3[%arg0, %add3A_101, %dma_start3A_112] : memref<2x10240x16xf32, #tpu.memory_space<hbm>> -> memref<1x128x16xf32, #tpu.memory_space<hbm>>
      %dma_start3A_114 = tpu.memref_squeeze %dma_start3A_113 : memref<1x128x16xf32, #tpu.memory_space<hbm>> -> memref<128x16xf32, #tpu.memory_space<hbm>>
      tpu.enqueue_dma source(%arg6 : memref<128x16xf32, #tpu.memory_space<vmem>>) target(%dma_start3A_114 : memref<128x16xf32, #tpu.memory_space<hbm>>) target_semaphore(%run_scoped3A_109 : memref<!tpu.dma_semaphore, #tpu.memory_space<semaphore_mem>>)
      %dma_wait3A = arith.constant 0 : i32
      %dma_wait3A_115 = tpu.memref_slice %arg3[%arg0, %add3A_101, %dma_wait3A] : memref<2x10240x16xf32, #tpu.memory_space<hbm>> -> memref<1x128x16xf32, #tpu.memory_space<hbm>>
      %dma_wait3A_116 = tpu.memref_squeeze %dma_wait3A_115 : memref<1x128x16xf32, #tpu.memory_space<hbm>> -> memref<128x16xf32, #tpu.memory_space<hbm>>
      %dma_wait3A_117 = arith.constant 0 : i32
      %dma_wait3A_118 = tpu.memref_slice %arg3[%arg0, %add3A_101, %dma_wait3A_117] : memref<2x10240x16xf32, #tpu.memory_space<hbm>> -> memref<1x128x16xf32, #tpu.memory_space<hbm>>
      %dma_wait3A_119 = tpu.memref_squeeze %dma_wait3A_118 : memref<1x128x16xf32, #tpu.memory_space<hbm>> -> memref<128x16xf32, #tpu.memory_space<hbm>>
      tpu.wait_dma2 semaphore(%run_scoped3A_109 : memref<!tpu.dma_semaphore, #tpu.memory_space<semaphore_mem>>) src(%arg6 : memref<128x16xf32, #tpu.memory_space<vmem>>) dst(%dma_wait3A_119 : memref<128x16xf32, #tpu.memory_space<hbm>>)
      tpu.yield
    }) : () -> ()
    %add3A_102 = arith.constant 128 : i32
    %add3A_103 = arith.addi %mul3A_99, %add3A_102 : i32
    "tpu.region"() ({
      %run_scoped3A_109 = tpu.sem_alloc : memref<!tpu.dma_semaphore, #tpu.memory_space<semaphore_mem>>
      %dma_start3A = arith.constant 0 : i32
      %dma_start3A_110 = arith.constant 0 : i32
      %dma_start3A_111 = tpu.memref_slice %arg6[%dma_start3A, %dma_start3A_110] : memref<128x16xf32, #tpu.memory_space<vmem>> -> memref<32x16xf32, #tpu.memory_space<vmem>>
      %dma_start3A_112 = arith.constant 0 : i32
      %dma_start3A_113 = tpu.memref_slice %arg7[%add3A_103, %dma_start3A_112] : memref<2688x16xf32, #tpu.memory_space<vmem_shared>> -> memref<32x16xf32, #tpu.memory_space<vmem_shared>>
      %dma_start3A_114 = arith.constant 0 : i32
      %dma_start3A_115 = arith.constant 0 : i32
      %dma_start3A_116 = tpu.memref_slice %arg6[%dma_start3A_114, %dma_start3A_115] : memref<128x16xf32, #tpu.memory_space<vmem>> -> memref<32x16xf32, #tpu.memory_space<vmem>>
      %dma_start3A_117 = arith.constant 0 : i32
      %dma_start3A_118 = tpu.memref_slice %arg7[%add3A_103, %dma_start3A_117] : memref<2688x16xf32, #tpu.memory_space<vmem_shared>> -> memref<32x16xf32, #tpu.memory_space<vmem_shared>>
      tpu.enqueue_dma source(%dma_start3A_118 : memref<32x16xf32, #tpu.memory_space<vmem_shared>>) target(%dma_start3A_116 : memref<32x16xf32, #tpu.memory_space<vmem>>) target_semaphore(%run_scoped3A_109 : memref<!tpu.dma_semaphore, #tpu.memory_space<semaphore_mem>>)
      %dma_wait3A = arith.constant 0 : i32
      %dma_wait3A_119 = arith.constant 0 : i32
      %dma_wait3A_120 = tpu.memref_slice %arg6[%dma_wait3A, %dma_wait3A_119] : memref<128x16xf32, #tpu.memory_space<vmem>> -> memref<32x16xf32, #tpu.memory_space<vmem>>
      %dma_wait3A_121 = arith.constant 0 : i32
      %dma_wait3A_122 = tpu.memref_slice %arg7[%add3A_103, %dma_wait3A_121] : memref<2688x16xf32, #tpu.memory_space<vmem_shared>> -> memref<32x16xf32, #tpu.memory_space<vmem_shared>>
      %dma_wait3A_123 = arith.constant 0 : i32
      %dma_wait3A_124 = arith.constant 0 : i32
      %dma_wait3A_125 = tpu.memref_slice %arg6[%dma_wait3A_123, %dma_wait3A_124] : memref<128x16xf32, #tpu.memory_space<vmem>> -> memref<32x16xf32, #tpu.memory_space<vmem>>
      %dma_wait3A_126 = arith.constant 0 : i32
      %dma_wait3A_127 = tpu.memref_slice %arg7[%add3A_103, %dma_wait3A_126] : memref<2688x16xf32, #tpu.memory_space<vmem_shared>> -> memref<32x16xf32, #tpu.memory_space<vmem_shared>>
      tpu.wait_dma2 semaphore(%run_scoped3A_109 : memref<!tpu.dma_semaphore, #tpu.memory_space<semaphore_mem>>) src(%dma_wait3A_127 : memref<32x16xf32, #tpu.memory_space<vmem_shared>>) dst(%dma_wait3A_125 : memref<32x16xf32, #tpu.memory_space<vmem>>)
      tpu.yield
    }) : () -> ()
    %add3A_104 = arith.constant 7680 : i32
    %add3A_105 = arith.addi %add3A_104, %mul3A_99 : i32
    %add3A_106 = arith.constant 128 : i32
    %add3A_107 = arith.addi %add3A_105, %add3A_106 : i32
    "tpu.region"() ({
      %run_scoped3A_109 = tpu.sem_alloc : memref<!tpu.dma_semaphore, #tpu.memory_space<semaphore_mem>>
      %dma_start3A = arith.constant 0 : i32
      %dma_start3A_110 = arith.constant 0 : i32
      %dma_start3A_111 = tpu.memref_slice %arg6[%dma_start3A, %dma_start3A_110] : memref<128x16xf32, #tpu.memory_space<vmem>> -> memref<32x16xf32, #tpu.memory_space<vmem>>
      %dma_start3A_112 = arith.constant 0 : i32
      %dma_start3A_113 = tpu.memref_slice %arg3[%arg0, %add3A_107, %dma_start3A_112] : memref<2x10240x16xf32, #tpu.memory_space<hbm>> -> memref<1x32x16xf32, #tpu.memory_space<hbm>>
      %dma_start3A_114 = tpu.memref_squeeze %dma_start3A_113 : memref<1x32x16xf32, #tpu.memory_space<hbm>> -> memref<32x16xf32, #tpu.memory_space<hbm>>
      %dma_start3A_115 = arith.constant 0 : i32
      %dma_start3A_116 = tpu.memref_slice %arg3[%arg0, %add3A_107, %dma_start3A_115] : memref<2x10240x16xf32, #tpu.memory_space<hbm>> -> memref<1x32x16xf32, #tpu.memory_space<hbm>>
      %dma_start3A_117 = tpu.memref_squeeze %dma_start3A_116 : memref<1x32x16xf32, #tpu.memory_space<hbm>> -> memref<32x16xf32, #tpu.memory_space<hbm>>
      %dma_start3A_118 = arith.constant 0 : i32
      %dma_start3A_119 = arith.constant 0 : i32
      %dma_start3A_120 = tpu.memref_slice %arg6[%dma_start3A_118, %dma_start3A_119] : memref<128x16xf32, #tpu.memory_space<vmem>> -> memref<32x16xf32, #tpu.memory_space<vmem>>
      tpu.enqueue_dma source(%dma_start3A_120 : memref<32x16xf32, #tpu.memory_space<vmem>>) target(%dma_start3A_117 : memref<32x16xf32, #tpu.memory_space<hbm>>) target_semaphore(%run_scoped3A_109 : memref<!tpu.dma_semaphore, #tpu.memory_space<semaphore_mem>>)
      %dma_wait3A = arith.constant 0 : i32
      %dma_wait3A_121 = arith.constant 0 : i32
      %dma_wait3A_122 = tpu.memref_slice %arg6[%dma_wait3A, %dma_wait3A_121] : memref<128x16xf32, #tpu.memory_space<vmem>> -> memref<32x16xf32, #tpu.memory_space<vmem>>
      %dma_wait3A_123 = arith.constant 0 : i32
      %dma_wait3A_124 = tpu.memref_slice %arg3[%arg0, %add3A_107, %dma_wait3A_123] : memref<2x10240x16xf32, #tpu.memory_space<hbm>> -> memref<1x32x16xf32, #tpu.memory_space<hbm>>
      %dma_wait3A_125 = tpu.memref_squeeze %dma_wait3A_124 : memref<1x32x16xf32, #tpu.memory_space<hbm>> -> memref<32x16xf32, #tpu.memory_space<hbm>>
      %dma_wait3A_126 = arith.constant 0 : i32
      %dma_wait3A_127 = tpu.memref_slice %arg3[%arg0, %add3A_107, %dma_wait3A_126] : memref<2x10240x16xf32, #tpu.memory_space<hbm>> -> memref<1x32x16xf32, #tpu.memory_space<hbm>>
      %dma_wait3A_128 = tpu.memref_squeeze %dma_wait3A_127 : memref<1x32x16xf32, #tpu.memory_space<hbm>> -> memref<32x16xf32, #tpu.memory_space<hbm>>
      %dma_wait3A_129 = arith.constant 0 : i32
      %dma_wait3A_130 = arith.constant 0 : i32
      %dma_wait3A_131 = tpu.memref_slice %arg6[%dma_wait3A_129, %dma_wait3A_130] : memref<128x16xf32, #tpu.memory_space<vmem>> -> memref<32x16xf32, #tpu.memory_space<vmem>>
      tpu.wait_dma2 semaphore(%run_scoped3A_109 : memref<!tpu.dma_semaphore, #tpu.memory_space<semaphore_mem>>) src(%dma_wait3A_131 : memref<32x16xf32, #tpu.memory_space<vmem>>) dst(%dma_wait3A_128 : memref<32x16xf32, #tpu.memory_space<hbm>>)
      tpu.yield
    }) : () -> ()
    %barrier3A_108 = arith.constant 0 : index
    tpu.barrier barrier_id(%barrier3A_108)
    return
  }
}

#map = affine_map<(d0, d1) -> (0, 0)>
#map1 = affine_map<(d0, d1) -> (0, 0, 0, 0)>
#map2 = affine_map<(d0, d1) -> (0, 0, 0)>
module attributes {stable_mosaic.version = 14 : i64} {
  func.func @_scatter_kernel(%arg0: i32, %arg1: i32, %arg2: memref<20480x128xf32, #tpu.memory_space<hbm>>, %arg3: memref<2x16x160x125xi32, #tpu.memory_space<hbm>>, %arg4: memref<2x16x160x125xi32, #tpu.memory_space<hbm>>, %arg5: memref<2x10240x128xf32, #tpu.memory_space<hbm>>, %arg6: memref<160x125xi32, #tpu.memory_space<vmem>>, %arg7: memref<160x125xi32, #tpu.memory_space<vmem>>, %arg8: memref<125x128xf32, #tpu.memory_space<vmem>>, %arg9: memref<125x128xf32, #tpu.memory_space<vmem>>, %arg10: memref<64x128xf32, #tpu.memory_space<vmem>>, %arg11: memref<5248x128xf32, #tpu.memory_space<vmem_shared>>, %arg12: memref<!tpu.dma_semaphore, #tpu.memory_space<semaphore_mem>>, %arg13: memref<!tpu.dma_semaphore, #tpu.memory_space<semaphore_mem>>) attributes {dimension_semantics = [#tpu.dimension_semantics<core_parallel>, #tpu.dimension_semantics<subcore_parallel>], iteration_bounds = array<i64: 2, 16>, scalar_prefetch = 0 : i64, scratch_operands = 8 : i64, tpu.core_type = #tpu.core_type<sc_vector_subcore>, window_params = [{transform_indices = #map}, {transform_indices = #map1}, {transform_indices = #map1}, {transform_indices = #map2}]} {
    %broadcast_in_dim3A = arith.constant 0.000000e+00 : f32
    %broadcast_in_dim3A_0 = vector.broadcast %broadcast_in_dim3A : f32 to vector<16xf32>
    %scan3A = arith.constant 0 : i32
    %scan3A_1 = arith.constant 0 : i32
    %scan3A_2 = arith.constant 64 : i32
    %scan3A_3 = arith.addi %scan3A_1, %scan3A_2 : i32
    %scan3A_4 = arith.constant 1 : i32
    scf.for %scan3A_130 = %scan3A_1 to %scan3A_3 step %scan3A_4  : i32 {
      %swap3A = arith.index_cast %scan3A_130 : i32 to index
      %swap3A_131 = arith.constant 0 : index
      %swap3A_132 = tpu.vector_load %arg10[%swap3A, %swap3A_131] {strides = array<i32>} : memref<64x128xf32, #tpu.memory_space<vmem>>, vector<1x16xf32>,
      %swap3A_133 = vector.shape_cast %swap3A_132 : vector<1x16xf32> to vector<16xf32>
      %swap3A_134 = vector.shape_cast %broadcast_in_dim3A_0 : vector<16xf32> to vector<1x16xf32>
      tpu.vector_store %arg10[%swap3A, %swap3A_131], %swap3A_134 {strides = array<i32>} : memref<64x128xf32, #tpu.memory_space<vmem>>, vector<1x16xf32>,
      %swap3A_135 = arith.index_cast %scan3A_130 : i32 to index
      %swap3A_136 = arith.constant 16 : index
      %swap3A_137 = tpu.vector_load %arg10[%swap3A_135, %swap3A_136] {strides = array<i32>} : memref<64x128xf32, #tpu.memory_space<vmem>>, vector<1x16xf32>,
      %swap3A_138 = vector.shape_cast %swap3A_137 : vector<1x16xf32> to vector<16xf32>
      %swap3A_139 = vector.shape_cast %broadcast_in_dim3A_0 : vector<16xf32> to vector<1x16xf32>
      tpu.vector_store %arg10[%swap3A_135, %swap3A_136], %swap3A_139 {strides = array<i32>} : memref<64x128xf32, #tpu.memory_space<vmem>>, vector<1x16xf32>,
      %swap3A_140 = arith.index_cast %scan3A_130 : i32 to index
      %swap3A_141 = arith.constant 32 : index
      %swap3A_142 = tpu.vector_load %arg10[%swap3A_140, %swap3A_141] {strides = array<i32>} : memref<64x128xf32, #tpu.memory_space<vmem>>, vector<1x16xf32>,
      %swap3A_143 = vector.shape_cast %swap3A_142 : vector<1x16xf32> to vector<16xf32>
      %swap3A_144 = vector.shape_cast %broadcast_in_dim3A_0 : vector<16xf32> to vector<1x16xf32>
      tpu.vector_store %arg10[%swap3A_140, %swap3A_141], %swap3A_144 {strides = array<i32>} : memref<64x128xf32, #tpu.memory_space<vmem>>, vector<1x16xf32>,
      %swap3A_145 = arith.index_cast %scan3A_130 : i32 to index
      %swap3A_146 = arith.constant 48 : index
      %swap3A_147 = tpu.vector_load %arg10[%swap3A_145, %swap3A_146] {strides = array<i32>} : memref<64x128xf32, #tpu.memory_space<vmem>>, vector<1x16xf32>,
      %swap3A_148 = vector.shape_cast %swap3A_147 : vector<1x16xf32> to vector<16xf32>
      %swap3A_149 = vector.shape_cast %broadcast_in_dim3A_0 : vector<16xf32> to vector<1x16xf32>
      tpu.vector_store %arg10[%swap3A_145, %swap3A_146], %swap3A_149 {strides = array<i32>} : memref<64x128xf32, #tpu.memory_space<vmem>>, vector<1x16xf32>,
      %swap3A_150 = arith.index_cast %scan3A_130 : i32 to index
      %swap3A_151 = arith.constant 64 : index
      %swap3A_152 = tpu.vector_load %arg10[%swap3A_150, %swap3A_151] {strides = array<i32>} : memref<64x128xf32, #tpu.memory_space<vmem>>, vector<1x16xf32>,
      %swap3A_153 = vector.shape_cast %swap3A_152 : vector<1x16xf32> to vector<16xf32>
      %swap3A_154 = vector.shape_cast %broadcast_in_dim3A_0 : vector<16xf32> to vector<1x16xf32>
      tpu.vector_store %arg10[%swap3A_150, %swap3A_151], %swap3A_154 {strides = array<i32>} : memref<64x128xf32, #tpu.memory_space<vmem>>, vector<1x16xf32>,
      %swap3A_155 = arith.index_cast %scan3A_130 : i32 to index
      %swap3A_156 = arith.constant 80 : index
      %swap3A_157 = tpu.vector_load %arg10[%swap3A_155, %swap3A_156] {strides = array<i32>} : memref<64x128xf32, #tpu.memory_space<vmem>>, vector<1x16xf32>,
      %swap3A_158 = vector.shape_cast %swap3A_157 : vector<1x16xf32> to vector<16xf32>
      %swap3A_159 = vector.shape_cast %broadcast_in_dim3A_0 : vector<16xf32> to vector<1x16xf32>
      tpu.vector_store %arg10[%swap3A_155, %swap3A_156], %swap3A_159 {strides = array<i32>} : memref<64x128xf32, #tpu.memory_space<vmem>>, vector<1x16xf32>,
      %swap3A_160 = arith.index_cast %scan3A_130 : i32 to index
      %swap3A_161 = arith.constant 96 : index
      %swap3A_162 = tpu.vector_load %arg10[%swap3A_160, %swap3A_161] {strides = array<i32>} : memref<64x128xf32, #tpu.memory_space<vmem>>, vector<1x16xf32>,
      %swap3A_163 = vector.shape_cast %swap3A_162 : vector<1x16xf32> to vector<16xf32>
      %swap3A_164 = vector.shape_cast %broadcast_in_dim3A_0 : vector<16xf32> to vector<1x16xf32>
      tpu.vector_store %arg10[%swap3A_160, %swap3A_161], %swap3A_164 {strides = array<i32>} : memref<64x128xf32, #tpu.memory_space<vmem>>, vector<1x16xf32>,
      %swap3A_165 = arith.index_cast %scan3A_130 : i32 to index
      %swap3A_166 = arith.constant 112 : index
      %swap3A_167 = tpu.vector_load %arg10[%swap3A_165, %swap3A_166] {strides = array<i32>} : memref<64x128xf32, #tpu.memory_space<vmem>>, vector<1x16xf32>,
      %swap3A_168 = vector.shape_cast %swap3A_167 : vector<1x16xf32> to vector<16xf32>
      %swap3A_169 = vector.shape_cast %broadcast_in_dim3A_0 : vector<16xf32> to vector<1x16xf32>
      tpu.vector_store %arg10[%swap3A_165, %swap3A_166], %swap3A_169 {strides = array<i32>} : memref<64x128xf32, #tpu.memory_space<vmem>>, vector<1x16xf32>,
    }
    %scan3A_5 = arith.constant 64 : i32
    %mul3A = arith.constant 328 : i32
    %mul3A_6 = arith.muli %arg1, %mul3A : i32
    %add3A = arith.constant 0 : i32
    %add3A_7 = arith.addi %mul3A_6, %add3A : i32
    "tpu.region"() ({
      %run_scoped3A_130 = tpu.sem_alloc : memref<!tpu.dma_semaphore, #tpu.memory_space<semaphore_mem>>
      %dma_start3A = arith.constant 0 : i32
      %dma_start3A_131 = tpu.memref_slice %arg11[%add3A_7, %dma_start3A] : memref<5248x128xf32, #tpu.memory_space<vmem_shared>> -> memref<64x128xf32, #tpu.memory_space<vmem_shared>>
      %dma_start3A_132 = arith.constant 0 : i32
      %dma_start3A_133 = tpu.memref_slice %arg11[%add3A_7, %dma_start3A_132] : memref<5248x128xf32, #tpu.memory_space<vmem_shared>> -> memref<64x128xf32, #tpu.memory_space<vmem_shared>>
      tpu.enqueue_dma source(%arg10 : memref<64x128xf32, #tpu.memory_space<vmem>>) target(%dma_start3A_133 : memref<64x128xf32, #tpu.memory_space<vmem_shared>>) target_semaphore(%run_scoped3A_130 : memref<!tpu.dma_semaphore, #tpu.memory_space<semaphore_mem>>)
      %dma_wait3A = arith.constant 0 : i32
      %dma_wait3A_134 = tpu.memref_slice %arg11[%add3A_7, %dma_wait3A] : memref<5248x128xf32, #tpu.memory_space<vmem_shared>> -> memref<64x128xf32, #tpu.memory_space<vmem_shared>>
      %dma_wait3A_135 = arith.constant 0 : i32
      %dma_wait3A_136 = tpu.memref_slice %arg11[%add3A_7, %dma_wait3A_135] : memref<5248x128xf32, #tpu.memory_space<vmem_shared>> -> memref<64x128xf32, #tpu.memory_space<vmem_shared>>
      tpu.wait_dma2 semaphore(%run_scoped3A_130 : memref<!tpu.dma_semaphore, #tpu.memory_space<semaphore_mem>>) src(%arg10 : memref<64x128xf32, #tpu.memory_space<vmem>>) dst(%dma_wait3A_136 : memref<64x128xf32, #tpu.memory_space<vmem_shared>>)
      tpu.yield
    }) : () -> ()
    %add3A_8 = arith.constant 64 : i32
    %add3A_9 = arith.addi %mul3A_6, %add3A_8 : i32
    "tpu.region"() ({
      %run_scoped3A_130 = tpu.sem_alloc : memref<!tpu.dma_semaphore, #tpu.memory_space<semaphore_mem>>
      %dma_start3A = arith.constant 0 : i32
      %dma_start3A_131 = tpu.memref_slice %arg11[%add3A_9, %dma_start3A] : memref<5248x128xf32, #tpu.memory_space<vmem_shared>> -> memref<64x128xf32, #tpu.memory_space<vmem_shared>>
      %dma_start3A_132 = arith.constant 0 : i32
      %dma_start3A_133 = tpu.memref_slice %arg11[%add3A_9, %dma_start3A_132] : memref<5248x128xf32, #tpu.memory_space<vmem_shared>> -> memref<64x128xf32, #tpu.memory_space<vmem_shared>>
      tpu.enqueue_dma source(%arg10 : memref<64x128xf32, #tpu.memory_space<vmem>>) target(%dma_start3A_133 : memref<64x128xf32, #tpu.memory_space<vmem_shared>>) target_semaphore(%run_scoped3A_130 : memref<!tpu.dma_semaphore, #tpu.memory_space<semaphore_mem>>)
      %dma_wait3A = arith.constant 0 : i32
      %dma_wait3A_134 = tpu.memref_slice %arg11[%add3A_9, %dma_wait3A] : memref<5248x128xf32, #tpu.memory_space<vmem_shared>> -> memref<64x128xf32, #tpu.memory_space<vmem_shared>>
      %dma_wait3A_135 = arith.constant 0 : i32
      %dma_wait3A_136 = tpu.memref_slice %arg11[%add3A_9, %dma_wait3A_135] : memref<5248x128xf32, #tpu.memory_space<vmem_shared>> -> memref<64x128xf32, #tpu.memory_space<vmem_shared>>
      tpu.wait_dma2 semaphore(%run_scoped3A_130 : memref<!tpu.dma_semaphore, #tpu.memory_space<semaphore_mem>>) src(%arg10 : memref<64x128xf32, #tpu.memory_space<vmem>>) dst(%dma_wait3A_136 : memref<64x128xf32, #tpu.memory_space<vmem_shared>>)
      tpu.yield
    }) : () -> ()
    %add3A_10 = arith.constant 128 : i32
    %add3A_11 = arith.addi %mul3A_6, %add3A_10 : i32
    "tpu.region"() ({
      %run_scoped3A_130 = tpu.sem_alloc : memref<!tpu.dma_semaphore, #tpu.memory_space<semaphore_mem>>
      %dma_start3A = arith.constant 0 : i32
      %dma_start3A_131 = tpu.memref_slice %arg11[%add3A_11, %dma_start3A] : memref<5248x128xf32, #tpu.memory_space<vmem_shared>> -> memref<64x128xf32, #tpu.memory_space<vmem_shared>>
      %dma_start3A_132 = arith.constant 0 : i32
      %dma_start3A_133 = tpu.memref_slice %arg11[%add3A_11, %dma_start3A_132] : memref<5248x128xf32, #tpu.memory_space<vmem_shared>> -> memref<64x128xf32, #tpu.memory_space<vmem_shared>>
      tpu.enqueue_dma source(%arg10 : memref<64x128xf32, #tpu.memory_space<vmem>>) target(%dma_start3A_133 : memref<64x128xf32, #tpu.memory_space<vmem_shared>>) target_semaphore(%run_scoped3A_130 : memref<!tpu.dma_semaphore, #tpu.memory_space<semaphore_mem>>)
      %dma_wait3A = arith.constant 0 : i32
      %dma_wait3A_134 = tpu.memref_slice %arg11[%add3A_11, %dma_wait3A] : memref<5248x128xf32, #tpu.memory_space<vmem_shared>> -> memref<64x128xf32, #tpu.memory_space<vmem_shared>>
      %dma_wait3A_135 = arith.constant 0 : i32
      %dma_wait3A_136 = tpu.memref_slice %arg11[%add3A_11, %dma_wait3A_135] : memref<5248x128xf32, #tpu.memory_space<vmem_shared>> -> memref<64x128xf32, #tpu.memory_space<vmem_shared>>
      tpu.wait_dma2 semaphore(%run_scoped3A_130 : memref<!tpu.dma_semaphore, #tpu.memory_space<semaphore_mem>>) src(%arg10 : memref<64x128xf32, #tpu.memory_space<vmem>>) dst(%dma_wait3A_136 : memref<64x128xf32, #tpu.memory_space<vmem_shared>>)
      tpu.yield
    }) : () -> ()
    %add3A_12 = arith.constant 192 : i32
    %add3A_13 = arith.addi %mul3A_6, %add3A_12 : i32
    "tpu.region"() ({
      %run_scoped3A_130 = tpu.sem_alloc : memref<!tpu.dma_semaphore, #tpu.memory_space<semaphore_mem>>
      %dma_start3A = arith.constant 0 : i32
      %dma_start3A_131 = tpu.memref_slice %arg11[%add3A_13, %dma_start3A] : memref<5248x128xf32, #tpu.memory_space<vmem_shared>> -> memref<64x128xf32, #tpu.memory_space<vmem_shared>>
      %dma_start3A_132 = arith.constant 0 : i32
      %dma_start3A_133 = tpu.memref_slice %arg11[%add3A_13, %dma_start3A_132] : memref<5248x128xf32, #tpu.memory_space<vmem_shared>> -> memref<64x128xf32, #tpu.memory_space<vmem_shared>>
      tpu.enqueue_dma source(%arg10 : memref<64x128xf32, #tpu.memory_space<vmem>>) target(%dma_start3A_133 : memref<64x128xf32, #tpu.memory_space<vmem_shared>>) target_semaphore(%run_scoped3A_130 : memref<!tpu.dma_semaphore, #tpu.memory_space<semaphore_mem>>)
      %dma_wait3A = arith.constant 0 : i32
      %dma_wait3A_134 = tpu.memref_slice %arg11[%add3A_13, %dma_wait3A] : memref<5248x128xf32, #tpu.memory_space<vmem_shared>> -> memref<64x128xf32, #tpu.memory_space<vmem_shared>>
      %dma_wait3A_135 = arith.constant 0 : i32
      %dma_wait3A_136 = tpu.memref_slice %arg11[%add3A_13, %dma_wait3A_135] : memref<5248x128xf32, #tpu.memory_space<vmem_shared>> -> memref<64x128xf32, #tpu.memory_space<vmem_shared>>
      tpu.wait_dma2 semaphore(%run_scoped3A_130 : memref<!tpu.dma_semaphore, #tpu.memory_space<semaphore_mem>>) src(%arg10 : memref<64x128xf32, #tpu.memory_space<vmem>>) dst(%dma_wait3A_136 : memref<64x128xf32, #tpu.memory_space<vmem_shared>>)
      tpu.yield
    }) : () -> ()
    %add3A_14 = arith.constant 256 : i32
    %add3A_15 = arith.addi %mul3A_6, %add3A_14 : i32
    "tpu.region"() ({
      %run_scoped3A_130 = tpu.sem_alloc : memref<!tpu.dma_semaphore, #tpu.memory_space<semaphore_mem>>
      %dma_start3A = arith.constant 0 : i32
      %dma_start3A_131 = tpu.memref_slice %arg11[%add3A_15, %dma_start3A] : memref<5248x128xf32, #tpu.memory_space<vmem_shared>> -> memref<64x128xf32, #tpu.memory_space<vmem_shared>>
      %dma_start3A_132 = arith.constant 0 : i32
      %dma_start3A_133 = tpu.memref_slice %arg11[%add3A_15, %dma_start3A_132] : memref<5248x128xf32, #tpu.memory_space<vmem_shared>> -> memref<64x128xf32, #tpu.memory_space<vmem_shared>>
      tpu.enqueue_dma source(%arg10 : memref<64x128xf32, #tpu.memory_space<vmem>>) target(%dma_start3A_133 : memref<64x128xf32, #tpu.memory_space<vmem_shared>>) target_semaphore(%run_scoped3A_130 : memref<!tpu.dma_semaphore, #tpu.memory_space<semaphore_mem>>)
      %dma_wait3A = arith.constant 0 : i32
      %dma_wait3A_134 = tpu.memref_slice %arg11[%add3A_15, %dma_wait3A] : memref<5248x128xf32, #tpu.memory_space<vmem_shared>> -> memref<64x128xf32, #tpu.memory_space<vmem_shared>>
      %dma_wait3A_135 = arith.constant 0 : i32
      %dma_wait3A_136 = tpu.memref_slice %arg11[%add3A_15, %dma_wait3A_135] : memref<5248x128xf32, #tpu.memory_space<vmem_shared>> -> memref<64x128xf32, #tpu.memory_space<vmem_shared>>
      tpu.wait_dma2 semaphore(%run_scoped3A_130 : memref<!tpu.dma_semaphore, #tpu.memory_space<semaphore_mem>>) src(%arg10 : memref<64x128xf32, #tpu.memory_space<vmem>>) dst(%dma_wait3A_136 : memref<64x128xf32, #tpu.memory_space<vmem_shared>>)
      tpu.yield
    }) : () -> ()
    %add3A_16 = arith.constant 320 : i32
    %add3A_17 = arith.addi %mul3A_6, %add3A_16 : i32
    "tpu.region"() ({
      %run_scoped3A_130 = tpu.sem_alloc : memref<!tpu.dma_semaphore, #tpu.memory_space<semaphore_mem>>
      %dma_start3A = arith.constant 0 : i32
      %dma_start3A_131 = arith.constant 0 : i32
      %dma_start3A_132 = tpu.memref_slice %arg10[%dma_start3A, %dma_start3A_131] : memref<64x128xf32, #tpu.memory_space<vmem>> -> memref<8x128xf32, #tpu.memory_space<vmem>>
      %dma_start3A_133 = arith.constant 0 : i32
      %dma_start3A_134 = tpu.memref_slice %arg11[%add3A_17, %dma_start3A_133] : memref<5248x128xf32, #tpu.memory_space<vmem_shared>> -> memref<8x128xf32, #tpu.memory_space<vmem_shared>>
      %dma_start3A_135 = arith.constant 0 : i32
      %dma_start3A_136 = tpu.memref_slice %arg11[%add3A_17, %dma_start3A_135] : memref<5248x128xf32, #tpu.memory_space<vmem_shared>> -> memref<8x128xf32, #tpu.memory_space<vmem_shared>>
      %dma_start3A_137 = arith.constant 0 : i32
      %dma_start3A_138 = arith.constant 0 : i32
      %dma_start3A_139 = tpu.memref_slice %arg10[%dma_start3A_137, %dma_start3A_138] : memref<64x128xf32, #tpu.memory_space<vmem>> -> memref<8x128xf32, #tpu.memory_space<vmem>>
      tpu.enqueue_dma source(%dma_start3A_139 : memref<8x128xf32, #tpu.memory_space<vmem>>) target(%dma_start3A_136 : memref<8x128xf32, #tpu.memory_space<vmem_shared>>) target_semaphore(%run_scoped3A_130 : memref<!tpu.dma_semaphore, #tpu.memory_space<semaphore_mem>>)
      %dma_wait3A = arith.constant 0 : i32
      %dma_wait3A_140 = arith.constant 0 : i32
      %dma_wait3A_141 = tpu.memref_slice %arg10[%dma_wait3A, %dma_wait3A_140] : memref<64x128xf32, #tpu.memory_space<vmem>> -> memref<8x128xf32, #tpu.memory_space<vmem>>
      %dma_wait3A_142 = arith.constant 0 : i32
      %dma_wait3A_143 = tpu.memref_slice %arg11[%add3A_17, %dma_wait3A_142] : memref<5248x128xf32, #tpu.memory_space<vmem_shared>> -> memref<8x128xf32, #tpu.memory_space<vmem_shared>>
      %dma_wait3A_144 = arith.constant 0 : i32
      %dma_wait3A_145 = tpu.memref_slice %arg11[%add3A_17, %dma_wait3A_144] : memref<5248x128xf32, #tpu.memory_space<vmem_shared>> -> memref<8x128xf32, #tpu.memory_space<vmem_shared>>
      %dma_wait3A_146 = arith.constant 0 : i32
      %dma_wait3A_147 = arith.constant 0 : i32
      %dma_wait3A_148 = tpu.memref_slice %arg10[%dma_wait3A_146, %dma_wait3A_147] : memref<64x128xf32, #tpu.memory_space<vmem>> -> memref<8x128xf32, #tpu.memory_space<vmem>>
      tpu.wait_dma2 semaphore(%run_scoped3A_130 : memref<!tpu.dma_semaphore, #tpu.memory_space<semaphore_mem>>) src(%dma_wait3A_148 : memref<8x128xf32, #tpu.memory_space<vmem>>) dst(%dma_wait3A_145 : memref<8x128xf32, #tpu.memory_space<vmem_shared>>)
      tpu.yield
    }) : () -> ()
    %barrier3A = arith.constant 0 : index
    tpu.barrier barrier_id(%barrier3A)
    "tpu.region"() ({
      %run_scoped3A_130 = tpu.sem_alloc : memref<!tpu.dma_semaphore, #tpu.memory_space<semaphore_mem>>
      %dma_start3A = arith.constant 0 : i32
      %dma_start3A_131 = arith.constant 0 : i32
      %dma_start3A_132 = tpu.memref_slice %arg3[%arg0, %arg1, %dma_start3A, %dma_start3A_131] : memref<2x16x160x125xi32, #tpu.memory_space<hbm>> -> memref<1x1x160x125xi32, #tpu.memory_space<hbm>>
      %dma_start3A_133 = tpu.memref_squeeze %dma_start3A_132 : memref<1x1x160x125xi32, #tpu.memory_space<hbm>> -> memref<160x125xi32, #tpu.memory_space<hbm>>
      %dma_start3A_134 = arith.constant 0 : i32
      %dma_start3A_135 = arith.constant 0 : i32
      %dma_start3A_136 = tpu.memref_slice %arg3[%arg0, %arg1, %dma_start3A_134, %dma_start3A_135] : memref<2x16x160x125xi32, #tpu.memory_space<hbm>> -> memref<1x1x160x125xi32, #tpu.memory_space<hbm>>
      %dma_start3A_137 = tpu.memref_squeeze %dma_start3A_136 : memref<1x1x160x125xi32, #tpu.memory_space<hbm>> -> memref<160x125xi32, #tpu.memory_space<hbm>>
      tpu.enqueue_dma source(%dma_start3A_137 : memref<160x125xi32, #tpu.memory_space<hbm>>) target(%arg6 : memref<160x125xi32, #tpu.memory_space<vmem>>) target_semaphore(%run_scoped3A_130 : memref<!tpu.dma_semaphore, #tpu.memory_space<semaphore_mem>>)
      %dma_wait3A = arith.constant 0 : i32
      %dma_wait3A_138 = arith.constant 0 : i32
      %dma_wait3A_139 = tpu.memref_slice %arg3[%arg0, %arg1, %dma_wait3A, %dma_wait3A_138] : memref<2x16x160x125xi32, #tpu.memory_space<hbm>> -> memref<1x1x160x125xi32, #tpu.memory_space<hbm>>
      %dma_wait3A_140 = tpu.memref_squeeze %dma_wait3A_139 : memref<1x1x160x125xi32, #tpu.memory_space<hbm>> -> memref<160x125xi32, #tpu.memory_space<hbm>>
      %dma_wait3A_141 = arith.constant 0 : i32
      %dma_wait3A_142 = arith.constant 0 : i32
      %dma_wait3A_143 = tpu.memref_slice %arg3[%arg0, %arg1, %dma_wait3A_141, %dma_wait3A_142] : memref<2x16x160x125xi32, #tpu.memory_space<hbm>> -> memref<1x1x160x125xi32, #tpu.memory_space<hbm>>
      %dma_wait3A_144 = tpu.memref_squeeze %dma_wait3A_143 : memref<1x1x160x125xi32, #tpu.memory_space<hbm>> -> memref<160x125xi32, #tpu.memory_space<hbm>>
      tpu.wait_dma2 semaphore(%run_scoped3A_130 : memref<!tpu.dma_semaphore, #tpu.memory_space<semaphore_mem>>) src(%dma_wait3A_144 : memref<160x125xi32, #tpu.memory_space<hbm>>) dst(%arg6 : memref<160x125xi32, #tpu.memory_space<vmem>>)
      tpu.yield
    }) : () -> ()
    %run_scoped3A = arith.constant 0 : i32
    "tpu.region"() ({
      %run_scoped3A_130 = tpu.sem_alloc : memref<!tpu.dma_semaphore, #tpu.memory_space<semaphore_mem>>
      %dma_start3A = arith.constant 0 : i32
      %dma_start3A_131 = arith.constant 0 : i32
      %dma_start3A_132 = tpu.memref_slice %arg4[%run_scoped3A, %arg1, %dma_start3A, %dma_start3A_131] : memref<2x16x160x125xi32, #tpu.memory_space<hbm>> -> memref<1x1x160x125xi32, #tpu.memory_space<hbm>>
      %dma_start3A_133 = tpu.memref_squeeze %dma_start3A_132 : memref<1x1x160x125xi32, #tpu.memory_space<hbm>> -> memref<160x125xi32, #tpu.memory_space<hbm>>
      %dma_start3A_134 = arith.constant 0 : i32
      %dma_start3A_135 = arith.constant 0 : i32
      %dma_start3A_136 = tpu.memref_slice %arg4[%run_scoped3A, %arg1, %dma_start3A_134, %dma_start3A_135] : memref<2x16x160x125xi32, #tpu.memory_space<hbm>> -> memref<1x1x160x125xi32, #tpu.memory_space<hbm>>
      %dma_start3A_137 = tpu.memref_squeeze %dma_start3A_136 : memref<1x1x160x125xi32, #tpu.memory_space<hbm>> -> memref<160x125xi32, #tpu.memory_space<hbm>>
      tpu.enqueue_dma source(%dma_start3A_137 : memref<160x125xi32, #tpu.memory_space<hbm>>) target(%arg7 : memref<160x125xi32, #tpu.memory_space<vmem>>) target_semaphore(%run_scoped3A_130 : memref<!tpu.dma_semaphore, #tpu.memory_space<semaphore_mem>>)
      %dma_wait3A = arith.constant 0 : i32
      %dma_wait3A_138 = arith.constant 0 : i32
      %dma_wait3A_139 = tpu.memref_slice %arg4[%run_scoped3A, %arg1, %dma_wait3A, %dma_wait3A_138] : memref<2x16x160x125xi32, #tpu.memory_space<hbm>> -> memref<1x1x160x125xi32, #tpu.memory_space<hbm>>
      %dma_wait3A_140 = tpu.memref_squeeze %dma_wait3A_139 : memref<1x1x160x125xi32, #tpu.memory_space<hbm>> -> memref<160x125xi32, #tpu.memory_space<hbm>>
      %dma_wait3A_141 = arith.constant 0 : i32
      %dma_wait3A_142 = arith.constant 0 : i32
      %dma_wait3A_143 = tpu.memref_slice %arg4[%run_scoped3A, %arg1, %dma_wait3A_141, %dma_wait3A_142] : memref<2x16x160x125xi32, #tpu.memory_space<hbm>> -> memref<1x1x160x125xi32, #tpu.memory_space<hbm>>
      %dma_wait3A_144 = tpu.memref_squeeze %dma_wait3A_143 : memref<1x1x160x125xi32, #tpu.memory_space<hbm>> -> memref<160x125xi32, #tpu.memory_space<hbm>>
      tpu.wait_dma2 semaphore(%run_scoped3A_130 : memref<!tpu.dma_semaphore, #tpu.memory_space<semaphore_mem>>) src(%dma_wait3A_144 : memref<160x125xi32, #tpu.memory_space<hbm>>) dst(%arg7 : memref<160x125xi32, #tpu.memory_space<vmem>>)
      tpu.yield
    }) : () -> ()
    %scan3A_18 = arith.constant 0 : i32
    %scan3A_19 = arith.constant 0 : i32
    %scan3A_20 = arith.constant 80 : i32
    %scan3A_21 = arith.addi %scan3A_19, %scan3A_20 : i32
    %scan3A_22 = arith.constant 1 : i32
    scf.for %scan3A_130 = %scan3A_19 to %scan3A_21 step %scan3A_22  : i32 {
      %mul3A_131 = arith.constant 2 : i32
      %mul3A_132 = arith.muli %mul3A_131, %scan3A_130 : i32
      %dma_start3A = arith.constant 0 : i32
      %dma_start3A_133 = tpu.memref_slice %arg6[%mul3A_132, %dma_start3A] : memref<160x125xi32, #tpu.memory_space<vmem>> -> memref<1x125xi32, #tpu.memory_space<vmem>>
      %dma_start3A_134 = tpu.memref_squeeze %dma_start3A_133 : memref<1x125xi32, #tpu.memory_space<vmem>> -> memref<125xi32, #tpu.memory_space<vmem>>
      %dma_start3A_135 = arith.constant 0 : i32
      %dma_start3A_136 = arith.constant 0 : i32
      %dma_start3A_137 = tpu.memref_slice %arg2[%dma_start3A_135, %dma_start3A_136] : memref<20480x128xf32, #tpu.memory_space<hbm>> -> memref<20480x128xf32, #tpu.memory_space<hbm>>
      tpu.enqueue_indirect_dma source(%dma_start3A_137 : memref<20480x128xf32, #tpu.memory_space<hbm>>) target(%arg8 : memref<125x128xf32, #tpu.memory_space<vmem>>) offsets(%dma_start3A_134 : memref<125xi32, #tpu.memory_space<vmem>>) semaphore(%arg12 : memref<!tpu.dma_semaphore, #tpu.memory_space<semaphore_mem>>)
      %add3A_138 = arith.constant 1 : i32
      %add3A_139 = arith.addi %mul3A_132, %add3A_138 : i32
      %dma_start3A_140 = arith.constant 0 : i32
      %dma_start3A_141 = tpu.memref_slice %arg6[%add3A_139, %dma_start3A_140] : memref<160x125xi32, #tpu.memory_space<vmem>> -> memref<1x125xi32, #tpu.memory_space<vmem>>
      %dma_start3A_142 = tpu.memref_squeeze %dma_start3A_141 : memref<1x125xi32, #tpu.memory_space<vmem>> -> memref<125xi32, #tpu.memory_space<vmem>>
      %dma_start3A_143 = arith.constant 0 : i32
      %dma_start3A_144 = arith.constant 0 : i32
      %dma_start3A_145 = tpu.memref_slice %arg2[%dma_start3A_143, %dma_start3A_144] : memref<20480x128xf32, #tpu.memory_space<hbm>> -> memref<20480x128xf32, #tpu.memory_space<hbm>>
      tpu.enqueue_indirect_dma source(%dma_start3A_145 : memref<20480x128xf32, #tpu.memory_space<hbm>>) target(%arg9 : memref<125x128xf32, #tpu.memory_space<vmem>>) offsets(%dma_start3A_142 : memref<125xi32, #tpu.memory_space<vmem>>) semaphore(%arg13 : memref<!tpu.dma_semaphore, #tpu.memory_space<semaphore_mem>>)
      %dma_wait3A = arith.constant 0 : i32
      %dma_wait3A_146 = tpu.memref_slice %arg6[%mul3A_132, %dma_wait3A] : memref<160x125xi32, #tpu.memory_space<vmem>> -> memref<1x125xi32, #tpu.memory_space<vmem>>
      %dma_wait3A_147 = tpu.memref_squeeze %dma_wait3A_146 : memref<1x125xi32, #tpu.memory_space<vmem>> -> memref<125xi32, #tpu.memory_space<vmem>>
      %dma_wait3A_148 = arith.constant 0 : i32
      %dma_wait3A_149 = arith.constant 0 : i32
      %dma_wait3A_150 = tpu.memref_slice %arg2[%dma_wait3A_148, %dma_wait3A_149] : memref<20480x128xf32, #tpu.memory_space<hbm>> -> memref<20480x128xf32, #tpu.memory_space<hbm>>
      tpu.wait_indirect_dma semaphore(%arg12 : memref<!tpu.dma_semaphore, #tpu.memory_space<semaphore_mem>>) src(%dma_wait3A_150 : memref<20480x128xf32, #tpu.memory_space<hbm>>) dst(%arg8 : memref<125x128xf32, #tpu.memory_space<vmem>>)
      "tpu.region"() ({
        %run_scoped3A_159 = tpu.sem_alloc : memref<!tpu.dma_semaphore, #tpu.memory_space<semaphore_mem>>
        %dma_start3A_160 = arith.constant 0 : i32
        %dma_start3A_161 = tpu.memref_slice %arg7[%mul3A_132, %dma_start3A_160] : memref<160x125xi32, #tpu.memory_space<vmem>> -> memref<1x125xi32, #tpu.memory_space<vmem>>
        %dma_start3A_162 = tpu.memref_squeeze %dma_start3A_161 : memref<1x125xi32, #tpu.memory_space<vmem>> -> memref<125xi32, #tpu.memory_space<vmem>>
        %dma_start3A_163 = arith.constant 0 : i32
        %dma_start3A_164 = arith.constant 0 : i32
        %dma_start3A_165 = tpu.memref_slice %arg11[%dma_start3A_163, %dma_start3A_164] : memref<5248x128xf32, #tpu.memory_space<vmem_shared>> -> memref<5248x128xf32, #tpu.memory_space<vmem_shared>>
        tpu.enqueue_indirect_dma source(%arg8 : memref<125x128xf32, #tpu.memory_space<vmem>>) target(%dma_start3A_165 : memref<5248x128xf32, #tpu.memory_space<vmem_shared>>) offsets(%dma_start3A_162 : memref<125xi32, #tpu.memory_space<vmem>>) semaphore(%run_scoped3A_159 : memref<!tpu.dma_semaphore, #tpu.memory_space<semaphore_mem>>) {add = true}
        %dma_wait3A_166 = arith.constant 0 : i32
        %dma_wait3A_167 = tpu.memref_slice %arg7[%mul3A_132, %dma_wait3A_166] : memref<160x125xi32, #tpu.memory_space<vmem>> -> memref<1x125xi32, #tpu.memory_space<vmem>>
        %dma_wait3A_168 = tpu.memref_squeeze %dma_wait3A_167 : memref<1x125xi32, #tpu.memory_space<vmem>> -> memref<125xi32, #tpu.memory_space<vmem>>
        %dma_wait3A_169 = arith.constant 0 : i32
        %dma_wait3A_170 = arith.constant 0 : i32
        %dma_wait3A_171 = tpu.memref_slice %arg11[%dma_wait3A_169, %dma_wait3A_170] : memref<5248x128xf32, #tpu.memory_space<vmem_shared>> -> memref<5248x128xf32, #tpu.memory_space<vmem_shared>>
        tpu.wait_indirect_dma semaphore(%run_scoped3A_159 : memref<!tpu.dma_semaphore, #tpu.memory_space<semaphore_mem>>) src(%arg8 : memref<125x128xf32, #tpu.memory_space<vmem>>) dst(%dma_wait3A_171 : memref<5248x128xf32, #tpu.memory_space<vmem_shared>>)
        tpu.yield
      }) : () -> ()
      %dma_wait3A_151 = arith.constant 0 : i32
      %dma_wait3A_152 = tpu.memref_slice %arg6[%add3A_139, %dma_wait3A_151] : memref<160x125xi32, #tpu.memory_space<vmem>> -> memref<1x125xi32, #tpu.memory_space<vmem>>
      %dma_wait3A_153 = tpu.memref_squeeze %dma_wait3A_152 : memref<1x125xi32, #tpu.memory_space<vmem>> -> memref<125xi32, #tpu.memory_space<vmem>>
      %dma_wait3A_154 = arith.constant 0 : i32
      %dma_wait3A_155 = arith.constant 0 : i32
      %dma_wait3A_156 = tpu.memref_slice %arg2[%dma_wait3A_154, %dma_wait3A_155] : memref<20480x128xf32, #tpu.memory_space<hbm>> -> memref<20480x128xf32, #tpu.memory_space<hbm>>
      tpu.wait_indirect_dma semaphore(%arg13 : memref<!tpu.dma_semaphore, #tpu.memory_space<semaphore_mem>>) src(%dma_wait3A_156 : memref<20480x128xf32, #tpu.memory_space<hbm>>) dst(%arg9 : memref<125x128xf32, #tpu.memory_space<vmem>>)
      %add3A_157 = arith.constant 1 : i32
      %add3A_158 = arith.addi %mul3A_132, %add3A_157 : i32
      "tpu.region"() ({
        %run_scoped3A_159 = tpu.sem_alloc : memref<!tpu.dma_semaphore, #tpu.memory_space<semaphore_mem>>
        %dma_start3A_160 = arith.constant 0 : i32
        %dma_start3A_161 = tpu.memref_slice %arg7[%add3A_158, %dma_start3A_160] : memref<160x125xi32, #tpu.memory_space<vmem>> -> memref<1x125xi32, #tpu.memory_space<vmem>>
        %dma_start3A_162 = tpu.memref_squeeze %dma_start3A_161 : memref<1x125xi32, #tpu.memory_space<vmem>> -> memref<125xi32, #tpu.memory_space<vmem>>
        %dma_start3A_163 = arith.constant 0 : i32
        %dma_start3A_164 = arith.constant 0 : i32
        %dma_start3A_165 = tpu.memref_slice %arg11[%dma_start3A_163, %dma_start3A_164] : memref<5248x128xf32, #tpu.memory_space<vmem_shared>> -> memref<5248x128xf32, #tpu.memory_space<vmem_shared>>
        tpu.enqueue_indirect_dma source(%arg9 : memref<125x128xf32, #tpu.memory_space<vmem>>) target(%dma_start3A_165 : memref<5248x128xf32, #tpu.memory_space<vmem_shared>>) offsets(%dma_start3A_162 : memref<125xi32, #tpu.memory_space<vmem>>) semaphore(%run_scoped3A_159 : memref<!tpu.dma_semaphore, #tpu.memory_space<semaphore_mem>>) {add = true}
        %dma_wait3A_166 = arith.constant 0 : i32
        %dma_wait3A_167 = tpu.memref_slice %arg7[%add3A_158, %dma_wait3A_166] : memref<160x125xi32, #tpu.memory_space<vmem>> -> memref<1x125xi32, #tpu.memory_space<vmem>>
        %dma_wait3A_168 = tpu.memref_squeeze %dma_wait3A_167 : memref<1x125xi32, #tpu.memory_space<vmem>> -> memref<125xi32, #tpu.memory_space<vmem>>
        %dma_wait3A_169 = arith.constant 0 : i32
        %dma_wait3A_170 = arith.constant 0 : i32
        %dma_wait3A_171 = tpu.memref_slice %arg11[%dma_wait3A_169, %dma_wait3A_170] : memref<5248x128xf32, #tpu.memory_space<vmem_shared>> -> memref<5248x128xf32, #tpu.memory_space<vmem_shared>>
        tpu.wait_indirect_dma semaphore(%run_scoped3A_159 : memref<!tpu.dma_semaphore, #tpu.memory_space<semaphore_mem>>) src(%arg9 : memref<125x128xf32, #tpu.memory_space<vmem>>) dst(%dma_wait3A_171 : memref<5248x128xf32, #tpu.memory_space<vmem_shared>>)
        tpu.yield
      }) : () -> ()
    }
    %scan3A_23 = arith.constant 80 : i32
    %barrier3A_24 = arith.constant 0 : index
    tpu.barrier barrier_id(%barrier3A_24)
    %mul3A_25 = arith.constant 320 : i32
    %mul3A_26 = arith.muli %arg1, %mul3A_25 : i32
    %add3A_27 = arith.constant 0 : i32
    %add3A_28 = arith.addi %mul3A_26, %add3A_27 : i32
    "tpu.region"() ({
      %run_scoped3A_130 = tpu.sem_alloc : memref<!tpu.dma_semaphore, #tpu.memory_space<semaphore_mem>>
      %dma_start3A = arith.constant 0 : i32
      %dma_start3A_131 = tpu.memref_slice %arg11[%add3A_28, %dma_start3A] : memref<5248x128xf32, #tpu.memory_space<vmem_shared>> -> memref<64x128xf32, #tpu.memory_space<vmem_shared>>
      %dma_start3A_132 = arith.constant 0 : i32
      %dma_start3A_133 = tpu.memref_slice %arg11[%add3A_28, %dma_start3A_132] : memref<5248x128xf32, #tpu.memory_space<vmem_shared>> -> memref<64x128xf32, #tpu.memory_space<vmem_shared>>
      tpu.enqueue_dma source(%dma_start3A_133 : memref<64x128xf32, #tpu.memory_space<vmem_shared>>) target(%arg10 : memref<64x128xf32, #tpu.memory_space<vmem>>) target_semaphore(%run_scoped3A_130 : memref<!tpu.dma_semaphore, #tpu.memory_space<semaphore_mem>>)
      %dma_wait3A = arith.constant 0 : i32
      %dma_wait3A_134 = tpu.memref_slice %arg11[%add3A_28, %dma_wait3A] : memref<5248x128xf32, #tpu.memory_space<vmem_shared>> -> memref<64x128xf32, #tpu.memory_space<vmem_shared>>
      %dma_wait3A_135 = arith.constant 0 : i32
      %dma_wait3A_136 = tpu.memref_slice %arg11[%add3A_28, %dma_wait3A_135] : memref<5248x128xf32, #tpu.memory_space<vmem_shared>> -> memref<64x128xf32, #tpu.memory_space<vmem_shared>>
      tpu.wait_dma2 semaphore(%run_scoped3A_130 : memref<!tpu.dma_semaphore, #tpu.memory_space<semaphore_mem>>) src(%dma_wait3A_136 : memref<64x128xf32, #tpu.memory_space<vmem_shared>>) dst(%arg10 : memref<64x128xf32, #tpu.memory_space<vmem>>)
      tpu.yield
    }) : () -> ()
    %add3A_29 = arith.constant 0 : i32
    %add3A_30 = arith.addi %add3A_29, %mul3A_26 : i32
    %add3A_31 = arith.constant 0 : i32
    %add3A_32 = arith.addi %add3A_30, %add3A_31 : i32
    "tpu.region"() ({
      %run_scoped3A_130 = tpu.sem_alloc : memref<!tpu.dma_semaphore, #tpu.memory_space<semaphore_mem>>
      %dma_start3A = arith.constant 0 : i32
      %dma_start3A_131 = tpu.memref_slice %arg5[%arg0, %add3A_32, %dma_start3A] : memref<2x10240x128xf32, #tpu.memory_space<hbm>> -> memref<1x64x128xf32, #tpu.memory_space<hbm>>
      %dma_start3A_132 = tpu.memref_squeeze %dma_start3A_131 : memref<1x64x128xf32, #tpu.memory_space<hbm>> -> memref<64x128xf32, #tpu.memory_space<hbm>>
      %dma_start3A_133 = arith.constant 0 : i32
      %dma_start3A_134 = tpu.memref_slice %arg5[%arg0, %add3A_32, %dma_start3A_133] : memref<2x10240x128xf32, #tpu.memory_space<hbm>> -> memref<1x64x128xf32, #tpu.memory_space<hbm>>
      %dma_start3A_135 = tpu.memref_squeeze %dma_start3A_134 : memref<1x64x128xf32, #tpu.memory_space<hbm>> -> memref<64x128xf32, #tpu.memory_space<hbm>>
      tpu.enqueue_dma source(%arg10 : memref<64x128xf32, #tpu.memory_space<vmem>>) target(%dma_start3A_135 : memref<64x128xf32, #tpu.memory_space<hbm>>) target_semaphore(%run_scoped3A_130 : memref<!tpu.dma_semaphore, #tpu.memory_space<semaphore_mem>>)
      %dma_wait3A = arith.constant 0 : i32
      %dma_wait3A_136 = tpu.memref_slice %arg5[%arg0, %add3A_32, %dma_wait3A] : memref<2x10240x128xf32, #tpu.memory_space<hbm>> -> memref<1x64x128xf32, #tpu.memory_space<hbm>>
      %dma_wait3A_137 = tpu.memref_squeeze %dma_wait3A_136 : memref<1x64x128xf32, #tpu.memory_space<hbm>> -> memref<64x128xf32, #tpu.memory_space<hbm>>
      %dma_wait3A_138 = arith.constant 0 : i32
      %dma_wait3A_139 = tpu.memref_slice %arg5[%arg0, %add3A_32, %dma_wait3A_138] : memref<2x10240x128xf32, #tpu.memory_space<hbm>> -> memref<1x64x128xf32, #tpu.memory_space<hbm>>
      %dma_wait3A_140 = tpu.memref_squeeze %dma_wait3A_139 : memref<1x64x128xf32, #tpu.memory_space<hbm>> -> memref<64x128xf32, #tpu.memory_space<hbm>>
      tpu.wait_dma2 semaphore(%run_scoped3A_130 : memref<!tpu.dma_semaphore, #tpu.memory_space<semaphore_mem>>) src(%arg10 : memref<64x128xf32, #tpu.memory_space<vmem>>) dst(%dma_wait3A_140 : memref<64x128xf32, #tpu.memory_space<hbm>>)
      tpu.yield
    }) : () -> ()
    %add3A_33 = arith.constant 64 : i32
    %add3A_34 = arith.addi %mul3A_26, %add3A_33 : i32
    "tpu.region"() ({
      %run_scoped3A_130 = tpu.sem_alloc : memref<!tpu.dma_semaphore, #tpu.memory_space<semaphore_mem>>
      %dma_start3A = arith.constant 0 : i32
      %dma_start3A_131 = tpu.memref_slice %arg11[%add3A_34, %dma_start3A] : memref<5248x128xf32, #tpu.memory_space<vmem_shared>> -> memref<64x128xf32, #tpu.memory_space<vmem_shared>>
      %dma_start3A_132 = arith.constant 0 : i32
      %dma_start3A_133 = tpu.memref_slice %arg11[%add3A_34, %dma_start3A_132] : memref<5248x128xf32, #tpu.memory_space<vmem_shared>> -> memref<64x128xf32, #tpu.memory_space<vmem_shared>>
      tpu.enqueue_dma source(%dma_start3A_133 : memref<64x128xf32, #tpu.memory_space<vmem_shared>>) target(%arg10 : memref<64x128xf32, #tpu.memory_space<vmem>>) target_semaphore(%run_scoped3A_130 : memref<!tpu.dma_semaphore, #tpu.memory_space<semaphore_mem>>)
      %dma_wait3A = arith.constant 0 : i32
      %dma_wait3A_134 = tpu.memref_slice %arg11[%add3A_34, %dma_wait3A] : memref<5248x128xf32, #tpu.memory_space<vmem_shared>> -> memref<64x128xf32, #tpu.memory_space<vmem_shared>>
      %dma_wait3A_135 = arith.constant 0 : i32
      %dma_wait3A_136 = tpu.memref_slice %arg11[%add3A_34, %dma_wait3A_135] : memref<5248x128xf32, #tpu.memory_space<vmem_shared>> -> memref<64x128xf32, #tpu.memory_space<vmem_shared>>
      tpu.wait_dma2 semaphore(%run_scoped3A_130 : memref<!tpu.dma_semaphore, #tpu.memory_space<semaphore_mem>>) src(%dma_wait3A_136 : memref<64x128xf32, #tpu.memory_space<vmem_shared>>) dst(%arg10 : memref<64x128xf32, #tpu.memory_space<vmem>>)
      tpu.yield
    }) : () -> ()
    %add3A_35 = arith.constant 0 : i32
    %add3A_36 = arith.addi %add3A_35, %mul3A_26 : i32
    %add3A_37 = arith.constant 64 : i32
    %add3A_38 = arith.addi %add3A_36, %add3A_37 : i32
    "tpu.region"() ({
      %run_scoped3A_130 = tpu.sem_alloc : memref<!tpu.dma_semaphore, #tpu.memory_space<semaphore_mem>>
      %dma_start3A = arith.constant 0 : i32
      %dma_start3A_131 = tpu.memref_slice %arg5[%arg0, %add3A_38, %dma_start3A] : memref<2x10240x128xf32, #tpu.memory_space<hbm>> -> memref<1x64x128xf32, #tpu.memory_space<hbm>>
      %dma_start3A_132 = tpu.memref_squeeze %dma_start3A_131 : memref<1x64x128xf32, #tpu.memory_space<hbm>> -> memref<64x128xf32, #tpu.memory_space<hbm>>
      %dma_start3A_133 = arith.constant 0 : i32
      %dma_start3A_134 = tpu.memref_slice %arg5[%arg0, %add3A_38, %dma_start3A_133] : memref<2x10240x128xf32, #tpu.memory_space<hbm>> -> memref<1x64x128xf32, #tpu.memory_space<hbm>>
      %dma_start3A_135 = tpu.memref_squeeze %dma_start3A_134 : memref<1x64x128xf32, #tpu.memory_space<hbm>> -> memref<64x128xf32, #tpu.memory_space<hbm>>
      tpu.enqueue_dma source(%arg10 : memref<64x128xf32, #tpu.memory_space<vmem>>) target(%dma_start3A_135 : memref<64x128xf32, #tpu.memory_space<hbm>>) target_semaphore(%run_scoped3A_130 : memref<!tpu.dma_semaphore, #tpu.memory_space<semaphore_mem>>)
      %dma_wait3A = arith.constant 0 : i32
      %dma_wait3A_136 = tpu.memref_slice %arg5[%arg0, %add3A_38, %dma_wait3A] : memref<2x10240x128xf32, #tpu.memory_space<hbm>> -> memref<1x64x128xf32, #tpu.memory_space<hbm>>
      %dma_wait3A_137 = tpu.memref_squeeze %dma_wait3A_136 : memref<1x64x128xf32, #tpu.memory_space<hbm>> -> memref<64x128xf32, #tpu.memory_space<hbm>>
      %dma_wait3A_138 = arith.constant 0 : i32
      %dma_wait3A_139 = tpu.memref_slice %arg5[%arg0, %add3A_38, %dma_wait3A_138] : memref<2x10240x128xf32, #tpu.memory_space<hbm>> -> memref<1x64x128xf32, #tpu.memory_space<hbm>>
      %dma_wait3A_140 = tpu.memref_squeeze %dma_wait3A_139 : memref<1x64x128xf32, #tpu.memory_space<hbm>> -> memref<64x128xf32, #tpu.memory_space<hbm>>
      tpu.wait_dma2 semaphore(%run_scoped3A_130 : memref<!tpu.dma_semaphore, #tpu.memory_space<semaphore_mem>>) src(%arg10 : memref<64x128xf32, #tpu.memory_space<vmem>>) dst(%dma_wait3A_140 : memref<64x128xf32, #tpu.memory_space<hbm>>)
      tpu.yield
    }) : () -> ()
    %add3A_39 = arith.constant 128 : i32
    %add3A_40 = arith.addi %mul3A_26, %add3A_39 : i32
    "tpu.region"() ({
      %run_scoped3A_130 = tpu.sem_alloc : memref<!tpu.dma_semaphore, #tpu.memory_space<semaphore_mem>>
      %dma_start3A = arith.constant 0 : i32
      %dma_start3A_131 = tpu.memref_slice %arg11[%add3A_40, %dma_start3A] : memref<5248x128xf32, #tpu.memory_space<vmem_shared>> -> memref<64x128xf32, #tpu.memory_space<vmem_shared>>
      %dma_start3A_132 = arith.constant 0 : i32
      %dma_start3A_133 = tpu.memref_slice %arg11[%add3A_40, %dma_start3A_132] : memref<5248x128xf32, #tpu.memory_space<vmem_shared>> -> memref<64x128xf32, #tpu.memory_space<vmem_shared>>
      tpu.enqueue_dma source(%dma_start3A_133 : memref<64x128xf32, #tpu.memory_space<vmem_shared>>) target(%arg10 : memref<64x128xf32, #tpu.memory_space<vmem>>) target_semaphore(%run_scoped3A_130 : memref<!tpu.dma_semaphore, #tpu.memory_space<semaphore_mem>>)
      %dma_wait3A = arith.constant 0 : i32
      %dma_wait3A_134 = tpu.memref_slice %arg11[%add3A_40, %dma_wait3A] : memref<5248x128xf32, #tpu.memory_space<vmem_shared>> -> memref<64x128xf32, #tpu.memory_space<vmem_shared>>
      %dma_wait3A_135 = arith.constant 0 : i32
      %dma_wait3A_136 = tpu.memref_slice %arg11[%add3A_40, %dma_wait3A_135] : memref<5248x128xf32, #tpu.memory_space<vmem_shared>> -> memref<64x128xf32, #tpu.memory_space<vmem_shared>>
      tpu.wait_dma2 semaphore(%run_scoped3A_130 : memref<!tpu.dma_semaphore, #tpu.memory_space<semaphore_mem>>) src(%dma_wait3A_136 : memref<64x128xf32, #tpu.memory_space<vmem_shared>>) dst(%arg10 : memref<64x128xf32, #tpu.memory_space<vmem>>)
      tpu.yield
    }) : () -> ()
    %add3A_41 = arith.constant 0 : i32
    %add3A_42 = arith.addi %add3A_41, %mul3A_26 : i32
    %add3A_43 = arith.constant 128 : i32
    %add3A_44 = arith.addi %add3A_42, %add3A_43 : i32
    "tpu.region"() ({
      %run_scoped3A_130 = tpu.sem_alloc : memref<!tpu.dma_semaphore, #tpu.memory_space<semaphore_mem>>
      %dma_start3A = arith.constant 0 : i32
      %dma_start3A_131 = tpu.memref_slice %arg5[%arg0, %add3A_44, %dma_start3A] : memref<2x10240x128xf32, #tpu.memory_space<hbm>> -> memref<1x64x128xf32, #tpu.memory_space<hbm>>
      %dma_start3A_132 = tpu.memref_squeeze %dma_start3A_131 : memref<1x64x128xf32, #tpu.memory_space<hbm>> -> memref<64x128xf32, #tpu.memory_space<hbm>>
      %dma_start3A_133 = arith.constant 0 : i32
      %dma_start3A_134 = tpu.memref_slice %arg5[%arg0, %add3A_44, %dma_start3A_133] : memref<2x10240x128xf32, #tpu.memory_space<hbm>> -> memref<1x64x128xf32, #tpu.memory_space<hbm>>
      %dma_start3A_135 = tpu.memref_squeeze %dma_start3A_134 : memref<1x64x128xf32, #tpu.memory_space<hbm>> -> memref<64x128xf32, #tpu.memory_space<hbm>>
      tpu.enqueue_dma source(%arg10 : memref<64x128xf32, #tpu.memory_space<vmem>>) target(%dma_start3A_135 : memref<64x128xf32, #tpu.memory_space<hbm>>) target_semaphore(%run_scoped3A_130 : memref<!tpu.dma_semaphore, #tpu.memory_space<semaphore_mem>>)
      %dma_wait3A = arith.constant 0 : i32
      %dma_wait3A_136 = tpu.memref_slice %arg5[%arg0, %add3A_44, %dma_wait3A] : memref<2x10240x128xf32, #tpu.memory_space<hbm>> -> memref<1x64x128xf32, #tpu.memory_space<hbm>>
      %dma_wait3A_137 = tpu.memref_squeeze %dma_wait3A_136 : memref<1x64x128xf32, #tpu.memory_space<hbm>> -> memref<64x128xf32, #tpu.memory_space<hbm>>
      %dma_wait3A_138 = arith.constant 0 : i32
      %dma_wait3A_139 = tpu.memref_slice %arg5[%arg0, %add3A_44, %dma_wait3A_138] : memref<2x10240x128xf32, #tpu.memory_space<hbm>> -> memref<1x64x128xf32, #tpu.memory_space<hbm>>
      %dma_wait3A_140 = tpu.memref_squeeze %dma_wait3A_139 : memref<1x64x128xf32, #tpu.memory_space<hbm>> -> memref<64x128xf32, #tpu.memory_space<hbm>>
      tpu.wait_dma2 semaphore(%run_scoped3A_130 : memref<!tpu.dma_semaphore, #tpu.memory_space<semaphore_mem>>) src(%arg10 : memref<64x128xf32, #tpu.memory_space<vmem>>) dst(%dma_wait3A_140 : memref<64x128xf32, #tpu.memory_space<hbm>>)
      tpu.yield
    }) : () -> ()
    %add3A_45 = arith.constant 192 : i32
    %add3A_46 = arith.addi %mul3A_26, %add3A_45 : i32
    "tpu.region"() ({
      %run_scoped3A_130 = tpu.sem_alloc : memref<!tpu.dma_semaphore, #tpu.memory_space<semaphore_mem>>
      %dma_start3A = arith.constant 0 : i32
      %dma_start3A_131 = tpu.memref_slice %arg11[%add3A_46, %dma_start3A] : memref<5248x128xf32, #tpu.memory_space<vmem_shared>> -> memref<64x128xf32, #tpu.memory_space<vmem_shared>>
      %dma_start3A_132 = arith.constant 0 : i32
      %dma_start3A_133 = tpu.memref_slice %arg11[%add3A_46, %dma_start3A_132] : memref<5248x128xf32, #tpu.memory_space<vmem_shared>> -> memref<64x128xf32, #tpu.memory_space<vmem_shared>>
      tpu.enqueue_dma source(%dma_start3A_133 : memref<64x128xf32, #tpu.memory_space<vmem_shared>>) target(%arg10 : memref<64x128xf32, #tpu.memory_space<vmem>>) target_semaphore(%run_scoped3A_130 : memref<!tpu.dma_semaphore, #tpu.memory_space<semaphore_mem>>)
      %dma_wait3A = arith.constant 0 : i32
      %dma_wait3A_134 = tpu.memref_slice %arg11[%add3A_46, %dma_wait3A] : memref<5248x128xf32, #tpu.memory_space<vmem_shared>> -> memref<64x128xf32, #tpu.memory_space<vmem_shared>>
      %dma_wait3A_135 = arith.constant 0 : i32
      %dma_wait3A_136 = tpu.memref_slice %arg11[%add3A_46, %dma_wait3A_135] : memref<5248x128xf32, #tpu.memory_space<vmem_shared>> -> memref<64x128xf32, #tpu.memory_space<vmem_shared>>
      tpu.wait_dma2 semaphore(%run_scoped3A_130 : memref<!tpu.dma_semaphore, #tpu.memory_space<semaphore_mem>>) src(%dma_wait3A_136 : memref<64x128xf32, #tpu.memory_space<vmem_shared>>) dst(%arg10 : memref<64x128xf32, #tpu.memory_space<vmem>>)
      tpu.yield
    }) : () -> ()
    %add3A_47 = arith.constant 0 : i32
    %add3A_48 = arith.addi %add3A_47, %mul3A_26 : i32
    %add3A_49 = arith.constant 192 : i32
    %add3A_50 = arith.addi %add3A_48, %add3A_49 : i32
    "tpu.region"() ({
      %run_scoped3A_130 = tpu.sem_alloc : memref<!tpu.dma_semaphore, #tpu.memory_space<semaphore_mem>>
      %dma_start3A = arith.constant 0 : i32
      %dma_start3A_131 = tpu.memref_slice %arg5[%arg0, %add3A_50, %dma_start3A] : memref<2x10240x128xf32, #tpu.memory_space<hbm>> -> memref<1x64x128xf32, #tpu.memory_space<hbm>>
      %dma_start3A_132 = tpu.memref_squeeze %dma_start3A_131 : memref<1x64x128xf32, #tpu.memory_space<hbm>> -> memref<64x128xf32, #tpu.memory_space<hbm>>
      %dma_start3A_133 = arith.constant 0 : i32
      %dma_start3A_134 = tpu.memref_slice %arg5[%arg0, %add3A_50, %dma_start3A_133] : memref<2x10240x128xf32, #tpu.memory_space<hbm>> -> memref<1x64x128xf32, #tpu.memory_space<hbm>>
      %dma_start3A_135 = tpu.memref_squeeze %dma_start3A_134 : memref<1x64x128xf32, #tpu.memory_space<hbm>> -> memref<64x128xf32, #tpu.memory_space<hbm>>
      tpu.enqueue_dma source(%arg10 : memref<64x128xf32, #tpu.memory_space<vmem>>) target(%dma_start3A_135 : memref<64x128xf32, #tpu.memory_space<hbm>>) target_semaphore(%run_scoped3A_130 : memref<!tpu.dma_semaphore, #tpu.memory_space<semaphore_mem>>)
      %dma_wait3A = arith.constant 0 : i32
      %dma_wait3A_136 = tpu.memref_slice %arg5[%arg0, %add3A_50, %dma_wait3A] : memref<2x10240x128xf32, #tpu.memory_space<hbm>> -> memref<1x64x128xf32, #tpu.memory_space<hbm>>
      %dma_wait3A_137 = tpu.memref_squeeze %dma_wait3A_136 : memref<1x64x128xf32, #tpu.memory_space<hbm>> -> memref<64x128xf32, #tpu.memory_space<hbm>>
      %dma_wait3A_138 = arith.constant 0 : i32
      %dma_wait3A_139 = tpu.memref_slice %arg5[%arg0, %add3A_50, %dma_wait3A_138] : memref<2x10240x128xf32, #tpu.memory_space<hbm>> -> memref<1x64x128xf32, #tpu.memory_space<hbm>>
      %dma_wait3A_140 = tpu.memref_squeeze %dma_wait3A_139 : memref<1x64x128xf32, #tpu.memory_space<hbm>> -> memref<64x128xf32, #tpu.memory_space<hbm>>
      tpu.wait_dma2 semaphore(%run_scoped3A_130 : memref<!tpu.dma_semaphore, #tpu.memory_space<semaphore_mem>>) src(%arg10 : memref<64x128xf32, #tpu.memory_space<vmem>>) dst(%dma_wait3A_140 : memref<64x128xf32, #tpu.memory_space<hbm>>)
      tpu.yield
    }) : () -> ()
    %add3A_51 = arith.constant 256 : i32
    %add3A_52 = arith.addi %mul3A_26, %add3A_51 : i32
    "tpu.region"() ({
      %run_scoped3A_130 = tpu.sem_alloc : memref<!tpu.dma_semaphore, #tpu.memory_space<semaphore_mem>>
      %dma_start3A = arith.constant 0 : i32
      %dma_start3A_131 = tpu.memref_slice %arg11[%add3A_52, %dma_start3A] : memref<5248x128xf32, #tpu.memory_space<vmem_shared>> -> memref<64x128xf32, #tpu.memory_space<vmem_shared>>
      %dma_start3A_132 = arith.constant 0 : i32
      %dma_start3A_133 = tpu.memref_slice %arg11[%add3A_52, %dma_start3A_132] : memref<5248x128xf32, #tpu.memory_space<vmem_shared>> -> memref<64x128xf32, #tpu.memory_space<vmem_shared>>
      tpu.enqueue_dma source(%dma_start3A_133 : memref<64x128xf32, #tpu.memory_space<vmem_shared>>) target(%arg10 : memref<64x128xf32, #tpu.memory_space<vmem>>) target_semaphore(%run_scoped3A_130 : memref<!tpu.dma_semaphore, #tpu.memory_space<semaphore_mem>>)
      %dma_wait3A = arith.constant 0 : i32
      %dma_wait3A_134 = tpu.memref_slice %arg11[%add3A_52, %dma_wait3A] : memref<5248x128xf32, #tpu.memory_space<vmem_shared>> -> memref<64x128xf32, #tpu.memory_space<vmem_shared>>
      %dma_wait3A_135 = arith.constant 0 : i32
      %dma_wait3A_136 = tpu.memref_slice %arg11[%add3A_52, %dma_wait3A_135] : memref<5248x128xf32, #tpu.memory_space<vmem_shared>> -> memref<64x128xf32, #tpu.memory_space<vmem_shared>>
      tpu.wait_dma2 semaphore(%run_scoped3A_130 : memref<!tpu.dma_semaphore, #tpu.memory_space<semaphore_mem>>) src(%dma_wait3A_136 : memref<64x128xf32, #tpu.memory_space<vmem_shared>>) dst(%arg10 : memref<64x128xf32, #tpu.memory_space<vmem>>)
      tpu.yield
    }) : () -> ()
    %add3A_53 = arith.constant 0 : i32
    %add3A_54 = arith.addi %add3A_53, %mul3A_26 : i32
    %add3A_55 = arith.constant 256 : i32
    %add3A_56 = arith.addi %add3A_54, %add3A_55 : i32
    "tpu.region"() ({
      %run_scoped3A_130 = tpu.sem_alloc : memref<!tpu.dma_semaphore, #tpu.memory_space<semaphore_mem>>
      %dma_start3A = arith.constant 0 : i32
      %dma_start3A_131 = tpu.memref_slice %arg5[%arg0, %add3A_56, %dma_start3A] : memref<2x10240x128xf32, #tpu.memory_space<hbm>> -> memref<1x64x128xf32, #tpu.memory_space<hbm>>
      %dma_start3A_132 = tpu.memref_squeeze %dma_start3A_131 : memref<1x64x128xf32, #tpu.memory_space<hbm>> -> memref<64x128xf32, #tpu.memory_space<hbm>>
      %dma_start3A_133 = arith.constant 0 : i32
      %dma_start3A_134 = tpu.memref_slice %arg5[%arg0, %add3A_56, %dma_start3A_133] : memref<2x10240x128xf32, #tpu.memory_space<hbm>> -> memref<1x64x128xf32, #tpu.memory_space<hbm>>
      %dma_start3A_135 = tpu.memref_squeeze %dma_start3A_134 : memref<1x64x128xf32, #tpu.memory_space<hbm>> -> memref<64x128xf32, #tpu.memory_space<hbm>>
      tpu.enqueue_dma source(%arg10 : memref<64x128xf32, #tpu.memory_space<vmem>>) target(%dma_start3A_135 : memref<64x128xf32, #tpu.memory_space<hbm>>) target_semaphore(%run_scoped3A_130 : memref<!tpu.dma_semaphore, #tpu.memory_space<semaphore_mem>>)
      %dma_wait3A = arith.constant 0 : i32
      %dma_wait3A_136 = tpu.memref_slice %arg5[%arg0, %add3A_56, %dma_wait3A] : memref<2x10240x128xf32, #tpu.memory_space<hbm>> -> memref<1x64x128xf32, #tpu.memory_space<hbm>>
      %dma_wait3A_137 = tpu.memref_squeeze %dma_wait3A_136 : memref<1x64x128xf32, #tpu.memory_space<hbm>> -> memref<64x128xf32, #tpu.memory_space<hbm>>
      %dma_wait3A_138 = arith.constant 0 : i32
      %dma_wait3A_139 = tpu.memref_slice %arg5[%arg0, %add3A_56, %dma_wait3A_138] : memref<2x10240x128xf32, #tpu.memory_space<hbm>> -> memref<1x64x128xf32, #tpu.memory_space<hbm>>
      %dma_wait3A_140 = tpu.memref_squeeze %dma_wait3A_139 : memref<1x64x128xf32, #tpu.memory_space<hbm>> -> memref<64x128xf32, #tpu.memory_space<hbm>>
      tpu.wait_dma2 semaphore(%run_scoped3A_130 : memref<!tpu.dma_semaphore, #tpu.memory_space<semaphore_mem>>) src(%arg10 : memref<64x128xf32, #tpu.memory_space<vmem>>) dst(%dma_wait3A_140 : memref<64x128xf32, #tpu.memory_space<hbm>>)
      tpu.yield
    }) : () -> ()
    %barrier3A_57 = arith.constant 0 : index
    tpu.barrier barrier_id(%barrier3A_57)
    %broadcast_in_dim3A_58 = arith.constant 0.000000e+00 : f32
    %broadcast_in_dim3A_59 = vector.broadcast %broadcast_in_dim3A_58 : f32 to vector<16xf32>
    %scan3A_60 = arith.constant 0 : i32
    %scan3A_61 = arith.constant 0 : i32
    %scan3A_62 = arith.constant 64 : i32
    %scan3A_63 = arith.addi %scan3A_61, %scan3A_62 : i32
    %scan3A_64 = arith.constant 1 : i32
    scf.for %scan3A_130 = %scan3A_61 to %scan3A_63 step %scan3A_64  : i32 {
      %swap3A = arith.index_cast %scan3A_130 : i32 to index
      %swap3A_131 = arith.constant 0 : index
      %swap3A_132 = tpu.vector_load %arg10[%swap3A, %swap3A_131] {strides = array<i32>} : memref<64x128xf32, #tpu.memory_space<vmem>>, vector<1x16xf32>,
      %swap3A_133 = vector.shape_cast %swap3A_132 : vector<1x16xf32> to vector<16xf32>
      %swap3A_134 = vector.shape_cast %broadcast_in_dim3A_59 : vector<16xf32> to vector<1x16xf32>
      tpu.vector_store %arg10[%swap3A, %swap3A_131], %swap3A_134 {strides = array<i32>} : memref<64x128xf32, #tpu.memory_space<vmem>>, vector<1x16xf32>,
      %swap3A_135 = arith.index_cast %scan3A_130 : i32 to index
      %swap3A_136 = arith.constant 16 : index
      %swap3A_137 = tpu.vector_load %arg10[%swap3A_135, %swap3A_136] {strides = array<i32>} : memref<64x128xf32, #tpu.memory_space<vmem>>, vector<1x16xf32>,
      %swap3A_138 = vector.shape_cast %swap3A_137 : vector<1x16xf32> to vector<16xf32>
      %swap3A_139 = vector.shape_cast %broadcast_in_dim3A_59 : vector<16xf32> to vector<1x16xf32>
      tpu.vector_store %arg10[%swap3A_135, %swap3A_136], %swap3A_139 {strides = array<i32>} : memref<64x128xf32, #tpu.memory_space<vmem>>, vector<1x16xf32>,
      %swap3A_140 = arith.index_cast %scan3A_130 : i32 to index
      %swap3A_141 = arith.constant 32 : index
      %swap3A_142 = tpu.vector_load %arg10[%swap3A_140, %swap3A_141] {strides = array<i32>} : memref<64x128xf32, #tpu.memory_space<vmem>>, vector<1x16xf32>,
      %swap3A_143 = vector.shape_cast %swap3A_142 : vector<1x16xf32> to vector<16xf32>
      %swap3A_144 = vector.shape_cast %broadcast_in_dim3A_59 : vector<16xf32> to vector<1x16xf32>
      tpu.vector_store %arg10[%swap3A_140, %swap3A_141], %swap3A_144 {strides = array<i32>} : memref<64x128xf32, #tpu.memory_space<vmem>>, vector<1x16xf32>,
      %swap3A_145 = arith.index_cast %scan3A_130 : i32 to index
      %swap3A_146 = arith.constant 48 : index
      %swap3A_147 = tpu.vector_load %arg10[%swap3A_145, %swap3A_146] {strides = array<i32>} : memref<64x128xf32, #tpu.memory_space<vmem>>, vector<1x16xf32>,
      %swap3A_148 = vector.shape_cast %swap3A_147 : vector<1x16xf32> to vector<16xf32>
      %swap3A_149 = vector.shape_cast %broadcast_in_dim3A_59 : vector<16xf32> to vector<1x16xf32>
      tpu.vector_store %arg10[%swap3A_145, %swap3A_146], %swap3A_149 {strides = array<i32>} : memref<64x128xf32, #tpu.memory_space<vmem>>, vector<1x16xf32>,
      %swap3A_150 = arith.index_cast %scan3A_130 : i32 to index
      %swap3A_151 = arith.constant 64 : index
      %swap3A_152 = tpu.vector_load %arg10[%swap3A_150, %swap3A_151] {strides = array<i32>} : memref<64x128xf32, #tpu.memory_space<vmem>>, vector<1x16xf32>,
      %swap3A_153 = vector.shape_cast %swap3A_152 : vector<1x16xf32> to vector<16xf32>
      %swap3A_154 = vector.shape_cast %broadcast_in_dim3A_59 : vector<16xf32> to vector<1x16xf32>
      tpu.vector_store %arg10[%swap3A_150, %swap3A_151], %swap3A_154 {strides = array<i32>} : memref<64x128xf32, #tpu.memory_space<vmem>>, vector<1x16xf32>,
      %swap3A_155 = arith.index_cast %scan3A_130 : i32 to index
      %swap3A_156 = arith.constant 80 : index
      %swap3A_157 = tpu.vector_load %arg10[%swap3A_155, %swap3A_156] {strides = array<i32>} : memref<64x128xf32, #tpu.memory_space<vmem>>, vector<1x16xf32>,
      %swap3A_158 = vector.shape_cast %swap3A_157 : vector<1x16xf32> to vector<16xf32>
      %swap3A_159 = vector.shape_cast %broadcast_in_dim3A_59 : vector<16xf32> to vector<1x16xf32>
      tpu.vector_store %arg10[%swap3A_155, %swap3A_156], %swap3A_159 {strides = array<i32>} : memref<64x128xf32, #tpu.memory_space<vmem>>, vector<1x16xf32>,
      %swap3A_160 = arith.index_cast %scan3A_130 : i32 to index
      %swap3A_161 = arith.constant 96 : index
      %swap3A_162 = tpu.vector_load %arg10[%swap3A_160, %swap3A_161] {strides = array<i32>} : memref<64x128xf32, #tpu.memory_space<vmem>>, vector<1x16xf32>,
      %swap3A_163 = vector.shape_cast %swap3A_162 : vector<1x16xf32> to vector<16xf32>
      %swap3A_164 = vector.shape_cast %broadcast_in_dim3A_59 : vector<16xf32> to vector<1x16xf32>
      tpu.vector_store %arg10[%swap3A_160, %swap3A_161], %swap3A_164 {strides = array<i32>} : memref<64x128xf32, #tpu.memory_space<vmem>>, vector<1x16xf32>,
      %swap3A_165 = arith.index_cast %scan3A_130 : i32 to index
      %swap3A_166 = arith.constant 112 : index
      %swap3A_167 = tpu.vector_load %arg10[%swap3A_165, %swap3A_166] {strides = array<i32>} : memref<64x128xf32, #tpu.memory_space<vmem>>, vector<1x16xf32>,
      %swap3A_168 = vector.shape_cast %swap3A_167 : vector<1x16xf32> to vector<16xf32>
      %swap3A_169 = vector.shape_cast %broadcast_in_dim3A_59 : vector<16xf32> to vector<1x16xf32>
      tpu.vector_store %arg10[%swap3A_165, %swap3A_166], %swap3A_169 {strides = array<i32>} : memref<64x128xf32, #tpu.memory_space<vmem>>, vector<1x16xf32>,
    }
    %scan3A_65 = arith.constant 64 : i32
    %mul3A_66 = arith.constant 328 : i32
    %mul3A_67 = arith.muli %arg1, %mul3A_66 : i32
    %add3A_68 = arith.constant 0 : i32
    %add3A_69 = arith.addi %mul3A_67, %add3A_68 : i32
    "tpu.region"() ({
      %run_scoped3A_130 = tpu.sem_alloc : memref<!tpu.dma_semaphore, #tpu.memory_space<semaphore_mem>>
      %dma_start3A = arith.constant 0 : i32
      %dma_start3A_131 = tpu.memref_slice %arg11[%add3A_69, %dma_start3A] : memref<5248x128xf32, #tpu.memory_space<vmem_shared>> -> memref<64x128xf32, #tpu.memory_space<vmem_shared>>
      %dma_start3A_132 = arith.constant 0 : i32
      %dma_start3A_133 = tpu.memref_slice %arg11[%add3A_69, %dma_start3A_132] : memref<5248x128xf32, #tpu.memory_space<vmem_shared>> -> memref<64x128xf32, #tpu.memory_space<vmem_shared>>
      tpu.enqueue_dma source(%arg10 : memref<64x128xf32, #tpu.memory_space<vmem>>) target(%dma_start3A_133 : memref<64x128xf32, #tpu.memory_space<vmem_shared>>) target_semaphore(%run_scoped3A_130 : memref<!tpu.dma_semaphore, #tpu.memory_space<semaphore_mem>>)
      %dma_wait3A = arith.constant 0 : i32
      %dma_wait3A_134 = tpu.memref_slice %arg11[%add3A_69, %dma_wait3A] : memref<5248x128xf32, #tpu.memory_space<vmem_shared>> -> memref<64x128xf32, #tpu.memory_space<vmem_shared>>
      %dma_wait3A_135 = arith.constant 0 : i32
      %dma_wait3A_136 = tpu.memref_slice %arg11[%add3A_69, %dma_wait3A_135] : memref<5248x128xf32, #tpu.memory_space<vmem_shared>> -> memref<64x128xf32, #tpu.memory_space<vmem_shared>>
      tpu.wait_dma2 semaphore(%run_scoped3A_130 : memref<!tpu.dma_semaphore, #tpu.memory_space<semaphore_mem>>) src(%arg10 : memref<64x128xf32, #tpu.memory_space<vmem>>) dst(%dma_wait3A_136 : memref<64x128xf32, #tpu.memory_space<vmem_shared>>)
      tpu.yield
    }) : () -> ()
    %add3A_70 = arith.constant 64 : i32
    %add3A_71 = arith.addi %mul3A_67, %add3A_70 : i32
    "tpu.region"() ({
      %run_scoped3A_130 = tpu.sem_alloc : memref<!tpu.dma_semaphore, #tpu.memory_space<semaphore_mem>>
      %dma_start3A = arith.constant 0 : i32
      %dma_start3A_131 = tpu.memref_slice %arg11[%add3A_71, %dma_start3A] : memref<5248x128xf32, #tpu.memory_space<vmem_shared>> -> memref<64x128xf32, #tpu.memory_space<vmem_shared>>
      %dma_start3A_132 = arith.constant 0 : i32
      %dma_start3A_133 = tpu.memref_slice %arg11[%add3A_71, %dma_start3A_132] : memref<5248x128xf32, #tpu.memory_space<vmem_shared>> -> memref<64x128xf32, #tpu.memory_space<vmem_shared>>
      tpu.enqueue_dma source(%arg10 : memref<64x128xf32, #tpu.memory_space<vmem>>) target(%dma_start3A_133 : memref<64x128xf32, #tpu.memory_space<vmem_shared>>) target_semaphore(%run_scoped3A_130 : memref<!tpu.dma_semaphore, #tpu.memory_space<semaphore_mem>>)
      %dma_wait3A = arith.constant 0 : i32
      %dma_wait3A_134 = tpu.memref_slice %arg11[%add3A_71, %dma_wait3A] : memref<5248x128xf32, #tpu.memory_space<vmem_shared>> -> memref<64x128xf32, #tpu.memory_space<vmem_shared>>
      %dma_wait3A_135 = arith.constant 0 : i32
      %dma_wait3A_136 = tpu.memref_slice %arg11[%add3A_71, %dma_wait3A_135] : memref<5248x128xf32, #tpu.memory_space<vmem_shared>> -> memref<64x128xf32, #tpu.memory_space<vmem_shared>>
      tpu.wait_dma2 semaphore(%run_scoped3A_130 : memref<!tpu.dma_semaphore, #tpu.memory_space<semaphore_mem>>) src(%arg10 : memref<64x128xf32, #tpu.memory_space<vmem>>) dst(%dma_wait3A_136 : memref<64x128xf32, #tpu.memory_space<vmem_shared>>)
      tpu.yield
    }) : () -> ()
    %add3A_72 = arith.constant 128 : i32
    %add3A_73 = arith.addi %mul3A_67, %add3A_72 : i32
    "tpu.region"() ({
      %run_scoped3A_130 = tpu.sem_alloc : memref<!tpu.dma_semaphore, #tpu.memory_space<semaphore_mem>>
      %dma_start3A = arith.constant 0 : i32
      %dma_start3A_131 = tpu.memref_slice %arg11[%add3A_73, %dma_start3A] : memref<5248x128xf32, #tpu.memory_space<vmem_shared>> -> memref<64x128xf32, #tpu.memory_space<vmem_shared>>
      %dma_start3A_132 = arith.constant 0 : i32
      %dma_start3A_133 = tpu.memref_slice %arg11[%add3A_73, %dma_start3A_132] : memref<5248x128xf32, #tpu.memory_space<vmem_shared>> -> memref<64x128xf32, #tpu.memory_space<vmem_shared>>
      tpu.enqueue_dma source(%arg10 : memref<64x128xf32, #tpu.memory_space<vmem>>) target(%dma_start3A_133 : memref<64x128xf32, #tpu.memory_space<vmem_shared>>) target_semaphore(%run_scoped3A_130 : memref<!tpu.dma_semaphore, #tpu.memory_space<semaphore_mem>>)
      %dma_wait3A = arith.constant 0 : i32
      %dma_wait3A_134 = tpu.memref_slice %arg11[%add3A_73, %dma_wait3A] : memref<5248x128xf32, #tpu.memory_space<vmem_shared>> -> memref<64x128xf32, #tpu.memory_space<vmem_shared>>
      %dma_wait3A_135 = arith.constant 0 : i32
      %dma_wait3A_136 = tpu.memref_slice %arg11[%add3A_73, %dma_wait3A_135] : memref<5248x128xf32, #tpu.memory_space<vmem_shared>> -> memref<64x128xf32, #tpu.memory_space<vmem_shared>>
      tpu.wait_dma2 semaphore(%run_scoped3A_130 : memref<!tpu.dma_semaphore, #tpu.memory_space<semaphore_mem>>) src(%arg10 : memref<64x128xf32, #tpu.memory_space<vmem>>) dst(%dma_wait3A_136 : memref<64x128xf32, #tpu.memory_space<vmem_shared>>)
      tpu.yield
    }) : () -> ()
    %add3A_74 = arith.constant 192 : i32
    %add3A_75 = arith.addi %mul3A_67, %add3A_74 : i32
    "tpu.region"() ({
      %run_scoped3A_130 = tpu.sem_alloc : memref<!tpu.dma_semaphore, #tpu.memory_space<semaphore_mem>>
      %dma_start3A = arith.constant 0 : i32
      %dma_start3A_131 = tpu.memref_slice %arg11[%add3A_75, %dma_start3A] : memref<5248x128xf32, #tpu.memory_space<vmem_shared>> -> memref<64x128xf32, #tpu.memory_space<vmem_shared>>
      %dma_start3A_132 = arith.constant 0 : i32
      %dma_start3A_133 = tpu.memref_slice %arg11[%add3A_75, %dma_start3A_132] : memref<5248x128xf32, #tpu.memory_space<vmem_shared>> -> memref<64x128xf32, #tpu.memory_space<vmem_shared>>
      tpu.enqueue_dma source(%arg10 : memref<64x128xf32, #tpu.memory_space<vmem>>) target(%dma_start3A_133 : memref<64x128xf32, #tpu.memory_space<vmem_shared>>) target_semaphore(%run_scoped3A_130 : memref<!tpu.dma_semaphore, #tpu.memory_space<semaphore_mem>>)
      %dma_wait3A = arith.constant 0 : i32
      %dma_wait3A_134 = tpu.memref_slice %arg11[%add3A_75, %dma_wait3A] : memref<5248x128xf32, #tpu.memory_space<vmem_shared>> -> memref<64x128xf32, #tpu.memory_space<vmem_shared>>
      %dma_wait3A_135 = arith.constant 0 : i32
      %dma_wait3A_136 = tpu.memref_slice %arg11[%add3A_75, %dma_wait3A_135] : memref<5248x128xf32, #tpu.memory_space<vmem_shared>> -> memref<64x128xf32, #tpu.memory_space<vmem_shared>>
      tpu.wait_dma2 semaphore(%run_scoped3A_130 : memref<!tpu.dma_semaphore, #tpu.memory_space<semaphore_mem>>) src(%arg10 : memref<64x128xf32, #tpu.memory_space<vmem>>) dst(%dma_wait3A_136 : memref<64x128xf32, #tpu.memory_space<vmem_shared>>)
      tpu.yield
    }) : () -> ()
    %add3A_76 = arith.constant 256 : i32
    %add3A_77 = arith.addi %mul3A_67, %add3A_76 : i32
    "tpu.region"() ({
      %run_scoped3A_130 = tpu.sem_alloc : memref<!tpu.dma_semaphore, #tpu.memory_space<semaphore_mem>>
      %dma_start3A = arith.constant 0 : i32
      %dma_start3A_131 = tpu.memref_slice %arg11[%add3A_77, %dma_start3A] : memref<5248x128xf32, #tpu.memory_space<vmem_shared>> -> memref<64x128xf32, #tpu.memory_space<vmem_shared>>
      %dma_start3A_132 = arith.constant 0 : i32
      %dma_start3A_133 = tpu.memref_slice %arg11[%add3A_77, %dma_start3A_132] : memref<5248x128xf32, #tpu.memory_space<vmem_shared>> -> memref<64x128xf32, #tpu.memory_space<vmem_shared>>
      tpu.enqueue_dma source(%arg10 : memref<64x128xf32, #tpu.memory_space<vmem>>) target(%dma_start3A_133 : memref<64x128xf32, #tpu.memory_space<vmem_shared>>) target_semaphore(%run_scoped3A_130 : memref<!tpu.dma_semaphore, #tpu.memory_space<semaphore_mem>>)
      %dma_wait3A = arith.constant 0 : i32
      %dma_wait3A_134 = tpu.memref_slice %arg11[%add3A_77, %dma_wait3A] : memref<5248x128xf32, #tpu.memory_space<vmem_shared>> -> memref<64x128xf32, #tpu.memory_space<vmem_shared>>
      %dma_wait3A_135 = arith.constant 0 : i32
      %dma_wait3A_136 = tpu.memref_slice %arg11[%add3A_77, %dma_wait3A_135] : memref<5248x128xf32, #tpu.memory_space<vmem_shared>> -> memref<64x128xf32, #tpu.memory_space<vmem_shared>>
      tpu.wait_dma2 semaphore(%run_scoped3A_130 : memref<!tpu.dma_semaphore, #tpu.memory_space<semaphore_mem>>) src(%arg10 : memref<64x128xf32, #tpu.memory_space<vmem>>) dst(%dma_wait3A_136 : memref<64x128xf32, #tpu.memory_space<vmem_shared>>)
      tpu.yield
    }) : () -> ()
    %add3A_78 = arith.constant 320 : i32
    %add3A_79 = arith.addi %mul3A_67, %add3A_78 : i32
    "tpu.region"() ({
      %run_scoped3A_130 = tpu.sem_alloc : memref<!tpu.dma_semaphore, #tpu.memory_space<semaphore_mem>>
      %dma_start3A = arith.constant 0 : i32
      %dma_start3A_131 = arith.constant 0 : i32
      %dma_start3A_132 = tpu.memref_slice %arg10[%dma_start3A, %dma_start3A_131] : memref<64x128xf32, #tpu.memory_space<vmem>> -> memref<8x128xf32, #tpu.memory_space<vmem>>
      %dma_start3A_133 = arith.constant 0 : i32
      %dma_start3A_134 = tpu.memref_slice %arg11[%add3A_79, %dma_start3A_133] : memref<5248x128xf32, #tpu.memory_space<vmem_shared>> -> memref<8x128xf32, #tpu.memory_space<vmem_shared>>
      %dma_start3A_135 = arith.constant 0 : i32
      %dma_start3A_136 = tpu.memref_slice %arg11[%add3A_79, %dma_start3A_135] : memref<5248x128xf32, #tpu.memory_space<vmem_shared>> -> memref<8x128xf32, #tpu.memory_space<vmem_shared>>
      %dma_start3A_137 = arith.constant 0 : i32
      %dma_start3A_138 = arith.constant 0 : i32
      %dma_start3A_139 = tpu.memref_slice %arg10[%dma_start3A_137, %dma_start3A_138] : memref<64x128xf32, #tpu.memory_space<vmem>> -> memref<8x128xf32, #tpu.memory_space<vmem>>
      tpu.enqueue_dma source(%dma_start3A_139 : memref<8x128xf32, #tpu.memory_space<vmem>>) target(%dma_start3A_136 : memref<8x128xf32, #tpu.memory_space<vmem_shared>>) target_semaphore(%run_scoped3A_130 : memref<!tpu.dma_semaphore, #tpu.memory_space<semaphore_mem>>)
      %dma_wait3A = arith.constant 0 : i32
      %dma_wait3A_140 = arith.constant 0 : i32
      %dma_wait3A_141 = tpu.memref_slice %arg10[%dma_wait3A, %dma_wait3A_140] : memref<64x128xf32, #tpu.memory_space<vmem>> -> memref<8x128xf32, #tpu.memory_space<vmem>>
      %dma_wait3A_142 = arith.constant 0 : i32
      %dma_wait3A_143 = tpu.memref_slice %arg11[%add3A_79, %dma_wait3A_142] : memref<5248x128xf32, #tpu.memory_space<vmem_shared>> -> memref<8x128xf32, #tpu.memory_space<vmem_shared>>
      %dma_wait3A_144 = arith.constant 0 : i32
      %dma_wait3A_145 = tpu.memref_slice %arg11[%add3A_79, %dma_wait3A_144] : memref<5248x128xf32, #tpu.memory_space<vmem_shared>> -> memref<8x128xf32, #tpu.memory_space<vmem_shared>>
      %dma_wait3A_146 = arith.constant 0 : i32
      %dma_wait3A_147 = arith.constant 0 : i32
      %dma_wait3A_148 = tpu.memref_slice %arg10[%dma_wait3A_146, %dma_wait3A_147] : memref<64x128xf32, #tpu.memory_space<vmem>> -> memref<8x128xf32, #tpu.memory_space<vmem>>
      tpu.wait_dma2 semaphore(%run_scoped3A_130 : memref<!tpu.dma_semaphore, #tpu.memory_space<semaphore_mem>>) src(%dma_wait3A_148 : memref<8x128xf32, #tpu.memory_space<vmem>>) dst(%dma_wait3A_145 : memref<8x128xf32, #tpu.memory_space<vmem_shared>>)
      tpu.yield
    }) : () -> ()
    %barrier3A_80 = arith.constant 0 : index
    tpu.barrier barrier_id(%barrier3A_80)
    "tpu.region"() ({
      %run_scoped3A_130 = tpu.sem_alloc : memref<!tpu.dma_semaphore, #tpu.memory_space<semaphore_mem>>
      %dma_start3A = arith.constant 0 : i32
      %dma_start3A_131 = arith.constant 0 : i32
      %dma_start3A_132 = tpu.memref_slice %arg3[%arg0, %arg1, %dma_start3A, %dma_start3A_131] : memref<2x16x160x125xi32, #tpu.memory_space<hbm>> -> memref<1x1x160x125xi32, #tpu.memory_space<hbm>>
      %dma_start3A_133 = tpu.memref_squeeze %dma_start3A_132 : memref<1x1x160x125xi32, #tpu.memory_space<hbm>> -> memref<160x125xi32, #tpu.memory_space<hbm>>
      %dma_start3A_134 = arith.constant 0 : i32
      %dma_start3A_135 = arith.constant 0 : i32
      %dma_start3A_136 = tpu.memref_slice %arg3[%arg0, %arg1, %dma_start3A_134, %dma_start3A_135] : memref<2x16x160x125xi32, #tpu.memory_space<hbm>> -> memref<1x1x160x125xi32, #tpu.memory_space<hbm>>
      %dma_start3A_137 = tpu.memref_squeeze %dma_start3A_136 : memref<1x1x160x125xi32, #tpu.memory_space<hbm>> -> memref<160x125xi32, #tpu.memory_space<hbm>>
      tpu.enqueue_dma source(%dma_start3A_137 : memref<160x125xi32, #tpu.memory_space<hbm>>) target(%arg6 : memref<160x125xi32, #tpu.memory_space<vmem>>) target_semaphore(%run_scoped3A_130 : memref<!tpu.dma_semaphore, #tpu.memory_space<semaphore_mem>>)
      %dma_wait3A = arith.constant 0 : i32
      %dma_wait3A_138 = arith.constant 0 : i32
      %dma_wait3A_139 = tpu.memref_slice %arg3[%arg0, %arg1, %dma_wait3A, %dma_wait3A_138] : memref<2x16x160x125xi32, #tpu.memory_space<hbm>> -> memref<1x1x160x125xi32, #tpu.memory_space<hbm>>
      %dma_wait3A_140 = tpu.memref_squeeze %dma_wait3A_139 : memref<1x1x160x125xi32, #tpu.memory_space<hbm>> -> memref<160x125xi32, #tpu.memory_space<hbm>>
      %dma_wait3A_141 = arith.constant 0 : i32
      %dma_wait3A_142 = arith.constant 0 : i32
      %dma_wait3A_143 = tpu.memref_slice %arg3[%arg0, %arg1, %dma_wait3A_141, %dma_wait3A_142] : memref<2x16x160x125xi32, #tpu.memory_space<hbm>> -> memref<1x1x160x125xi32, #tpu.memory_space<hbm>>
      %dma_wait3A_144 = tpu.memref_squeeze %dma_wait3A_143 : memref<1x1x160x125xi32, #tpu.memory_space<hbm>> -> memref<160x125xi32, #tpu.memory_space<hbm>>
      tpu.wait_dma2 semaphore(%run_scoped3A_130 : memref<!tpu.dma_semaphore, #tpu.memory_space<semaphore_mem>>) src(%dma_wait3A_144 : memref<160x125xi32, #tpu.memory_space<hbm>>) dst(%arg6 : memref<160x125xi32, #tpu.memory_space<vmem>>)
      tpu.yield
    }) : () -> ()
    %run_scoped3A_81 = arith.constant 1 : i32
    "tpu.region"() ({
      %run_scoped3A_130 = tpu.sem_alloc : memref<!tpu.dma_semaphore, #tpu.memory_space<semaphore_mem>>
      %dma_start3A = arith.constant 0 : i32
      %dma_start3A_131 = arith.constant 0 : i32
      %dma_start3A_132 = tpu.memref_slice %arg4[%run_scoped3A_81, %arg1, %dma_start3A, %dma_start3A_131] : memref<2x16x160x125xi32, #tpu.memory_space<hbm>> -> memref<1x1x160x125xi32, #tpu.memory_space<hbm>>
      %dma_start3A_133 = tpu.memref_squeeze %dma_start3A_132 : memref<1x1x160x125xi32, #tpu.memory_space<hbm>> -> memref<160x125xi32, #tpu.memory_space<hbm>>
      %dma_start3A_134 = arith.constant 0 : i32
      %dma_start3A_135 = arith.constant 0 : i32
      %dma_start3A_136 = tpu.memref_slice %arg4[%run_scoped3A_81, %arg1, %dma_start3A_134, %dma_start3A_135] : memref<2x16x160x125xi32, #tpu.memory_space<hbm>> -> memref<1x1x160x125xi32, #tpu.memory_space<hbm>>
      %dma_start3A_137 = tpu.memref_squeeze %dma_start3A_136 : memref<1x1x160x125xi32, #tpu.memory_space<hbm>> -> memref<160x125xi32, #tpu.memory_space<hbm>>
      tpu.enqueue_dma source(%dma_start3A_137 : memref<160x125xi32, #tpu.memory_space<hbm>>) target(%arg7 : memref<160x125xi32, #tpu.memory_space<vmem>>) target_semaphore(%run_scoped3A_130 : memref<!tpu.dma_semaphore, #tpu.memory_space<semaphore_mem>>)
      %dma_wait3A = arith.constant 0 : i32
      %dma_wait3A_138 = arith.constant 0 : i32
      %dma_wait3A_139 = tpu.memref_slice %arg4[%run_scoped3A_81, %arg1, %dma_wait3A, %dma_wait3A_138] : memref<2x16x160x125xi32, #tpu.memory_space<hbm>> -> memref<1x1x160x125xi32, #tpu.memory_space<hbm>>
      %dma_wait3A_140 = tpu.memref_squeeze %dma_wait3A_139 : memref<1x1x160x125xi32, #tpu.memory_space<hbm>> -> memref<160x125xi32, #tpu.memory_space<hbm>>
      %dma_wait3A_141 = arith.constant 0 : i32
      %dma_wait3A_142 = arith.constant 0 : i32
      %dma_wait3A_143 = tpu.memref_slice %arg4[%run_scoped3A_81, %arg1, %dma_wait3A_141, %dma_wait3A_142] : memref<2x16x160x125xi32, #tpu.memory_space<hbm>> -> memref<1x1x160x125xi32, #tpu.memory_space<hbm>>
      %dma_wait3A_144 = tpu.memref_squeeze %dma_wait3A_143 : memref<1x1x160x125xi32, #tpu.memory_space<hbm>> -> memref<160x125xi32, #tpu.memory_space<hbm>>
      tpu.wait_dma2 semaphore(%run_scoped3A_130 : memref<!tpu.dma_semaphore, #tpu.memory_space<semaphore_mem>>) src(%dma_wait3A_144 : memref<160x125xi32, #tpu.memory_space<hbm>>) dst(%arg7 : memref<160x125xi32, #tpu.memory_space<vmem>>)
      tpu.yield
    }) : () -> ()
    %scan3A_82 = arith.constant 0 : i32
    %scan3A_83 = arith.constant 0 : i32
    %scan3A_84 = arith.constant 80 : i32
    %scan3A_85 = arith.addi %scan3A_83, %scan3A_84 : i32
    %scan3A_86 = arith.constant 1 : i32
    scf.for %scan3A_130 = %scan3A_83 to %scan3A_85 step %scan3A_86  : i32 {
      %mul3A_131 = arith.constant 2 : i32
      %mul3A_132 = arith.muli %mul3A_131, %scan3A_130 : i32
      %dma_start3A = arith.constant 0 : i32
      %dma_start3A_133 = tpu.memref_slice %arg6[%mul3A_132, %dma_start3A] : memref<160x125xi32, #tpu.memory_space<vmem>> -> memref<1x125xi32, #tpu.memory_space<vmem>>
      %dma_start3A_134 = tpu.memref_squeeze %dma_start3A_133 : memref<1x125xi32, #tpu.memory_space<vmem>> -> memref<125xi32, #tpu.memory_space<vmem>>
      %dma_start3A_135 = arith.constant 0 : i32
      %dma_start3A_136 = arith.constant 0 : i32
      %dma_start3A_137 = tpu.memref_slice %arg2[%dma_start3A_135, %dma_start3A_136] : memref<20480x128xf32, #tpu.memory_space<hbm>> -> memref<20480x128xf32, #tpu.memory_space<hbm>>
      tpu.enqueue_indirect_dma source(%dma_start3A_137 : memref<20480x128xf32, #tpu.memory_space<hbm>>) target(%arg8 : memref<125x128xf32, #tpu.memory_space<vmem>>) offsets(%dma_start3A_134 : memref<125xi32, #tpu.memory_space<vmem>>) semaphore(%arg12 : memref<!tpu.dma_semaphore, #tpu.memory_space<semaphore_mem>>)
      %add3A_138 = arith.constant 1 : i32
      %add3A_139 = arith.addi %mul3A_132, %add3A_138 : i32
      %dma_start3A_140 = arith.constant 0 : i32
      %dma_start3A_141 = tpu.memref_slice %arg6[%add3A_139, %dma_start3A_140] : memref<160x125xi32, #tpu.memory_space<vmem>> -> memref<1x125xi32, #tpu.memory_space<vmem>>
      %dma_start3A_142 = tpu.memref_squeeze %dma_start3A_141 : memref<1x125xi32, #tpu.memory_space<vmem>> -> memref<125xi32, #tpu.memory_space<vmem>>
      %dma_start3A_143 = arith.constant 0 : i32
      %dma_start3A_144 = arith.constant 0 : i32
      %dma_start3A_145 = tpu.memref_slice %arg2[%dma_start3A_143, %dma_start3A_144] : memref<20480x128xf32, #tpu.memory_space<hbm>> -> memref<20480x128xf32, #tpu.memory_space<hbm>>
      tpu.enqueue_indirect_dma source(%dma_start3A_145 : memref<20480x128xf32, #tpu.memory_space<hbm>>) target(%arg9 : memref<125x128xf32, #tpu.memory_space<vmem>>) offsets(%dma_start3A_142 : memref<125xi32, #tpu.memory_space<vmem>>) semaphore(%arg13 : memref<!tpu.dma_semaphore, #tpu.memory_space<semaphore_mem>>)
      %dma_wait3A = arith.constant 0 : i32
      %dma_wait3A_146 = tpu.memref_slice %arg6[%mul3A_132, %dma_wait3A] : memref<160x125xi32, #tpu.memory_space<vmem>> -> memref<1x125xi32, #tpu.memory_space<vmem>>
      %dma_wait3A_147 = tpu.memref_squeeze %dma_wait3A_146 : memref<1x125xi32, #tpu.memory_space<vmem>> -> memref<125xi32, #tpu.memory_space<vmem>>
      %dma_wait3A_148 = arith.constant 0 : i32
      %dma_wait3A_149 = arith.constant 0 : i32
      %dma_wait3A_150 = tpu.memref_slice %arg2[%dma_wait3A_148, %dma_wait3A_149] : memref<20480x128xf32, #tpu.memory_space<hbm>> -> memref<20480x128xf32, #tpu.memory_space<hbm>>
      tpu.wait_indirect_dma semaphore(%arg12 : memref<!tpu.dma_semaphore, #tpu.memory_space<semaphore_mem>>) src(%dma_wait3A_150 : memref<20480x128xf32, #tpu.memory_space<hbm>>) dst(%arg8 : memref<125x128xf32, #tpu.memory_space<vmem>>)
      "tpu.region"() ({
        %run_scoped3A_159 = tpu.sem_alloc : memref<!tpu.dma_semaphore, #tpu.memory_space<semaphore_mem>>
        %dma_start3A_160 = arith.constant 0 : i32
        %dma_start3A_161 = tpu.memref_slice %arg7[%mul3A_132, %dma_start3A_160] : memref<160x125xi32, #tpu.memory_space<vmem>> -> memref<1x125xi32, #tpu.memory_space<vmem>>
        %dma_start3A_162 = tpu.memref_squeeze %dma_start3A_161 : memref<1x125xi32, #tpu.memory_space<vmem>> -> memref<125xi32, #tpu.memory_space<vmem>>
        %dma_start3A_163 = arith.constant 0 : i32
        %dma_start3A_164 = arith.constant 0 : i32
        %dma_start3A_165 = tpu.memref_slice %arg11[%dma_start3A_163, %dma_start3A_164] : memref<5248x128xf32, #tpu.memory_space<vmem_shared>> -> memref<5248x128xf32, #tpu.memory_space<vmem_shared>>
        tpu.enqueue_indirect_dma source(%arg8 : memref<125x128xf32, #tpu.memory_space<vmem>>) target(%dma_start3A_165 : memref<5248x128xf32, #tpu.memory_space<vmem_shared>>) offsets(%dma_start3A_162 : memref<125xi32, #tpu.memory_space<vmem>>) semaphore(%run_scoped3A_159 : memref<!tpu.dma_semaphore, #tpu.memory_space<semaphore_mem>>) {add = true}
        %dma_wait3A_166 = arith.constant 0 : i32
        %dma_wait3A_167 = tpu.memref_slice %arg7[%mul3A_132, %dma_wait3A_166] : memref<160x125xi32, #tpu.memory_space<vmem>> -> memref<1x125xi32, #tpu.memory_space<vmem>>
        %dma_wait3A_168 = tpu.memref_squeeze %dma_wait3A_167 : memref<1x125xi32, #tpu.memory_space<vmem>> -> memref<125xi32, #tpu.memory_space<vmem>>
        %dma_wait3A_169 = arith.constant 0 : i32
        %dma_wait3A_170 = arith.constant 0 : i32
        %dma_wait3A_171 = tpu.memref_slice %arg11[%dma_wait3A_169, %dma_wait3A_170] : memref<5248x128xf32, #tpu.memory_space<vmem_shared>> -> memref<5248x128xf32, #tpu.memory_space<vmem_shared>>
        tpu.wait_indirect_dma semaphore(%run_scoped3A_159 : memref<!tpu.dma_semaphore, #tpu.memory_space<semaphore_mem>>) src(%arg8 : memref<125x128xf32, #tpu.memory_space<vmem>>) dst(%dma_wait3A_171 : memref<5248x128xf32, #tpu.memory_space<vmem_shared>>)
        tpu.yield
      }) : () -> ()
      %dma_wait3A_151 = arith.constant 0 : i32
      %dma_wait3A_152 = tpu.memref_slice %arg6[%add3A_139, %dma_wait3A_151] : memref<160x125xi32, #tpu.memory_space<vmem>> -> memref<1x125xi32, #tpu.memory_space<vmem>>
      %dma_wait3A_153 = tpu.memref_squeeze %dma_wait3A_152 : memref<1x125xi32, #tpu.memory_space<vmem>> -> memref<125xi32, #tpu.memory_space<vmem>>
      %dma_wait3A_154 = arith.constant 0 : i32
      %dma_wait3A_155 = arith.constant 0 : i32
      %dma_wait3A_156 = tpu.memref_slice %arg2[%dma_wait3A_154, %dma_wait3A_155] : memref<20480x128xf32, #tpu.memory_space<hbm>> -> memref<20480x128xf32, #tpu.memory_space<hbm>>
      tpu.wait_indirect_dma semaphore(%arg13 : memref<!tpu.dma_semaphore, #tpu.memory_space<semaphore_mem>>) src(%dma_wait3A_156 : memref<20480x128xf32, #tpu.memory_space<hbm>>) dst(%arg9 : memref<125x128xf32, #tpu.memory_space<vmem>>)
      %add3A_157 = arith.constant 1 : i32
      %add3A_158 = arith.addi %mul3A_132, %add3A_157 : i32
      "tpu.region"() ({
        %run_scoped3A_159 = tpu.sem_alloc : memref<!tpu.dma_semaphore, #tpu.memory_space<semaphore_mem>>
        %dma_start3A_160 = arith.constant 0 : i32
        %dma_start3A_161 = tpu.memref_slice %arg7[%add3A_158, %dma_start3A_160] : memref<160x125xi32, #tpu.memory_space<vmem>> -> memref<1x125xi32, #tpu.memory_space<vmem>>
        %dma_start3A_162 = tpu.memref_squeeze %dma_start3A_161 : memref<1x125xi32, #tpu.memory_space<vmem>> -> memref<125xi32, #tpu.memory_space<vmem>>
        %dma_start3A_163 = arith.constant 0 : i32
        %dma_start3A_164 = arith.constant 0 : i32
        %dma_start3A_165 = tpu.memref_slice %arg11[%dma_start3A_163, %dma_start3A_164] : memref<5248x128xf32, #tpu.memory_space<vmem_shared>> -> memref<5248x128xf32, #tpu.memory_space<vmem_shared>>
        tpu.enqueue_indirect_dma source(%arg9 : memref<125x128xf32, #tpu.memory_space<vmem>>) target(%dma_start3A_165 : memref<5248x128xf32, #tpu.memory_space<vmem_shared>>) offsets(%dma_start3A_162 : memref<125xi32, #tpu.memory_space<vmem>>) semaphore(%run_scoped3A_159 : memref<!tpu.dma_semaphore, #tpu.memory_space<semaphore_mem>>) {add = true}
        %dma_wait3A_166 = arith.constant 0 : i32
        %dma_wait3A_167 = tpu.memref_slice %arg7[%add3A_158, %dma_wait3A_166] : memref<160x125xi32, #tpu.memory_space<vmem>> -> memref<1x125xi32, #tpu.memory_space<vmem>>
        %dma_wait3A_168 = tpu.memref_squeeze %dma_wait3A_167 : memref<1x125xi32, #tpu.memory_space<vmem>> -> memref<125xi32, #tpu.memory_space<vmem>>
        %dma_wait3A_169 = arith.constant 0 : i32
        %dma_wait3A_170 = arith.constant 0 : i32
        %dma_wait3A_171 = tpu.memref_slice %arg11[%dma_wait3A_169, %dma_wait3A_170] : memref<5248x128xf32, #tpu.memory_space<vmem_shared>> -> memref<5248x128xf32, #tpu.memory_space<vmem_shared>>
        tpu.wait_indirect_dma semaphore(%run_scoped3A_159 : memref<!tpu.dma_semaphore, #tpu.memory_space<semaphore_mem>>) src(%arg9 : memref<125x128xf32, #tpu.memory_space<vmem>>) dst(%dma_wait3A_171 : memref<5248x128xf32, #tpu.memory_space<vmem_shared>>)
        tpu.yield
      }) : () -> ()
    }
    %scan3A_87 = arith.constant 80 : i32
    %barrier3A_88 = arith.constant 0 : index
    tpu.barrier barrier_id(%barrier3A_88)
    %mul3A_89 = arith.constant 320 : i32
    %mul3A_90 = arith.muli %arg1, %mul3A_89 : i32
    %add3A_91 = arith.constant 0 : i32
    %add3A_92 = arith.addi %mul3A_90, %add3A_91 : i32
    "tpu.region"() ({
      %run_scoped3A_130 = tpu.sem_alloc : memref<!tpu.dma_semaphore, #tpu.memory_space<semaphore_mem>>
      %dma_start3A = arith.constant 0 : i32
      %dma_start3A_131 = tpu.memref_slice %arg11[%add3A_92, %dma_start3A] : memref<5248x128xf32, #tpu.memory_space<vmem_shared>> -> memref<64x128xf32, #tpu.memory_space<vmem_shared>>
      %dma_start3A_132 = arith.constant 0 : i32
      %dma_start3A_133 = tpu.memref_slice %arg11[%add3A_92, %dma_start3A_132] : memref<5248x128xf32, #tpu.memory_space<vmem_shared>> -> memref<64x128xf32, #tpu.memory_space<vmem_shared>>
      tpu.enqueue_dma source(%dma_start3A_133 : memref<64x128xf32, #tpu.memory_space<vmem_shared>>) target(%arg10 : memref<64x128xf32, #tpu.memory_space<vmem>>) target_semaphore(%run_scoped3A_130 : memref<!tpu.dma_semaphore, #tpu.memory_space<semaphore_mem>>)
      %dma_wait3A = arith.constant 0 : i32
      %dma_wait3A_134 = tpu.memref_slice %arg11[%add3A_92, %dma_wait3A] : memref<5248x128xf32, #tpu.memory_space<vmem_shared>> -> memref<64x128xf32, #tpu.memory_space<vmem_shared>>
      %dma_wait3A_135 = arith.constant 0 : i32
      %dma_wait3A_136 = tpu.memref_slice %arg11[%add3A_92, %dma_wait3A_135] : memref<5248x128xf32, #tpu.memory_space<vmem_shared>> -> memref<64x128xf32, #tpu.memory_space<vmem_shared>>
      tpu.wait_dma2 semaphore(%run_scoped3A_130 : memref<!tpu.dma_semaphore, #tpu.memory_space<semaphore_mem>>) src(%dma_wait3A_136 : memref<64x128xf32, #tpu.memory_space<vmem_shared>>) dst(%arg10 : memref<64x128xf32, #tpu.memory_space<vmem>>)
      tpu.yield
    }) : () -> ()
    %add3A_93 = arith.constant 5120 : i32
    %add3A_94 = arith.addi %add3A_93, %mul3A_90 : i32
    %add3A_95 = arith.constant 0 : i32
    %add3A_96 = arith.addi %add3A_94, %add3A_95 : i32
    "tpu.region"() ({
      %run_scoped3A_130 = tpu.sem_alloc : memref<!tpu.dma_semaphore, #tpu.memory_space<semaphore_mem>>
      %dma_start3A = arith.constant 0 : i32
      %dma_start3A_131 = tpu.memref_slice %arg5[%arg0, %add3A_96, %dma_start3A] : memref<2x10240x128xf32, #tpu.memory_space<hbm>> -> memref<1x64x128xf32, #tpu.memory_space<hbm>>
      %dma_start3A_132 = tpu.memref_squeeze %dma_start3A_131 : memref<1x64x128xf32, #tpu.memory_space<hbm>> -> memref<64x128xf32, #tpu.memory_space<hbm>>
      %dma_start3A_133 = arith.constant 0 : i32
      %dma_start3A_134 = tpu.memref_slice %arg5[%arg0, %add3A_96, %dma_start3A_133] : memref<2x10240x128xf32, #tpu.memory_space<hbm>> -> memref<1x64x128xf32, #tpu.memory_space<hbm>>
      %dma_start3A_135 = tpu.memref_squeeze %dma_start3A_134 : memref<1x64x128xf32, #tpu.memory_space<hbm>> -> memref<64x128xf32, #tpu.memory_space<hbm>>
      tpu.enqueue_dma source(%arg10 : memref<64x128xf32, #tpu.memory_space<vmem>>) target(%dma_start3A_135 : memref<64x128xf32, #tpu.memory_space<hbm>>) target_semaphore(%run_scoped3A_130 : memref<!tpu.dma_semaphore, #tpu.memory_space<semaphore_mem>>)
      %dma_wait3A = arith.constant 0 : i32
      %dma_wait3A_136 = tpu.memref_slice %arg5[%arg0, %add3A_96, %dma_wait3A] : memref<2x10240x128xf32, #tpu.memory_space<hbm>> -> memref<1x64x128xf32, #tpu.memory_space<hbm>>
      %dma_wait3A_137 = tpu.memref_squeeze %dma_wait3A_136 : memref<1x64x128xf32, #tpu.memory_space<hbm>> -> memref<64x128xf32, #tpu.memory_space<hbm>>
      %dma_wait3A_138 = arith.constant 0 : i32
      %dma_wait3A_139 = tpu.memref_slice %arg5[%arg0, %add3A_96, %dma_wait3A_138] : memref<2x10240x128xf32, #tpu.memory_space<hbm>> -> memref<1x64x128xf32, #tpu.memory_space<hbm>>
      %dma_wait3A_140 = tpu.memref_squeeze %dma_wait3A_139 : memref<1x64x128xf32, #tpu.memory_space<hbm>> -> memref<64x128xf32, #tpu.memory_space<hbm>>
      tpu.wait_dma2 semaphore(%run_scoped3A_130 : memref<!tpu.dma_semaphore, #tpu.memory_space<semaphore_mem>>) src(%arg10 : memref<64x128xf32, #tpu.memory_space<vmem>>) dst(%dma_wait3A_140 : memref<64x128xf32, #tpu.memory_space<hbm>>)
      tpu.yield
    }) : () -> ()
    %add3A_97 = arith.constant 64 : i32
    %add3A_98 = arith.addi %mul3A_90, %add3A_97 : i32
    "tpu.region"() ({
      %run_scoped3A_130 = tpu.sem_alloc : memref<!tpu.dma_semaphore, #tpu.memory_space<semaphore_mem>>
      %dma_start3A = arith.constant 0 : i32
      %dma_start3A_131 = tpu.memref_slice %arg11[%add3A_98, %dma_start3A] : memref<5248x128xf32, #tpu.memory_space<vmem_shared>> -> memref<64x128xf32, #tpu.memory_space<vmem_shared>>
      %dma_start3A_132 = arith.constant 0 : i32
      %dma_start3A_133 = tpu.memref_slice %arg11[%add3A_98, %dma_start3A_132] : memref<5248x128xf32, #tpu.memory_space<vmem_shared>> -> memref<64x128xf32, #tpu.memory_space<vmem_shared>>
      tpu.enqueue_dma source(%dma_start3A_133 : memref<64x128xf32, #tpu.memory_space<vmem_shared>>) target(%arg10 : memref<64x128xf32, #tpu.memory_space<vmem>>) target_semaphore(%run_scoped3A_130 : memref<!tpu.dma_semaphore, #tpu.memory_space<semaphore_mem>>)
      %dma_wait3A = arith.constant 0 : i32
      %dma_wait3A_134 = tpu.memref_slice %arg11[%add3A_98, %dma_wait3A] : memref<5248x128xf32, #tpu.memory_space<vmem_shared>> -> memref<64x128xf32, #tpu.memory_space<vmem_shared>>
      %dma_wait3A_135 = arith.constant 0 : i32
      %dma_wait3A_136 = tpu.memref_slice %arg11[%add3A_98, %dma_wait3A_135] : memref<5248x128xf32, #tpu.memory_space<vmem_shared>> -> memref<64x128xf32, #tpu.memory_space<vmem_shared>>
      tpu.wait_dma2 semaphore(%run_scoped3A_130 : memref<!tpu.dma_semaphore, #tpu.memory_space<semaphore_mem>>) src(%dma_wait3A_136 : memref<64x128xf32, #tpu.memory_space<vmem_shared>>) dst(%arg10 : memref<64x128xf32, #tpu.memory_space<vmem>>)
      tpu.yield
    }) : () -> ()
    %add3A_99 = arith.constant 5120 : i32
    %add3A_100 = arith.addi %add3A_99, %mul3A_90 : i32
    %add3A_101 = arith.constant 64 : i32
    %add3A_102 = arith.addi %add3A_100, %add3A_101 : i32
    "tpu.region"() ({
      %run_scoped3A_130 = tpu.sem_alloc : memref<!tpu.dma_semaphore, #tpu.memory_space<semaphore_mem>>
      %dma_start3A = arith.constant 0 : i32
      %dma_start3A_131 = tpu.memref_slice %arg5[%arg0, %add3A_102, %dma_start3A] : memref<2x10240x128xf32, #tpu.memory_space<hbm>> -> memref<1x64x128xf32, #tpu.memory_space<hbm>>
      %dma_start3A_132 = tpu.memref_squeeze %dma_start3A_131 : memref<1x64x128xf32, #tpu.memory_space<hbm>> -> memref<64x128xf32, #tpu.memory_space<hbm>>
      %dma_start3A_133 = arith.constant 0 : i32
      %dma_start3A_134 = tpu.memref_slice %arg5[%arg0, %add3A_102, %dma_start3A_133] : memref<2x10240x128xf32, #tpu.memory_space<hbm>> -> memref<1x64x128xf32, #tpu.memory_space<hbm>>
      %dma_start3A_135 = tpu.memref_squeeze %dma_start3A_134 : memref<1x64x128xf32, #tpu.memory_space<hbm>> -> memref<64x128xf32, #tpu.memory_space<hbm>>
      tpu.enqueue_dma source(%arg10 : memref<64x128xf32, #tpu.memory_space<vmem>>) target(%dma_start3A_135 : memref<64x128xf32, #tpu.memory_space<hbm>>) target_semaphore(%run_scoped3A_130 : memref<!tpu.dma_semaphore, #tpu.memory_space<semaphore_mem>>)
      %dma_wait3A = arith.constant 0 : i32
      %dma_wait3A_136 = tpu.memref_slice %arg5[%arg0, %add3A_102, %dma_wait3A] : memref<2x10240x128xf32, #tpu.memory_space<hbm>> -> memref<1x64x128xf32, #tpu.memory_space<hbm>>
      %dma_wait3A_137 = tpu.memref_squeeze %dma_wait3A_136 : memref<1x64x128xf32, #tpu.memory_space<hbm>> -> memref<64x128xf32, #tpu.memory_space<hbm>>
      %dma_wait3A_138 = arith.constant 0 : i32
      %dma_wait3A_139 = tpu.memref_slice %arg5[%arg0, %add3A_102, %dma_wait3A_138] : memref<2x10240x128xf32, #tpu.memory_space<hbm>> -> memref<1x64x128xf32, #tpu.memory_space<hbm>>
      %dma_wait3A_140 = tpu.memref_squeeze %dma_wait3A_139 : memref<1x64x128xf32, #tpu.memory_space<hbm>> -> memref<64x128xf32, #tpu.memory_space<hbm>>
      tpu.wait_dma2 semaphore(%run_scoped3A_130 : memref<!tpu.dma_semaphore, #tpu.memory_space<semaphore_mem>>) src(%arg10 : memref<64x128xf32, #tpu.memory_space<vmem>>) dst(%dma_wait3A_140 : memref<64x128xf32, #tpu.memory_space<hbm>>)
      tpu.yield
    }) : () -> ()
    %add3A_103 = arith.constant 128 : i32
    %add3A_104 = arith.addi %mul3A_90, %add3A_103 : i32
    "tpu.region"() ({
      %run_scoped3A_130 = tpu.sem_alloc : memref<!tpu.dma_semaphore, #tpu.memory_space<semaphore_mem>>
      %dma_start3A = arith.constant 0 : i32
      %dma_start3A_131 = tpu.memref_slice %arg11[%add3A_104, %dma_start3A] : memref<5248x128xf32, #tpu.memory_space<vmem_shared>> -> memref<64x128xf32, #tpu.memory_space<vmem_shared>>
      %dma_start3A_132 = arith.constant 0 : i32
      %dma_start3A_133 = tpu.memref_slice %arg11[%add3A_104, %dma_start3A_132] : memref<5248x128xf32, #tpu.memory_space<vmem_shared>> -> memref<64x128xf32, #tpu.memory_space<vmem_shared>>
      tpu.enqueue_dma source(%dma_start3A_133 : memref<64x128xf32, #tpu.memory_space<vmem_shared>>) target(%arg10 : memref<64x128xf32, #tpu.memory_space<vmem>>) target_semaphore(%run_scoped3A_130 : memref<!tpu.dma_semaphore, #tpu.memory_space<semaphore_mem>>)
      %dma_wait3A = arith.constant 0 : i32
      %dma_wait3A_134 = tpu.memref_slice %arg11[%add3A_104, %dma_wait3A] : memref<5248x128xf32, #tpu.memory_space<vmem_shared>> -> memref<64x128xf32, #tpu.memory_space<vmem_shared>>
      %dma_wait3A_135 = arith.constant 0 : i32
      %dma_wait3A_136 = tpu.memref_slice %arg11[%add3A_104, %dma_wait3A_135] : memref<5248x128xf32, #tpu.memory_space<vmem_shared>> -> memref<64x128xf32, #tpu.memory_space<vmem_shared>>
      tpu.wait_dma2 semaphore(%run_scoped3A_130 : memref<!tpu.dma_semaphore, #tpu.memory_space<semaphore_mem>>) src(%dma_wait3A_136 : memref<64x128xf32, #tpu.memory_space<vmem_shared>>) dst(%arg10 : memref<64x128xf32, #tpu.memory_space<vmem>>)
      tpu.yield
    }) : () -> ()
    %add3A_105 = arith.constant 5120 : i32
    %add3A_106 = arith.addi %add3A_105, %mul3A_90 : i32
    %add3A_107 = arith.constant 128 : i32
    %add3A_108 = arith.addi %add3A_106, %add3A_107 : i32
    "tpu.region"() ({
      %run_scoped3A_130 = tpu.sem_alloc : memref<!tpu.dma_semaphore, #tpu.memory_space<semaphore_mem>>
      %dma_start3A = arith.constant 0 : i32
      %dma_start3A_131 = tpu.memref_slice %arg5[%arg0, %add3A_108, %dma_start3A] : memref<2x10240x128xf32, #tpu.memory_space<hbm>> -> memref<1x64x128xf32, #tpu.memory_space<hbm>>
      %dma_start3A_132 = tpu.memref_squeeze %dma_start3A_131 : memref<1x64x128xf32, #tpu.memory_space<hbm>> -> memref<64x128xf32, #tpu.memory_space<hbm>>
      %dma_start3A_133 = arith.constant 0 : i32
      %dma_start3A_134 = tpu.memref_slice %arg5[%arg0, %add3A_108, %dma_start3A_133] : memref<2x10240x128xf32, #tpu.memory_space<hbm>> -> memref<1x64x128xf32, #tpu.memory_space<hbm>>
      %dma_start3A_135 = tpu.memref_squeeze %dma_start3A_134 : memref<1x64x128xf32, #tpu.memory_space<hbm>> -> memref<64x128xf32, #tpu.memory_space<hbm>>
      tpu.enqueue_dma source(%arg10 : memref<64x128xf32, #tpu.memory_space<vmem>>) target(%dma_start3A_135 : memref<64x128xf32, #tpu.memory_space<hbm>>) target_semaphore(%run_scoped3A_130 : memref<!tpu.dma_semaphore, #tpu.memory_space<semaphore_mem>>)
      %dma_wait3A = arith.constant 0 : i32
      %dma_wait3A_136 = tpu.memref_slice %arg5[%arg0, %add3A_108, %dma_wait3A] : memref<2x10240x128xf32, #tpu.memory_space<hbm>> -> memref<1x64x128xf32, #tpu.memory_space<hbm>>
      %dma_wait3A_137 = tpu.memref_squeeze %dma_wait3A_136 : memref<1x64x128xf32, #tpu.memory_space<hbm>> -> memref<64x128xf32, #tpu.memory_space<hbm>>
      %dma_wait3A_138 = arith.constant 0 : i32
      %dma_wait3A_139 = tpu.memref_slice %arg5[%arg0, %add3A_108, %dma_wait3A_138] : memref<2x10240x128xf32, #tpu.memory_space<hbm>> -> memref<1x64x128xf32, #tpu.memory_space<hbm>>
      %dma_wait3A_140 = tpu.memref_squeeze %dma_wait3A_139 : memref<1x64x128xf32, #tpu.memory_space<hbm>> -> memref<64x128xf32, #tpu.memory_space<hbm>>
      tpu.wait_dma2 semaphore(%run_scoped3A_130 : memref<!tpu.dma_semaphore, #tpu.memory_space<semaphore_mem>>) src(%arg10 : memref<64x128xf32, #tpu.memory_space<vmem>>) dst(%dma_wait3A_140 : memref<64x128xf32, #tpu.memory_space<hbm>>)
      tpu.yield
    }) : () -> ()
    %add3A_109 = arith.constant 192 : i32
    %add3A_110 = arith.addi %mul3A_90, %add3A_109 : i32
    "tpu.region"() ({
      %run_scoped3A_130 = tpu.sem_alloc : memref<!tpu.dma_semaphore, #tpu.memory_space<semaphore_mem>>
      %dma_start3A = arith.constant 0 : i32
      %dma_start3A_131 = tpu.memref_slice %arg11[%add3A_110, %dma_start3A] : memref<5248x128xf32, #tpu.memory_space<vmem_shared>> -> memref<64x128xf32, #tpu.memory_space<vmem_shared>>
      %dma_start3A_132 = arith.constant 0 : i32
      %dma_start3A_133 = tpu.memref_slice %arg11[%add3A_110, %dma_start3A_132] : memref<5248x128xf32, #tpu.memory_space<vmem_shared>> -> memref<64x128xf32, #tpu.memory_space<vmem_shared>>
      tpu.enqueue_dma source(%dma_start3A_133 : memref<64x128xf32, #tpu.memory_space<vmem_shared>>) target(%arg10 : memref<64x128xf32, #tpu.memory_space<vmem>>) target_semaphore(%run_scoped3A_130 : memref<!tpu.dma_semaphore, #tpu.memory_space<semaphore_mem>>)
      %dma_wait3A = arith.constant 0 : i32
      %dma_wait3A_134 = tpu.memref_slice %arg11[%add3A_110, %dma_wait3A] : memref<5248x128xf32, #tpu.memory_space<vmem_shared>> -> memref<64x128xf32, #tpu.memory_space<vmem_shared>>
      %dma_wait3A_135 = arith.constant 0 : i32
      %dma_wait3A_136 = tpu.memref_slice %arg11[%add3A_110, %dma_wait3A_135] : memref<5248x128xf32, #tpu.memory_space<vmem_shared>> -> memref<64x128xf32, #tpu.memory_space<vmem_shared>>
      tpu.wait_dma2 semaphore(%run_scoped3A_130 : memref<!tpu.dma_semaphore, #tpu.memory_space<semaphore_mem>>) src(%dma_wait3A_136 : memref<64x128xf32, #tpu.memory_space<vmem_shared>>) dst(%arg10 : memref<64x128xf32, #tpu.memory_space<vmem>>)
      tpu.yield
    }) : () -> ()
    %add3A_111 = arith.constant 5120 : i32
    %add3A_112 = arith.addi %add3A_111, %mul3A_90 : i32
    %add3A_113 = arith.constant 192 : i32
    %add3A_114 = arith.addi %add3A_112, %add3A_113 : i32
    "tpu.region"() ({
      %run_scoped3A_130 = tpu.sem_alloc : memref<!tpu.dma_semaphore, #tpu.memory_space<semaphore_mem>>
      %dma_start3A = arith.constant 0 : i32
      %dma_start3A_131 = tpu.memref_slice %arg5[%arg0, %add3A_114, %dma_start3A] : memref<2x10240x128xf32, #tpu.memory_space<hbm>> -> memref<1x64x128xf32, #tpu.memory_space<hbm>>
      %dma_start3A_132 = tpu.memref_squeeze %dma_start3A_131 : memref<1x64x128xf32, #tpu.memory_space<hbm>> -> memref<64x128xf32, #tpu.memory_space<hbm>>
      %dma_start3A_133 = arith.constant 0 : i32
      %dma_start3A_134 = tpu.memref_slice %arg5[%arg0, %add3A_114, %dma_start3A_133] : memref<2x10240x128xf32, #tpu.memory_space<hbm>> -> memref<1x64x128xf32, #tpu.memory_space<hbm>>
      %dma_start3A_135 = tpu.memref_squeeze %dma_start3A_134 : memref<1x64x128xf32, #tpu.memory_space<hbm>> -> memref<64x128xf32, #tpu.memory_space<hbm>>
      tpu.enqueue_dma source(%arg10 : memref<64x128xf32, #tpu.memory_space<vmem>>) target(%dma_start3A_135 : memref<64x128xf32, #tpu.memory_space<hbm>>) target_semaphore(%run_scoped3A_130 : memref<!tpu.dma_semaphore, #tpu.memory_space<semaphore_mem>>)
      %dma_wait3A = arith.constant 0 : i32
      %dma_wait3A_136 = tpu.memref_slice %arg5[%arg0, %add3A_114, %dma_wait3A] : memref<2x10240x128xf32, #tpu.memory_space<hbm>> -> memref<1x64x128xf32, #tpu.memory_space<hbm>>
      %dma_wait3A_137 = tpu.memref_squeeze %dma_wait3A_136 : memref<1x64x128xf32, #tpu.memory_space<hbm>> -> memref<64x128xf32, #tpu.memory_space<hbm>>
      %dma_wait3A_138 = arith.constant 0 : i32
      %dma_wait3A_139 = tpu.memref_slice %arg5[%arg0, %add3A_114, %dma_wait3A_138] : memref<2x10240x128xf32, #tpu.memory_space<hbm>> -> memref<1x64x128xf32, #tpu.memory_space<hbm>>
      %dma_wait3A_140 = tpu.memref_squeeze %dma_wait3A_139 : memref<1x64x128xf32, #tpu.memory_space<hbm>> -> memref<64x128xf32, #tpu.memory_space<hbm>>
      tpu.wait_dma2 semaphore(%run_scoped3A_130 : memref<!tpu.dma_semaphore, #tpu.memory_space<semaphore_mem>>) src(%arg10 : memref<64x128xf32, #tpu.memory_space<vmem>>) dst(%dma_wait3A_140 : memref<64x128xf32, #tpu.memory_space<hbm>>)
      tpu.yield
    }) : () -> ()
    %add3A_115 = arith.constant 256 : i32
    %add3A_116 = arith.addi %mul3A_90, %add3A_115 : i32
    "tpu.region"() ({
      %run_scoped3A_130 = tpu.sem_alloc : memref<!tpu.dma_semaphore, #tpu.memory_space<semaphore_mem>>
      %dma_start3A = arith.constant 0 : i32
      %dma_start3A_131 = tpu.memref_slice %arg11[%add3A_116, %dma_start3A] : memref<5248x128xf32, #tpu.memory_space<vmem_shared>> -> memref<64x128xf32, #tpu.memory_space<vmem_shared>>
      %dma_start3A_132 = arith.constant 0 : i32
      %dma_start3A_133 = tpu.memref_slice %arg11[%add3A_116, %dma_start3A_132] : memref<5248x128xf32, #tpu.memory_space<vmem_shared>> -> memref<64x128xf32, #tpu.memory_space<vmem_shared>>
      tpu.enqueue_dma source(%dma_start3A_133 : memref<64x128xf32, #tpu.memory_space<vmem_shared>>) target(%arg10 : memref<64x128xf32, #tpu.memory_space<vmem>>) target_semaphore(%run_scoped3A_130 : memref<!tpu.dma_semaphore, #tpu.memory_space<semaphore_mem>>)
      %dma_wait3A = arith.constant 0 : i32
      %dma_wait3A_134 = tpu.memref_slice %arg11[%add3A_116, %dma_wait3A] : memref<5248x128xf32, #tpu.memory_space<vmem_shared>> -> memref<64x128xf32, #tpu.memory_space<vmem_shared>>
      %dma_wait3A_135 = arith.constant 0 : i32
      %dma_wait3A_136 = tpu.memref_slice %arg11[%add3A_116, %dma_wait3A_135] : memref<5248x128xf32, #tpu.memory_space<vmem_shared>> -> memref<64x128xf32, #tpu.memory_space<vmem_shared>>
      tpu.wait_dma2 semaphore(%run_scoped3A_130 : memref<!tpu.dma_semaphore, #tpu.memory_space<semaphore_mem>>) src(%dma_wait3A_136 : memref<64x128xf32, #tpu.memory_space<vmem_shared>>) dst(%arg10 : memref<64x128xf32, #tpu.memory_space<vmem>>)
      tpu.yield
    }) : () -> ()
    %add3A_117 = arith.constant 5120 : i32
    %add3A_118 = arith.addi %add3A_117, %mul3A_90 : i32
    %add3A_119 = arith.constant 256 : i32
    %add3A_120 = arith.addi %add3A_118, %add3A_119 : i32
    "tpu.region"() ({
      %run_scoped3A_130 = tpu.sem_alloc : memref<!tpu.dma_semaphore, #tpu.memory_space<semaphore_mem>>
      %dma_start3A = arith.constant 0 : i32
      %dma_start3A_131 = tpu.memref_slice %arg5[%arg0, %add3A_120, %dma_start3A] : memref<2x10240x128xf32, #tpu.memory_space<hbm>> -> memref<1x64x128xf32, #tpu.memory_space<hbm>>
      %dma_start3A_132 = tpu.memref_squeeze %dma_start3A_131 : memref<1x64x128xf32, #tpu.memory_space<hbm>> -> memref<64x128xf32, #tpu.memory_space<hbm>>
      %dma_start3A_133 = arith.constant 0 : i32
      %dma_start3A_134 = tpu.memref_slice %arg5[%arg0, %add3A_120, %dma_start3A_133] : memref<2x10240x128xf32, #tpu.memory_space<hbm>> -> memref<1x64x128xf32, #tpu.memory_space<hbm>>
      %dma_start3A_135 = tpu.memref_squeeze %dma_start3A_134 : memref<1x64x128xf32, #tpu.memory_space<hbm>> -> memref<64x128xf32, #tpu.memory_space<hbm>>
      tpu.enqueue_dma source(%arg10 : memref<64x128xf32, #tpu.memory_space<vmem>>) target(%dma_start3A_135 : memref<64x128xf32, #tpu.memory_space<hbm>>) target_semaphore(%run_scoped3A_130 : memref<!tpu.dma_semaphore, #tpu.memory_space<semaphore_mem>>)
      %dma_wait3A = arith.constant 0 : i32
      %dma_wait3A_136 = tpu.memref_slice %arg5[%arg0, %add3A_120, %dma_wait3A] : memref<2x10240x128xf32, #tpu.memory_space<hbm>> -> memref<1x64x128xf32, #tpu.memory_space<hbm>>
      %dma_wait3A_137 = tpu.memref_squeeze %dma_wait3A_136 : memref<1x64x128xf32, #tpu.memory_space<hbm>> -> memref<64x128xf32, #tpu.memory_space<hbm>>
      %dma_wait3A_138 = arith.constant 0 : i32
      %dma_wait3A_139 = tpu.memref_slice %arg5[%arg0, %add3A_120, %dma_wait3A_138] : memref<2x10240x128xf32, #tpu.memory_space<hbm>> -> memref<1x64x128xf32, #tpu.memory_space<hbm>>
      %dma_wait3A_140 = tpu.memref_squeeze %dma_wait3A_139 : memref<1x64x128xf32, #tpu.memory_space<hbm>> -> memref<64x128xf32, #tpu.memory_space<hbm>>
      tpu.wait_dma2 semaphore(%run_scoped3A_130 : memref<!tpu.dma_semaphore, #tpu.memory_space<semaphore_mem>>) src(%arg10 : memref<64x128xf32, #tpu.memory_space<vmem>>) dst(%dma_wait3A_140 : memref<64x128xf32, #tpu.memory_space<hbm>>)
      tpu.yield
    }) : () -> ()
    %barrier3A_121 = arith.constant 0 : index
    tpu.barrier barrier_id(%barrier3A_121)
    %broadcast_in_dim3A_122 = arith.constant 0.000000e+00 : f32
    %broadcast_in_dim3A_123 = vector.broadcast %broadcast_in_dim3A_122 : f32 to vector<16xf32>
    %scan3A_124 = arith.constant 0 : i32
    %scan3A_125 = arith.constant 0 : i32
    %scan3A_126 = arith.constant 64 : i32
    %scan3A_127 = arith.addi %scan3A_125, %scan3A_126 : i32
    %scan3A_128 = arith.constant 1 : i32
    scf.for %scan3A_130 = %scan3A_125 to %scan3A_127 step %scan3A_128  : i32 {
      %swap3A = arith.index_cast %scan3A_130 : i32 to index
      %swap3A_131 = arith.constant 0 : index
      %swap3A_132 = tpu.vector_load %arg10[%swap3A, %swap3A_131] {strides = array<i32>} : memref<64x128xf32, #tpu.memory_space<vmem>>, vector<1x16xf32>,
      %swap3A_133 = vector.shape_cast %swap3A_132 : vector<1x16xf32> to vector<16xf32>
      %swap3A_134 = vector.shape_cast %broadcast_in_dim3A_123 : vector<16xf32> to vector<1x16xf32>
      tpu.vector_store %arg10[%swap3A, %swap3A_131], %swap3A_134 {strides = array<i32>} : memref<64x128xf32, #tpu.memory_space<vmem>>, vector<1x16xf32>,
      %swap3A_135 = arith.index_cast %scan3A_130 : i32 to index
      %swap3A_136 = arith.constant 16 : index
      %swap3A_137 = tpu.vector_load %arg10[%swap3A_135, %swap3A_136] {strides = array<i32>} : memref<64x128xf32, #tpu.memory_space<vmem>>, vector<1x16xf32>,
      %swap3A_138 = vector.shape_cast %swap3A_137 : vector<1x16xf32> to vector<16xf32>
      %swap3A_139 = vector.shape_cast %broadcast_in_dim3A_123 : vector<16xf32> to vector<1x16xf32>
      tpu.vector_store %arg10[%swap3A_135, %swap3A_136], %swap3A_139 {strides = array<i32>} : memref<64x128xf32, #tpu.memory_space<vmem>>, vector<1x16xf32>,
      %swap3A_140 = arith.index_cast %scan3A_130 : i32 to index
      %swap3A_141 = arith.constant 32 : index
      %swap3A_142 = tpu.vector_load %arg10[%swap3A_140, %swap3A_141] {strides = array<i32>} : memref<64x128xf32, #tpu.memory_space<vmem>>, vector<1x16xf32>,
      %swap3A_143 = vector.shape_cast %swap3A_142 : vector<1x16xf32> to vector<16xf32>
      %swap3A_144 = vector.shape_cast %broadcast_in_dim3A_123 : vector<16xf32> to vector<1x16xf32>
      tpu.vector_store %arg10[%swap3A_140, %swap3A_141], %swap3A_144 {strides = array<i32>} : memref<64x128xf32, #tpu.memory_space<vmem>>, vector<1x16xf32>,
      %swap3A_145 = arith.index_cast %scan3A_130 : i32 to index
      %swap3A_146 = arith.constant 48 : index
      %swap3A_147 = tpu.vector_load %arg10[%swap3A_145, %swap3A_146] {strides = array<i32>} : memref<64x128xf32, #tpu.memory_space<vmem>>, vector<1x16xf32>,
      %swap3A_148 = vector.shape_cast %swap3A_147 : vector<1x16xf32> to vector<16xf32>
      %swap3A_149 = vector.shape_cast %broadcast_in_dim3A_123 : vector<16xf32> to vector<1x16xf32>
      tpu.vector_store %arg10[%swap3A_145, %swap3A_146], %swap3A_149 {strides = array<i32>} : memref<64x128xf32, #tpu.memory_space<vmem>>, vector<1x16xf32>,
      %swap3A_150 = arith.index_cast %scan3A_130 : i32 to index
      %swap3A_151 = arith.constant 64 : index
      %swap3A_152 = tpu.vector_load %arg10[%swap3A_150, %swap3A_151] {strides = array<i32>} : memref<64x128xf32, #tpu.memory_space<vmem>>, vector<1x16xf32>,
      %swap3A_153 = vector.shape_cast %swap3A_152 : vector<1x16xf32> to vector<16xf32>
      %swap3A_154 = vector.shape_cast %broadcast_in_dim3A_123 : vector<16xf32> to vector<1x16xf32>
      tpu.vector_store %arg10[%swap3A_150, %swap3A_151], %swap3A_154 {strides = array<i32>} : memref<64x128xf32, #tpu.memory_space<vmem>>, vector<1x16xf32>,
      %swap3A_155 = arith.index_cast %scan3A_130 : i32 to index
      %swap3A_156 = arith.constant 80 : index
      %swap3A_157 = tpu.vector_load %arg10[%swap3A_155, %swap3A_156] {strides = array<i32>} : memref<64x128xf32, #tpu.memory_space<vmem>>, vector<1x16xf32>,
      %swap3A_158 = vector.shape_cast %swap3A_157 : vector<1x16xf32> to vector<16xf32>
      %swap3A_159 = vector.shape_cast %broadcast_in_dim3A_123 : vector<16xf32> to vector<1x16xf32>
      tpu.vector_store %arg10[%swap3A_155, %swap3A_156], %swap3A_159 {strides = array<i32>} : memref<64x128xf32, #tpu.memory_space<vmem>>, vector<1x16xf32>,
      %swap3A_160 = arith.index_cast %scan3A_130 : i32 to index
      %swap3A_161 = arith.constant 96 : index
      %swap3A_162 = tpu.vector_load %arg10[%swap3A_160, %swap3A_161] {strides = array<i32>} : memref<64x128xf32, #tpu.memory_space<vmem>>, vector<1x16xf32>,
      %swap3A_163 = vector.shape_cast %swap3A_162 : vector<1x16xf32> to vector<16xf32>
      %swap3A_164 = vector.shape_cast %broadcast_in_dim3A_123 : vector<16xf32> to vector<1x16xf32>
      tpu.vector_store %arg10[%swap3A_160, %swap3A_161], %swap3A_164 {strides = array<i32>} : memref<64x128xf32, #tpu.memory_space<vmem>>, vector<1x16xf32>,
      %swap3A_165 = arith.index_cast %scan3A_130 : i32 to index
      %swap3A_166 = arith.constant 112 : index
      %swap3A_167 = tpu.vector_load %arg10[%swap3A_165, %swap3A_166] {strides = array<i32>} : memref<64x128xf32, #tpu.memory_space<vmem>>, vector<1x16xf32>,
      %swap3A_168 = vector.shape_cast %swap3A_167 : vector<1x16xf32> to vector<16xf32>
      %swap3A_169 = vector.shape_cast %broadcast_in_dim3A_123 : vector<16xf32> to vector<1x16xf32>
      tpu.vector_store %arg10[%swap3A_165, %swap3A_166], %swap3A_169 {strides = array<i32>} : memref<64x128xf32, #tpu.memory_space<vmem>>, vector<1x16xf32>,
    }
    %scan3A_129 = arith.constant 64 : i32
    return
  }
}

module attributes {stable_mosaic.version = 14 : i64} {
  func.func @_t1_body(%arg0: i32, %arg1: memref<400x128xf32, #tpu.memory_space<vmem>>, %arg2: memref<128x256xf32, #tpu.memory_space<vmem>>, %arg3: memref<2x400x16xf32, #tpu.memory_space<vmem>>, %arg4: memref<2x400x128xf32, #tpu.memory_space<vmem>>) attributes {dimension_semantics = [#tpu.dimension_semantics<arbitrary>], iteration_bounds = array<i64: 25>, scalar_prefetch = 0 : i64, scratch_operands = 0 : i64, tpu.core_type = #tpu.core_type<tc>, window_params = [{transform_indices = @transform_0, window_bounds = array<i64: 400, 128>}, {pipeline_mode = #tpu.pipeline_mode<synchronous>, transform_indices = @transform_1, window_bounds = array<i64: 128, 256>}, {transform_indices = @transform_2, window_bounds = array<i64: 2, 400, 16>}, {transform_indices = @transform_3, window_bounds = array<i64: 2, 400, 128>}]} {
    %get3A = arith.constant 0 : index
    %get3A_0 = arith.constant 0 : index
    %get3A_1 = arith.constant 0 : index
    %get3A_2 = vector.load %arg3[%get3A, %get3A_0, %get3A_1] : memref<2x400x16xf32, #tpu.memory_space<vmem>>, vector<2x400x16xf32>
    %slice3A = vector.extract_strided_slice %get3A_2 {offsets = [0, 0, 0], sizes = [1, 400, 1], strides = [1, 1, 1]} : vector<2x400x16xf32> to vector<1x400x1xf32>
    %squeeze3A = vector.shape_cast %slice3A : vector<1x400x1xf32> to vector<400x1xf32>
    %slice3A_3 = vector.extract_strided_slice %get3A_2 {offsets = [1, 0, 0], sizes = [1, 400, 1], strides = [1, 1, 1]} : vector<2x400x16xf32> to vector<1x400x1xf32>
    %squeeze3A_4 = vector.shape_cast %slice3A_3 : vector<1x400x1xf32> to vector<400x1xf32>
    %add3A = arith.addf %squeeze3A, %squeeze3A_4 : vector<400x1xf32>
    %add3A_5 = arith.constant 1.000000e+00 : f32
    %add3A_6 = vector.broadcast %add3A_5 : f32 to vector<400x1xf32>
    %add3A_7 = arith.addf %add3A, %add3A_6 : vector<400x1xf32>
    %rsqrt3A = math.rsqrt %add3A_7 : vector<400x1xf32>
    %get3A_8 = arith.constant 0 : index
    %get3A_9 = arith.constant 0 : index
    %get3A_10 = vector.load %arg1[%get3A_8, %get3A_9] : memref<400x128xf32, #tpu.memory_space<vmem>>, vector<400x128xf32>
    %get3A_11 = arith.constant 0 : index
    %get3A_12 = arith.constant 0 : index
    %get3A_13 = vector.load %arg2[%get3A_11, %get3A_12] : memref<128x256xf32, #tpu.memory_space<vmem>>, vector<128x256xf32>
    %dot_general3A = arith.constant dense<0.000000e+00> : vector<400x256xf32>
    %dot_general3A_14 = tpu.matmul %get3A_10, %get3A_13, %dot_general3A {dimension_numbers = #tpu.dot_dimension_numbers<[1], [0], [0], [1], [0, 0, 1, 1], [], []>, transpose_lhs_hint = false} : vector<400x128xf32>, vector<128x256xf32>, vector<400x256xf32> -> vector<400x256xf32>
    %slice3A_15 = vector.extract_strided_slice %dot_general3A_14 {offsets = [0, 0], sizes = [400, 128], strides = [1, 1]} : vector<400x256xf32> to vector<400x128xf32>
    %mul3A = vector.broadcast %rsqrt3A : vector<400x1xf32> to vector<400x128xf32>
    %mul3A_16 = arith.mulf %mul3A, %slice3A_15 : vector<400x128xf32>
    %swap3A = arith.constant 0 : index
    %swap3A_17 = arith.constant 0 : index
    %swap3A_18 = arith.constant 0 : index
    %swap3A_19 = vector.load %arg4[%swap3A, %swap3A_17, %swap3A_18] : memref<2x400x128xf32, #tpu.memory_space<vmem>>, vector<1x400x128xf32>
    %swap3A_20 = vector.shape_cast %swap3A_19 : vector<1x400x128xf32> to vector<400x128xf32>
    %swap3A_21 = vector.shape_cast %mul3A_16 : vector<400x128xf32> to vector<1x400x128xf32>
    tpu.vector_store %arg4[%swap3A, %swap3A_17, %swap3A_18], %swap3A_21 {strides = array<i32>} : memref<2x400x128xf32, #tpu.memory_space<vmem>>, vector<1x400x128xf32>,
    %slice3A_22 = vector.extract_strided_slice %dot_general3A_14 {offsets = [0, 128], sizes = [400, 128], strides = [1, 1]} : vector<400x256xf32> to vector<400x128xf32>
    %mul3A_23 = vector.broadcast %rsqrt3A : vector<400x1xf32> to vector<400x128xf32>
    %mul3A_24 = arith.mulf %mul3A_23, %slice3A_22 : vector<400x128xf32>
    %swap3A_25 = arith.constant 1 : index
    %swap3A_26 = arith.constant 0 : index
    %swap3A_27 = arith.constant 0 : index
    %swap3A_28 = vector.load %arg4[%swap3A_25, %swap3A_26, %swap3A_27] : memref<2x400x128xf32, #tpu.memory_space<vmem>>, vector<1x400x128xf32>
    %swap3A_29 = vector.shape_cast %swap3A_28 : vector<1x400x128xf32> to vector<400x128xf32>
    %swap3A_30 = vector.shape_cast %mul3A_24 : vector<400x128xf32> to vector<1x400x128xf32>
    tpu.vector_store %arg4[%swap3A_25, %swap3A_26, %swap3A_27], %swap3A_30 {strides = array<i32>} : memref<2x400x128xf32, #tpu.memory_space<vmem>>, vector<1x400x128xf32>,
    return
  }
  func.func @transform_0(%arg0: i32) -> (i32, i32) {
    %c0_i32 = arith.constant 0 : i32
    %c0_i32_0 = arith.constant 0 : i32
    return %arg0, %c0_i32 : i32, i32
  }
  func.func @transform_1(%arg0: i32) -> (i32, i32) {
    %c0_i32 = arith.constant 0 : i32
    %c0_i32_0 = arith.constant 0 : i32
    %c0_i32_1 = arith.constant 0 : i32
    return %c0_i32, %c0_i32_0 : i32, i32
  }
  func.func @transform_2(%arg0: i32) -> (i32, i32, i32) {
    %c0_i32 = arith.constant 0 : i32
    %c0_i32_0 = arith.constant 0 : i32
    %c0_i32_1 = arith.constant 0 : i32
    return %c0_i32, %arg0, %c0_i32_0 : i32, i32, i32
  }
  func.func @transform_3(%arg0: i32) -> (i32, i32, i32) {
    %c0_i32 = arith.constant 0 : i32
    %c0_i32_0 = arith.constant 0 : i32
    %c0_i32_1 = arith.constant 0 : i32
    return %c0_i32, %arg0, %c0_i32_0 : i32, i32, i32
  }
}

module attributes {stable_mosaic.version = 14 : i64} {
  func.func @_t_mid_body(%arg0: i32, %arg1: memref<2x400x128xf32, #tpu.memory_space<vmem>>, %arg2: memref<2x400x128xf32, #tpu.memory_space<vmem>>, %arg3: memref<1x2x128xf32, #tpu.memory_space<vmem>>, %arg4: memref<2x128x256xf32, #tpu.memory_space<vmem>>, %arg5: memref<2x400x16xf32, #tpu.memory_space<vmem>>, %arg6: memref<2x400x128xf32, #tpu.memory_space<vmem>>) attributes {dimension_semantics = [#tpu.dimension_semantics<arbitrary>], iteration_bounds = array<i64: 25>, scalar_prefetch = 0 : i64, scratch_operands = 0 : i64, tpu.core_type = #tpu.core_type<tc>, window_params = [{transform_indices = @transform_0, window_bounds = array<i64: 2, 400, 128>}, {transform_indices = @transform_1, window_bounds = array<i64: 2, 400, 128>}, {pipeline_mode = #tpu.pipeline_mode<synchronous>, transform_indices = @transform_2, window_bounds = array<i64: 1, 2, 128>}, {pipeline_mode = #tpu.pipeline_mode<synchronous>, transform_indices = @transform_3, window_bounds = array<i64: 2, 128, 256>}, {transform_indices = @transform_4, window_bounds = array<i64: 2, 400, 16>}, {transform_indices = @transform_5, window_bounds = array<i64: 2, 400, 128>}]} {
    %get3A = arith.constant 0 : index
    %get3A_0 = arith.constant 0 : index
    %get3A_1 = arith.constant 0 : index
    %get3A_2 = vector.load %arg5[%get3A, %get3A_0, %get3A_1] : memref<2x400x16xf32, #tpu.memory_space<vmem>>, vector<2x400x16xf32>
    %slice3A = vector.extract_strided_slice %get3A_2 {offsets = [0, 0, 0], sizes = [1, 400, 1], strides = [1, 1, 1]} : vector<2x400x16xf32> to vector<1x400x1xf32>
    %squeeze3A = vector.shape_cast %slice3A : vector<1x400x1xf32> to vector<400x1xf32>
    %slice3A_3 = vector.extract_strided_slice %get3A_2 {offsets = [1, 0, 0], sizes = [1, 400, 1], strides = [1, 1, 1]} : vector<2x400x16xf32> to vector<1x400x1xf32>
    %squeeze3A_4 = vector.shape_cast %slice3A_3 : vector<1x400x1xf32> to vector<400x1xf32>
    %add3A = arith.addf %squeeze3A, %squeeze3A_4 : vector<400x1xf32>
    %add3A_5 = arith.constant 1.000000e+00 : f32
    %add3A_6 = vector.broadcast %add3A_5 : f32 to vector<400x1xf32>
    %add3A_7 = arith.addf %add3A, %add3A_6 : vector<400x1xf32>
    %rsqrt3A = math.rsqrt %add3A_7 : vector<400x1xf32>
    %get3A_8 = arith.constant 0 : index
    %get3A_9 = arith.constant 0 : index
    %get3A_10 = arith.constant 0 : index
    %get3A_11 = vector.load %arg1[%get3A_8, %get3A_9, %get3A_10] : memref<2x400x128xf32, #tpu.memory_space<vmem>>, vector<1x400x128xf32>
    %get3A_12 = vector.shape_cast %get3A_11 : vector<1x400x128xf32> to vector<400x128xf32>
    %get3A_13 = arith.constant 0 : index
    %get3A_14 = arith.constant 0 : index
    %get3A_15 = arith.constant 0 : index
    %get3A_16 = vector.load %arg2[%get3A_13, %get3A_14, %get3A_15] : memref<2x400x128xf32, #tpu.memory_space<vmem>>, vector<1x400x128xf32>
    %get3A_17 = vector.shape_cast %get3A_16 : vector<1x400x128xf32> to vector<400x128xf32>
    %add3A_18 = arith.addf %get3A_12, %get3A_17 : vector<400x128xf32>
    %mul3A = vector.broadcast %rsqrt3A : vector<400x1xf32> to vector<400x128xf32>
    %mul3A_19 = arith.mulf %mul3A, %add3A_18 : vector<400x128xf32>
    %get3A_20 = arith.constant 0 : index
    %get3A_21 = arith.constant 0 : index
    %get3A_22 = arith.constant 0 : index
    %get3A_23 = vector.load %arg3[%get3A_20, %get3A_21, %get3A_22] : memref<1x2x128xf32, #tpu.memory_space<vmem>>, vector<1x1x128xf32>
    %get3A_24 = vector.shape_cast %get3A_23 : vector<1x1x128xf32> to vector<128xf32>
    %broadcast_in_dim3A = vector.shape_cast %get3A_24 : vector<128xf32> to vector<1x128xf32>
    %add3A_25 = vector.broadcast %broadcast_in_dim3A : vector<1x128xf32> to vector<400x128xf32>
    %add3A_26 = arith.addf %mul3A_19, %add3A_25 : vector<400x128xf32>
    %max3A = arith.constant 0.000000e+00 : f32
    %max3A_27 = vector.broadcast %max3A : f32 to vector<400x128xf32>
    %max3A_28 = arith.maximumf %add3A_26, %max3A_27 : vector<400x128xf32>
    %get3A_29 = arith.constant 1 : index
    %get3A_30 = arith.constant 0 : index
    %get3A_31 = arith.constant 0 : index
    %get3A_32 = vector.load %arg1[%get3A_29, %get3A_30, %get3A_31] : memref<2x400x128xf32, #tpu.memory_space<vmem>>, vector<1x400x128xf32>
    %get3A_33 = vector.shape_cast %get3A_32 : vector<1x400x128xf32> to vector<400x128xf32>
    %get3A_34 = arith.constant 1 : index
    %get3A_35 = arith.constant 0 : index
    %get3A_36 = arith.constant 0 : index
    %get3A_37 = vector.load %arg2[%get3A_34, %get3A_35, %get3A_36] : memref<2x400x128xf32, #tpu.memory_space<vmem>>, vector<1x400x128xf32>
    %get3A_38 = vector.shape_cast %get3A_37 : vector<1x400x128xf32> to vector<400x128xf32>
    %add3A_39 = arith.addf %get3A_33, %get3A_38 : vector<400x128xf32>
    %mul3A_40 = vector.broadcast %rsqrt3A : vector<400x1xf32> to vector<400x128xf32>
    %mul3A_41 = arith.mulf %mul3A_40, %add3A_39 : vector<400x128xf32>
    %get3A_42 = arith.constant 0 : index
    %get3A_43 = arith.constant 1 : index
    %get3A_44 = arith.constant 0 : index
    %get3A_45 = vector.load %arg3[%get3A_42, %get3A_43, %get3A_44] : memref<1x2x128xf32, #tpu.memory_space<vmem>>, vector<1x1x128xf32>
    %get3A_46 = vector.shape_cast %get3A_45 : vector<1x1x128xf32> to vector<128xf32>
    %broadcast_in_dim3A_47 = vector.shape_cast %get3A_46 : vector<128xf32> to vector<1x128xf32>
    %add3A_48 = vector.broadcast %broadcast_in_dim3A_47 : vector<1x128xf32> to vector<400x128xf32>
    %add3A_49 = arith.addf %mul3A_41, %add3A_48 : vector<400x128xf32>
    %max3A_50 = arith.constant 0.000000e+00 : f32
    %max3A_51 = vector.broadcast %max3A_50 : f32 to vector<400x128xf32>
    %max3A_52 = arith.maximumf %add3A_49, %max3A_51 : vector<400x128xf32>
    %get3A_53 = arith.constant 0 : index
    %get3A_54 = arith.constant 0 : index
    %get3A_55 = arith.constant 0 : index
    %get3A_56 = vector.load %arg4[%get3A_53, %get3A_54, %get3A_55] : memref<2x128x256xf32, #tpu.memory_space<vmem>>, vector<1x128x256xf32>
    %get3A_57 = vector.shape_cast %get3A_56 : vector<1x128x256xf32> to vector<128x256xf32>
    %dot_general3A = arith.constant dense<0.000000e+00> : vector<400x256xf32>
    %dot_general3A_58 = tpu.matmul %max3A_28, %get3A_57, %dot_general3A {dimension_numbers = #tpu.dot_dimension_numbers<[1], [0], [0], [1], [0, 0, 1, 1], [], []>, transpose_lhs_hint = false} : vector<400x128xf32>, vector<128x256xf32>, vector<400x256xf32> -> vector<400x256xf32>
    %get3A_59 = arith.constant 1 : index
    %get3A_60 = arith.constant 0 : index
    %get3A_61 = arith.constant 0 : index
    %get3A_62 = vector.load %arg4[%get3A_59, %get3A_60, %get3A_61] : memref<2x128x256xf32, #tpu.memory_space<vmem>>, vector<1x128x256xf32>
    %get3A_63 = vector.shape_cast %get3A_62 : vector<1x128x256xf32> to vector<128x256xf32>
    %dot_general3A_64 = arith.constant dense<0.000000e+00> : vector<400x256xf32>
    %dot_general3A_65 = tpu.matmul %max3A_52, %get3A_63, %dot_general3A_64 {dimension_numbers = #tpu.dot_dimension_numbers<[1], [0], [0], [1], [0, 0, 1, 1], [], []>, transpose_lhs_hint = false} : vector<400x128xf32>, vector<128x256xf32>, vector<400x256xf32> -> vector<400x256xf32>
    %add3A_66 = arith.addf %dot_general3A_58, %dot_general3A_65 : vector<400x256xf32>
    %slice3A_67 = vector.extract_strided_slice %add3A_66 {offsets = [0, 0], sizes = [400, 128], strides = [1, 1]} : vector<400x256xf32> to vector<400x128xf32>
    %mul3A_68 = vector.broadcast %rsqrt3A : vector<400x1xf32> to vector<400x128xf32>
    %mul3A_69 = arith.mulf %mul3A_68, %slice3A_67 : vector<400x128xf32>
    %swap3A = arith.constant 0 : index
    %swap3A_70 = arith.constant 0 : index
    %swap3A_71 = arith.constant 0 : index
    %swap3A_72 = vector.load %arg6[%swap3A, %swap3A_70, %swap3A_71] : memref<2x400x128xf32, #tpu.memory_space<vmem>>, vector<1x400x128xf32>
    %swap3A_73 = vector.shape_cast %swap3A_72 : vector<1x400x128xf32> to vector<400x128xf32>
    %swap3A_74 = vector.shape_cast %mul3A_69 : vector<400x128xf32> to vector<1x400x128xf32>
    tpu.vector_store %arg6[%swap3A, %swap3A_70, %swap3A_71], %swap3A_74 {strides = array<i32>} : memref<2x400x128xf32, #tpu.memory_space<vmem>>, vector<1x400x128xf32>,
    %slice3A_75 = vector.extract_strided_slice %add3A_66 {offsets = [0, 128], sizes = [400, 128], strides = [1, 1]} : vector<400x256xf32> to vector<400x128xf32>
    %mul3A_76 = vector.broadcast %rsqrt3A : vector<400x1xf32> to vector<400x128xf32>
    %mul3A_77 = arith.mulf %mul3A_76, %slice3A_75 : vector<400x128xf32>
    %swap3A_78 = arith.constant 1 : index
    %swap3A_79 = arith.constant 0 : index
    %swap3A_80 = arith.constant 0 : index
    %swap3A_81 = vector.load %arg6[%swap3A_78, %swap3A_79, %swap3A_80] : memref<2x400x128xf32, #tpu.memory_space<vmem>>, vector<1x400x128xf32>
    %swap3A_82 = vector.shape_cast %swap3A_81 : vector<1x400x128xf32> to vector<400x128xf32>
    %swap3A_83 = vector.shape_cast %mul3A_77 : vector<400x128xf32> to vector<1x400x128xf32>
    tpu.vector_store %arg6[%swap3A_78, %swap3A_79, %swap3A_80], %swap3A_83 {strides = array<i32>} : memref<2x400x128xf32, #tpu.memory_space<vmem>>, vector<1x400x128xf32>,
    return
  }
  func.func @transform_0(%arg0: i32) -> (i32, i32, i32) {
    %c0_i32 = arith.constant 0 : i32
    %c0_i32_0 = arith.constant 0 : i32
    %c0_i32_1 = arith.constant 0 : i32
    return %c0_i32, %arg0, %c0_i32_0 : i32, i32, i32
  }
  func.func @transform_1(%arg0: i32) -> (i32, i32, i32) {
    %c0_i32 = arith.constant 0 : i32
    %c0_i32_0 = arith.constant 0 : i32
    %c0_i32_1 = arith.constant 0 : i32
    return %c0_i32, %arg0, %c0_i32_0 : i32, i32, i32
  }
  func.func @transform_2(%arg0: i32) -> (i32, i32, i32) {
    %c0_i32 = arith.constant 0 : i32
    %c0_i32_0 = arith.constant 0 : i32
    %c0_i32_1 = arith.constant 0 : i32
    %c0_i32_2 = arith.constant 0 : i32
    return %c0_i32, %c0_i32_0, %c0_i32_1 : i32, i32, i32
  }
  func.func @transform_3(%arg0: i32) -> (i32, i32, i32) {
    %c0_i32 = arith.constant 0 : i32
    %c0_i32_0 = arith.constant 0 : i32
    %c0_i32_1 = arith.constant 0 : i32
    %c0_i32_2 = arith.constant 0 : i32
    return %c0_i32, %c0_i32_0, %c0_i32_1 : i32, i32, i32
  }
  func.func @transform_4(%arg0: i32) -> (i32, i32, i32) {
    %c0_i32 = arith.constant 0 : i32
    %c0_i32_0 = arith.constant 0 : i32
    %c0_i32_1 = arith.constant 0 : i32
    return %c0_i32, %arg0, %c0_i32_0 : i32, i32, i32
  }
  func.func @transform_5(%arg0: i32) -> (i32, i32, i32) {
    %c0_i32 = arith.constant 0 : i32
    %c0_i32_0 = arith.constant 0 : i32
    %c0_i32_1 = arith.constant 0 : i32
    return %c0_i32, %arg0, %c0_i32_0 : i32, i32, i32
  }
}

module attributes {stable_mosaic.version = 14 : i64} {
  func.func @_t4_body(%arg0: i32, %arg1: memref<2x400x128xf32, #tpu.memory_space<vmem>>, %arg2: memref<2x400x128xf32, #tpu.memory_space<vmem>>, %arg3: memref<1x2x64xf32, #tpu.memory_space<vmem>>, %arg4: memref<2x400x16xf32, #tpu.memory_space<vmem>>, %arg5: memref<400x128xf32, #tpu.memory_space<vmem>>) attributes {dimension_semantics = [#tpu.dimension_semantics<arbitrary>], iteration_bounds = array<i64: 25>, scalar_prefetch = 0 : i64, scratch_operands = 0 : i64, tpu.core_type = #tpu.core_type<tc>, window_params = [{transform_indices = @transform_0, window_bounds = array<i64: 2, 400, 128>}, {transform_indices = @transform_1, window_bounds = array<i64: 2, 400, 128>}, {pipeline_mode = #tpu.pipeline_mode<synchronous>, transform_indices = @transform_2, window_bounds = array<i64: 1, 2, 64>}, {transform_indices = @transform_3, window_bounds = array<i64: 2, 400, 16>}, {transform_indices = @transform_4, window_bounds = array<i64: 400, 128>}]} {
    %get3A = arith.constant 0 : index
    %get3A_0 = arith.constant 0 : index
    %get3A_1 = arith.constant 0 : index
    %get3A_2 = vector.load %arg4[%get3A, %get3A_0, %get3A_1] : memref<2x400x16xf32, #tpu.memory_space<vmem>>, vector<2x400x16xf32>
    %slice3A = vector.extract_strided_slice %get3A_2 {offsets = [0, 0, 0], sizes = [1, 400, 1], strides = [1, 1, 1]} : vector<2x400x16xf32> to vector<1x400x1xf32>
    %squeeze3A = vector.shape_cast %slice3A : vector<1x400x1xf32> to vector<400x1xf32>
    %slice3A_3 = vector.extract_strided_slice %get3A_2 {offsets = [1, 0, 0], sizes = [1, 400, 1], strides = [1, 1, 1]} : vector<2x400x16xf32> to vector<1x400x1xf32>
    %squeeze3A_4 = vector.shape_cast %slice3A_3 : vector<1x400x1xf32> to vector<400x1xf32>
    %add3A = arith.addf %squeeze3A, %squeeze3A_4 : vector<400x1xf32>
    %add3A_5 = arith.constant 1.000000e+00 : f32
    %add3A_6 = vector.broadcast %add3A_5 : f32 to vector<400x1xf32>
    %add3A_7 = arith.addf %add3A, %add3A_6 : vector<400x1xf32>
    %rsqrt3A = math.rsqrt %add3A_7 : vector<400x1xf32>
    %get3A_8 = arith.constant 0 : index
    %get3A_9 = arith.constant 0 : index
    %get3A_10 = arith.constant 0 : index
    %get3A_11 = vector.load %arg1[%get3A_8, %get3A_9, %get3A_10] : memref<2x400x128xf32, #tpu.memory_space<vmem>>, vector<1x400x64xf32>
    %get3A_12 = vector.shape_cast %get3A_11 : vector<1x400x64xf32> to vector<400x64xf32>
    %get3A_13 = arith.constant 0 : index
    %get3A_14 = arith.constant 0 : index
    %get3A_15 = arith.constant 0 : index
    %get3A_16 = vector.load %arg2[%get3A_13, %get3A_14, %get3A_15] : memref<2x400x128xf32, #tpu.memory_space<vmem>>, vector<1x400x64xf32>
    %get3A_17 = vector.shape_cast %get3A_16 : vector<1x400x64xf32> to vector<400x64xf32>
    %add3A_18 = arith.addf %get3A_12, %get3A_17 : vector<400x64xf32>
    %mul3A = vector.broadcast %rsqrt3A : vector<400x1xf32> to vector<400x64xf32>
    %mul3A_19 = arith.mulf %mul3A, %add3A_18 : vector<400x64xf32>
    %get3A_20 = arith.constant 0 : index
    %get3A_21 = arith.constant 0 : index
    %get3A_22 = arith.constant 0 : index
    %get3A_23 = vector.load %arg3[%get3A_20, %get3A_21, %get3A_22] : memref<1x2x64xf32, #tpu.memory_space<vmem>>, vector<1x1x64xf32>
    %get3A_24 = vector.shape_cast %get3A_23 : vector<1x1x64xf32> to vector<64xf32>
    %broadcast_in_dim3A = vector.shape_cast %get3A_24 : vector<64xf32> to vector<1x64xf32>
    %add3A_25 = vector.broadcast %broadcast_in_dim3A : vector<1x64xf32> to vector<400x64xf32>
    %add3A_26 = arith.addf %mul3A_19, %add3A_25 : vector<400x64xf32>
    %swap3A = arith.constant 0 : index
    %swap3A_27 = arith.constant 0 : index
    %swap3A_28 = vector.load %arg5[%swap3A, %swap3A_27] : memref<400x128xf32, #tpu.memory_space<vmem>>, vector<400x64xf32>
    tpu.vector_store %arg5[%swap3A, %swap3A_27], %add3A_26 {strides = array<i32>} : memref<400x128xf32, #tpu.memory_space<vmem>>, vector<400x64xf32>,
    %get3A_29 = arith.constant 1 : index
    %get3A_30 = arith.constant 0 : index
    %get3A_31 = arith.constant 0 : index
    %get3A_32 = vector.load %arg1[%get3A_29, %get3A_30, %get3A_31] : memref<2x400x128xf32, #tpu.memory_space<vmem>>, vector<1x400x64xf32>
    %get3A_33 = vector.shape_cast %get3A_32 : vector<1x400x64xf32> to vector<400x64xf32>
    %get3A_34 = arith.constant 1 : index
    %get3A_35 = arith.constant 0 : index
    %get3A_36 = arith.constant 0 : index
    %get3A_37 = vector.load %arg2[%get3A_34, %get3A_35, %get3A_36] : memref<2x400x128xf32, #tpu.memory_space<vmem>>, vector<1x400x64xf32>
    %get3A_38 = vector.shape_cast %get3A_37 : vector<1x400x64xf32> to vector<400x64xf32>
    %add3A_39 = arith.addf %get3A_33, %get3A_38 : vector<400x64xf32>
    %mul3A_40 = vector.broadcast %rsqrt3A : vector<400x1xf32> to vector<400x64xf32>
    %mul3A_41 = arith.mulf %mul3A_40, %add3A_39 : vector<400x64xf32>
    %get3A_42 = arith.constant 0 : index
    %get3A_43 = arith.constant 1 : index
    %get3A_44 = arith.constant 0 : index
    %get3A_45 = vector.load %arg3[%get3A_42, %get3A_43, %get3A_44] : memref<1x2x64xf32, #tpu.memory_space<vmem>>, vector<1x1x64xf32>
    %get3A_46 = vector.shape_cast %get3A_45 : vector<1x1x64xf32> to vector<64xf32>
    %broadcast_in_dim3A_47 = vector.shape_cast %get3A_46 : vector<64xf32> to vector<1x64xf32>
    %add3A_48 = vector.broadcast %broadcast_in_dim3A_47 : vector<1x64xf32> to vector<400x64xf32>
    %add3A_49 = arith.addf %mul3A_41, %add3A_48 : vector<400x64xf32>
    %swap3A_50 = arith.constant 0 : index
    %swap3A_51 = arith.constant 64 : index
    %swap3A_52 = vector.load %arg5[%swap3A_50, %swap3A_51] : memref<400x128xf32, #tpu.memory_space<vmem>>, vector<400x64xf32>
    tpu.vector_store %arg5[%swap3A_50, %swap3A_51], %add3A_49 {strides = array<i32>} : memref<400x128xf32, #tpu.memory_space<vmem>>, vector<400x64xf32>,
    return
  }
  func.func @transform_0(%arg0: i32) -> (i32, i32, i32) {
    %c0_i32 = arith.constant 0 : i32
    %c0_i32_0 = arith.constant 0 : i32
    %c0_i32_1 = arith.constant 0 : i32
    return %c0_i32, %arg0, %c0_i32_0 : i32, i32, i32
  }
  func.func @transform_1(%arg0: i32) -> (i32, i32, i32) {
    %c0_i32 = arith.constant 0 : i32
    %c0_i32_0 = arith.constant 0 : i32
    %c0_i32_1 = arith.constant 0 : i32
    return %c0_i32, %arg0, %c0_i32_0 : i32, i32, i32
  }
  func.func @transform_2(%arg0: i32) -> (i32, i32, i32) {
    %c0_i32 = arith.constant 0 : i32
    %c0_i32_0 = arith.constant 0 : i32
    %c0_i32_1 = arith.constant 0 : i32
    %c0_i32_2 = arith.constant 0 : i32
    return %c0_i32, %c0_i32_0, %c0_i32_1 : i32, i32, i32
  }
  func.func @transform_3(%arg0: i32) -> (i32, i32, i32) {
    %c0_i32 = arith.constant 0 : i32
    %c0_i32_0 = arith.constant 0 : i32
    %c0_i32_1 = arith.constant 0 : i32
    return %c0_i32, %arg0, %c0_i32_0 : i32, i32, i32
  }
  func.func @transform_4(%arg0: i32) -> (i32, i32) {
    %c0_i32 = arith.constant 0 : i32
    %c0_i32_0 = arith.constant 0 : i32
    return %arg0, %c0_i32 : i32, i32
  }
}

</mosaic_0001>

<sc_bundles>
// kernel: closed_call.13.cloned.1.call-start
scs
__scs_entry_jumppad:
0x0: {  	(pc) =	sbr.rel $0x88, $3  }
0x1: {  	(tag) =	ssettag $0x0;
	lr =	simm.s32 $0x1  }
0x2: {  	[smem:$0x3F99] =	sst lr;
	_ =	strace $0xD0000000  }
0x3: {  	_ = 	snop  }
0x4: {  	_ = 	snop  }
0x5: {  	_ = 	snop  }
0x6: {  	_ = 	snop  }
0x7: {  	_ = 	snop  }
__scs_overlays_trampoline_lowered:
0x8: {  	[smem:$0x3FA8] =	sst s0  }
0x9: {  	[smem:$0x3FA9] =	sst s1  }
0xa: {  	[smem:$0x3FAA] =	sst s2  }
0xb: {  	[smem:$0x3FAB] =	sst s3  }
0xc: {  	[smem:$0x3FAC] =	sst s4  }
0xd: {  	[smem:$0x3FAD] =	sst s5  }
0xe: {  	[smem:$0x3FAE] =	sst s6  }
0xf: {  	[smem:$0x3FAF] =	sst s7  }
0x10: {  	[smem:$0x3FB0] =	sst s8  }
0x11: {  	[smem:$0x3FB1] =	sst s9;
	s0 =	simm.s32 @!p0 $0x0  }
0x12: {  	s1 =	sld [smem:$0x3F97];
	s0 =	simm.s32 @p0 $0x1  }
0x13: {  	[smem:$0x3FB2] =	sst s0;
	s0 =	simm.s32 @!p1 $0x0  }
0x14: {  	s2 =	sld [smem:$0x3F96];
	s0 =	simm.s32 @p1 $0x1  }
0x15: {  	[smem:$0x3FB3] =	sst s0;
	s0 =	simm.s32 @!p2 $0x0  }
0x16: {  	s3 =	sld [smem:$0x3FDB];
	s0 =	simm.s32 @p2 $0x1  }
0x17: {  	s4 =	simm.s32 $0x1BF5;
	[smem:$0x3FB5] =	sst s0  }
0x18: {  	s0 =	sld [smem:$0x3F98];
	_ =	swait.ge [sflag:s4], $0x0  }
0x19: {  	s7 =	sld [smem:$0x3F99]  }
0x1a: {  	s8 =	sadd.s32 $0xFFFFE003, lr  }
0x1b: {  	s9 =	sadd.s32 $0xFFFFFEF7, lr;
	s5 =	simm.s32 $0xFFFFFFFF;
	p2 =	slt.u32 s8, $0xFFFFF086  }
0x1c: {  	p1 =	slt.u32 s9, $0xF7A;
	s5 =	simm.s32 @!p2 $0x0  }
0x1d: {  	s5 =	simm.s32 @p1 $0x1;
	p0 =	seq.s32 s7, s2  }
0x1e: {  	s7 =	smul.u32 @!p0 $0xF7A, s2;
	p2 =	seq.s32 @!p0 s5, $0x0  }
0x1f: {  	s9 =	smul.u32 $0xF7A, s1;
	s8 =	simm.s32 @!p0 $0x1BF5;
	p2 =	por !p2, p0  }
0x20: {  	[sflag:s8] =	ssyncset.s32 @!p0 $0xFFFFF086;
	s6 =	sadd.s32 @!p0 s3, s7;
	s7 =	simm.s32 @!p0 $0x108  }
0x21: {  	s3 =	sadd.s32 s3, s9;
	s6 =	sadd.s32 @!p0 $0x88, s6;
	s7 =	simm.s32 @p2 $0x1082  }
0x22: {  	[simem:s7], [sflag:s8] =	dma.local @!p0 [hbm:s6], $0xF7A  }
0x23: {  	s9 =	sor.u32 $0xD0000000, s2;
	s6 =	simm.s32 $0x108;
	_ =	swait.ge @!p0 [sflag:s8], $0x0  }
0x24: {  	s3 =	sadd.s32 $0x88, s3;
	s6 =	simm.s32 @!p1 $0x1082;
	[sflag:s4] =	ssyncset.s32 $0xFFFFF086  }
0x25: {  	[simem:s6], [sflag:s4] =	dma.local [hbm:s3], $0xF7A  }
0x26: {  	[smem:$0x3F99] =	sst s1;
	(tag) =	ssettag s2;
	_ =	strace s9  }
0x27: {  	s1 =	sld [smem:$0x3FA9]  }
0x28: {  	s2 =	sld [smem:$0x3FAA]  }
0x29: {  	s4 =	sld [smem:$0x3FAC]  }
0x2a: {  	p0 =	seq.s32 s5, $0x0;
	s5 =	sld [smem:$0x3FAD]  }
0x2b: {  	s6 =	sld [smem:$0x3FAE]  }
0x2c: {  	s7 =	sld [smem:$0x3FAF]  }
0x2d: {  	s3 =	simm.s32 $0x108;
	s8 =	sld [smem:$0x3FB0]  }
0x2e: {  	s3 =	simm.s32 @!p0 $0x1082;
	s9 =	sld [smem:$0x3FB1]  }
0x2f: {  	lr =	sadd.s32 s0, s3;
	s0 =	sld [smem:$0x3FA8]  }
0x30: {  	s3 =	sld [smem:$0x3FAB]  }
0x31: {  	[smem:$0x3FB4] =	sst s10  }
0x32: {  	s10 =	sld [smem:$0x3FB2];
	_ =	sdelay $0x3  }
0x33: {  	p0 =	seq.s32 s10, $0x1;
	s10 =	sld [smem:$0x3FB4];
	_ =	sdelay $0x3  }
0x34: {  	[smem:$0x3FB4] =	sst s10  }
0x35: {  	s10 =	sld [smem:$0x3FB3];
	_ =	sdelay $0x3  }
0x36: {  	p1 =	seq.s32 s10, $0x1;
	s10 =	sld [smem:$0x3FB4];
	_ =	sdelay $0x3  }
0x37: {  	[smem:$0x3FB4] =	sst s10  }
0x38: {  	s10 =	sld [smem:$0x3FB5]  }
0x39: {  	_ = 	snop;
	(pc) =	sbr.ind lr, $3  }
0x3a: {  	_ = 	snop  }
0x3b: {  	_ = 	snop  }
0x3c: {  	p2 =	seq.s32 s10, $0x1;
	s10 =	sld [smem:$0x3FB4]  }
0x3d: {  	_ =	shalt  }
0x3e: {  	_ =	shalt  }
0x3f: {  	_ =	shalt  }
0x40: {  	_ =	shalt  }
0x41: {  	_ =	shalt  }
0x42: {  	_ =	shalt  }
0x43: {  	_ =	shalt  }
0x44: {  	_ =	shalt  }
0x45: {  	_ =	shalt  }
0x46: {  	_ =	shalt  }
0x47: {  	_ =	shalt  }
0x48: {  	_ =	shalt  }
0x49: {  	_ =	shalt  }
0x4a: {  	_ =	shalt  }
0x4b: {  	_ =	shalt  }
0x4c: {  	_ =	shalt  }
0x4d: {  	_ =	shalt  }
0x4e: {  	_ =	shalt  }
0x4f: {  	_ =	shalt  }
0x50: {  	_ =	shalt  }
0x51: {  	_ =	shalt  }
0x52: {  	_ =	shalt  }
0x53: {  	_ =	shalt  }
0x54: {  	_ =	shalt  }
0x55: {  	_ =	shalt  }
0x56: {  	_ =	shalt  }
0x57: {  	_ =	shalt  }
0x58: {  	_ =	shalt  }
0x59: {  	_ =	shalt  }
0x5a: {  	_ =	shalt  }
0x5b: {  	_ =	shalt  }
0x5c: {  	_ =	shalt  }
0x5d: {  	_ =	shalt  }
0x5e: {  	_ =	shalt  }
0x5f: {  	_ =	shalt  }
0x60: {  	_ =	shalt  }
0x61: {  	_ =	shalt  }
0x62: {  	_ =	shalt  }
0x63: {  	_ =	shalt  }
0x64: {  	_ =	shalt  }
0x65: {  	_ =	shalt  }
0x66: {  	_ =	shalt  }
0x67: {  	_ =	shalt  }
0x68: {  	_ =	shalt  }
0x69: {  	_ =	shalt  }
0x6a: {  	_ =	shalt  }
0x6b: {  	_ =	shalt  }
0x6c: {  	_ =	shalt  }
0x6d: {  	_ =	shalt  }
0x6e: {  	_ =	shalt  }
0x6f: {  	_ =	shalt  }
0x70: {  	_ =	shalt  }
0x71: {  	_ =	shalt  }
0x72: {  	_ =	shalt  }
0x73: {  	_ =	shalt  }
0x74: {  	_ =	shalt  }
0x75: {  	_ =	shalt  }
0x76: {  	_ =	shalt  }
0x77: {  	_ =	shalt  }
0x78: {  	_ =	shalt  }
0x79: {  	_ =	shalt  }
0x7a: {  	_ =	shalt  }
0x7b: {  	_ =	shalt  }
0x7c: {  	_ =	shalt  }
0x7d: {  	_ =	shalt  }
0x7e: {  	_ =	shalt  }
0x7f: {  	_ =	shalt  }
0x80: {  	_ =	shalt  }
0x81: {  	_ =	shalt  }
0x82: {  	_ =	shalt  }
0x83: {  	_ =	shalt  }
0x84: {  	_ =	shalt  }
0x85: {  	_ =	shalt  }
0x86: {  	_ =	shalt  }
0x87: {  	_ =	shalt  }
.Lfunc_end0:
.L_simem_size_0:
called_computation_lowered:
.L_overlay_start_0:
0x88: {  	s2 =	sld [smem:$0x3FD9]  }
0x89: {  	s3 =	sld [smem:$0x3FFE];
	_ =	sdelay $0x1  }
0x8a: {  	s1 =	srdreg.scid  }
0x8b: {  	s0 =	sand.u32 $0x1, s1  }
0x8c: {  	s17 =	sshll.u32 s0, $0xA;
	s2 =	sadd.s32 s3, s2  }
0x8d: {  	s2 =	sadd.s32 s2, s17  }
0x8e: {  	[smem:$0x3FC0] =	sst s2  }
0x8f: {  	_ = 	snop  }
0x90: {  	s2 =	sld [smem:$0x3FD0];
	(tm) =	ssettm $0x1  }
0x91: {  	s18 =	sld [smem:$0x3FFB];
	_ =	sdelay $0x3  }
0x92: {  	_ =	strace s18  }
0x93: {  	s3 =	sld [smem:$0x3FFC];
	_ =	sdelay $0x3  }
0x94: {  	_ =	strace s3  }
0x95: {  	s3 =	sld [smem:$0x3FFD];
	_ =	sdelay $0x3  }
0x96: {  	_ =	strace s3  }
0x97: {  	_ =	strace $0x8FFFFFFF  }
0x98: {  	s19 =	sld [smem:$0x3FDB];
	_ =	sdelay $0x1  }
0x99: {  	s4 =	simm.s32 $_scs_section_size  }
0x9a: {  	s5 =	simm.s32 $_size__tile_overlayer_lowered;
	s6 =	simm.s32 $_tile_overlayer_lowered  }
0x9b: {  	s22 =	simm.s32 $0x1BFF;
	s21 =	sshll.u32 s6, $0x1;
	s3 =	sadd.s32 s4, s19  }
0x9c: {  	s7 =	simm.s32 $0x0;
	s20 =	sshll.u32 s5, $0x1;
	s5 =	sadd.s32 s21, s3  }
0x9d: {  	[timem:s7], [sflag:s22] =	dma.local [hbm:s5], s20  }
0x9e: {  	_ =	swait.ge [sflag:s22], s20  }
0x9f: {  	s4 =	ssub.s32 $0x0, s20;
	[sflag:s22] =	ssyncset.done $0x0  }
0xa0: {  	[sflag:s22] =	ssyncadd.s32 s4;
	_ =	sdelay $0x1  }
0xa1: {  	s23 =	simm.s32 $0x1B8B  }
0xa2: {  	_ =	swait.ge [sflag:s23], $0x1  }
0xa3: {  	[sflag:s23] =	ssyncset.done $0x0  }
0xa4: {  	s25 =	simm.s32 $0x1B8E;
	s24 =	sld [smem:$0x3FFE];
	[sflag:s23] =	ssyncadd.s32 $0xFFFFFFFF  }
0xa5: {  	s26 =	simm.s32 $execute0_lowered;
	[smem:$0x3FD2] =	sst s25  }
0xa6: {  	s5 =	sshll.u32 s26, $0x1;
	_ =	strace $0x80000049;
	[dreg:$0x1] =	wrdreg $0xFFFFFFFF  }
0xa7: {  	s28 =	simm.s32 $_size_execute0_lowered;
	s3 =	sadd.s32 s3, s5;
	[dreg:$0x0] =	wrdreg $0x0  }
0xa8: {  	s5 =	sshll.u32 s28, $0x1;
	[dreg:$0x2] =	wrdreg s3  }
0xa9: {  	[dreg:$0x3] =	wrdreg s5  }
0xaa: {  	[dreg:$0x4] =	wrdreg $0xC0  }
0xab: {  	_ =	task [dreg:s7], $0x5FFFF  }
0xac: {  	[dreg:$0x1] =	wrdreg $0xFFFFFFFF  }
0xad: {  	[dreg:$0x0] =	wrdreg $0x60  }
0xae: {  	[dreg:$0x2] =	wrdreg s24  }
0xaf: {  	[dreg:$0x3] =	wrdreg s2  }
0xb0: {  	[dreg:$0x4] =	wrdreg $0x140000  }
0xb1: {  	[dreg:$0x5] =	wrdreg $0x9  }
0xb2: {  	_ =	task.clear_ibuf [dreg:s7], $0x6FFFF;
	_ =	strace $0x90000049  }
0xb3: {  	s29 =	simm.s32 $0x9;
	_ =	strace $0x8000004B  }
0xb4: {  	_ =	swait.ge [sflag:s29], $0x1  }
0xb5: {  	[sflag:s29] =	ssyncadd.s32 $0xFFFFFFFF  }
0xb6: {  	_ =	strace $0x9000004B  }
0xb7: {  	_ =	sfence  }
0xb8: {  	s30 =	sld [smem:$0x0];
	_ =	sdelay $0x2  }
0xb9: {  	s31 =	sshll.u32 s1, $0xD;
	s1 =	sshrl.u32 s1, $0x2  }
0xba: {  	s3 =	sand.u32 $0x4000, s31;
	s1 =	sadd.s32 s1, s30  }
0xbb: {  	s0 =	sor.u32 s3, s0;
	s1 =	sshll.u32 s1, $0x11  }
0xbc: {  	s0 =	sor.u32 s1, s0  }
0xbd: {  	s0 =	sadd.s32 $0x8F2B, s0  }
0xbe: {  	[sflag:s0] =	ssyncadd.remote.s32 $0x1  }
0xbf: {  	_ =	sfence.sel $0xFFFF  }
0xc0: {  	[dreg:$0x0] =	wrdreg $0xFFFFFFFF;
	(pc) =	sbr.abs _section_cstart, $3  }
0xc1: {  	[dreg:$0x1] =	wrdreg $0xFFFFFFFF  }
0xc2: {  	_ =	task.clear_ibuf [dreg:s7], $0x2FFFF;
	_ =	strace $0x9FFFFFFF  }
0xc3: {  	(tm) =	ssettm $0x7FFFFFFF  }
tec
execute0_lowered:
.L_overlay_start_1:
0x0: {  	(tag) =	ssettag $0x1  }
0x1: {  	s0 =	rddreg [dreg:$0x0]  }
0x2: {  	s1 =	rddreg [dreg:$0x1];
	s13 =	stileid.u32  }
0x3: {  	s2 =	rddreg [dreg:$0x2];
	s10 =	smul.u32 $0x5000, s13  }
0x4: {  	s3 =	simm.s32 $0x0;
	s5 =	srdreg.scid;
	s6 =	smul.u32 $0x29000, s13  }
0x5: {  	s31 =	simm.s32 $0x12000;
	[smem:$0x7FF] =	sst s3;
	s19 =	smul.u32 $0xA000, s13  }
0x6: {  	s4 =	sadd.s32 $0x119000, s0;
	s9 =	sand.u32 $0x1, s5;
	s13 =	smul.u32 $0x28000, s13  }
0x7: {  	_ =	strace $0x8000004A;
	s8 =	ssub.s32 $0x2, s9;
	s18 =	smul.u32 $0x140000, s9  }
0x8: {  	s7 =	sshrl.u32 s10, $0x3;
	s11 =	sshrl.u32 s6, $0x2;
	s14 =	sshrl.u32 s8, $0x1  }
0x9: {  	s13 =	sshrl.u32 s13, $0x2;
	s22 =	sadd.s32 $0x6000, s19;
	s12 =	sadd.s32 s7, s0  }
0xa: {  	s0 =	sadd.s32 $0x78C00, s0;
	s5 =	sadd.s32 s11, s2;
	s16 =	ssub.s32 s8, s14  }
0xb: {  	s11 =	smul.u32 $0x50000, s9;
	s17 =	sadd.s32 s19, s18;
	s13 =	sadd.s32 s13, s2  }
0xc: {  	s23 =	sadd.s32 s18, s22;
	s6 =	sadd.s32 $0x2000, s5;
	s7 =	sadd.s32 $0x4000, s5  }
0xd: {  	s8 =	sadd.s32 $0x6000, s5;
	s9 =	sadd.s32 $0x8000, s5;
	s15 =	sadd.s32 $0xC00, s12  }
0xe: {  	s24 =	sadd.s32 $0xAC00, s12;
	s26 =	smax.u32 s16, $0x1;
	s12 =	simm.s32 $0x7D  }
0xf: {  	s16 =	simm.s32 $0xA000;
	s11 =	sadd.s32 s10, s11;
	[dreg:$0x4] =	wrdreg s15  }
0x10: {  	s10 =	sadd.s32 $0xA000, s5;
	s15 =	sadd.s32 $0x2000, s19;
	[dreg:$0x9] =	wrdreg s24  }
0x11: {  	[dreg:$0xb] =	wrdreg s26;
	s11 =	sshrl.u32 s11, $0x3;
	s20 =	sadd.s32 s18, s15  }
0x12: {  	s15 =	sadd.s32 s15, s2;
	s11 =	sadd.s32 s1, s11;
	s1 =	sshrl.u32 s17, $0x3  }
0x13: {  	s14 =	sadd.s32 s0, s1;
	s1 =	sshrl.u32 s20, $0x3;
	s20 =	sadd.s32 $0x4000, s19  }
0x14: {  	s1 =	sadd.s32 s0, s1;
	s17 =	sadd.s32 s20, s2;
	s21 =	sadd.s32 s18, s20  }
0x15: {  	s25 =	sadd.s32 $0x14000, s14;
	s26 =	sadd.s32 $0x14400, s14;
	s28 =	sadd.s32 $0x14800, s14  }
0x16: {  	s29 =	sadd.s32 $0x14C00, s14;
	s30 =	sadd.s32 $0x15000, s14;
	s20 =	simm.s32 $0x1  }
0x17: {  	[dreg:$0x5] =	wrdreg s1;
	s1 =	sshrl.u32 s21, $0x3;
	s21 =	sadd.s32 $0x8000, s19  }
0x18: {  	s19 =	sadd.s32 s22, s2;
	[dreg:$0xa] =	wrdreg s25;
	s1 =	sadd.s32 s0, s1  }
0x19: {  	s18 =	sadd.s32 s18, s21;
	[dreg:$0x6] =	wrdreg s1;
	s1 =	sshrl.u32 s23, $0x3  }
0x1a: {  	s22 =	simm.s32 $0x2;
	s18 =	sshrl.u32 s18, $0x3;
	s1 =	sadd.s32 s0, s1  }
0x1b: {  	s21 =	sadd.s32 s21, s2;
	s0 =	sadd.s32 s0, s18;
	[dreg:$0x7] =	wrdreg s1  }
0x1c: {  	v0 =	vimm.f32 $0.0e+00;
	s18 =	simm.s32 $0xE000;
	[dreg:$0x8] =	wrdreg s0;
	s0 =	simm.s32 $0x3  }
.LBB2_1:
0x1d: {  	s23 =	simm.s32 $0x0;
	s24 =	simm.s32 $0x200  }
.LBB2_2:
0x1e: {  	p0 =	sne.s32 s24, $0x7E00;
	[tilespmem:s23+$0x12070] =	vst v0  }
0x1f: {  	[tilespmem:s23+$0x12000] =	vst v0  }
0x20: {  	[tilespmem:s23+$0x12010] =	vst v0  }
.Ltmp0:
0x21: {  	[tilespmem:s23+$0x12020] =	vst v0;
	(pc) =	sbr.rel @p0 .LBB2_2-.Ltmp0, $4  }
0x22: {  	[tilespmem:s23+$0x12030] =	vst v0  }
0x23: {  	[tilespmem:s23+$0x12040] =	vst v0  }
0x24: {  	[tilespmem:s23+$0x12050] =	vst v0  }
0x25: {  	[tilespmem:s23+$0x12060] =	vst v0;
	s23 =	sshra.s32 s24, $0x2;
	s24 =	sadd.s32 $0x200, s24  }
0x26: {  	[tilespmem:s23+$0x12070] =	vst v0  }
0x27: {  	[tilespmem:s23+$0x12000] =	vst v0  }
0x28: {  	[tilespmem:s23+$0x12010] =	vst v0  }
0x29: {  	[tilespmem:s23+$0x12020] =	vst v0  }
0x2a: {  	[tilespmem:s23+$0x12030] =	vst v0  }
0x2b: {  	[tilespmem:s23+$0x12040] =	vst v0  }
0x2c: {  	[tilespmem:s23+$0x12050] =	vst v0  }
0x2d: {  	[tilespmem:s23+$0x12060] =	vst v0  }
0x2e: {  	[spmem:s5] =	stream.linear.scatter [tilespmem:s31], [sflag:$0x3], $0x2000, $0x38;
	[tilespmem:$0x1E400] =	vst v63  }
0x2f: {  	_ =	swait.ge [sflag:s0], $0x2000  }
0x30: {  	[sflag:s0] =	ssyncset.done $0x0  }
0x31: {  	[sflag:s0] =	ssyncadd.s32 $0xFFFFE000  }
0x32: {  	[spmem:s6] =	stream.linear.scatter [tilespmem:s31], [sflag:$0x3], $0x2000, $0x38;
	[tilespmem:$0x1E400] =	vst v63  }
0x33: {  	_ =	swait.ge [sflag:s0], $0x2000  }
0x34: {  	[sflag:s0] =	ssyncset.done $0x0  }
0x35: {  	[sflag:s0] =	ssyncadd.s32 $0xFFFFE000  }
0x36: {  	[spmem:s7] =	stream.linear.scatter [tilespmem:s31], [sflag:$0x3], $0x2000, $0x38;
	[tilespmem:$0x1E400] =	vst v63  }
0x37: {  	_ =	swait.ge [sflag:s0], $0x2000  }
0x38: {  	[sflag:s0] =	ssyncset.done $0x0  }
0x39: {  	[sflag:s0] =	ssyncadd.s32 $0xFFFFE000  }
0x3a: {  	[spmem:s8] =	stream.linear.scatter [tilespmem:s31], [sflag:$0x3], $0x2000, $0x38;
	[tilespmem:$0x1E400] =	vst v63  }
0x3b: {  	_ =	swait.ge [sflag:s0], $0x2000  }
0x3c: {  	[sflag:s0] =	ssyncset.done $0x0  }
0x3d: {  	[sflag:s0] =	ssyncadd.s32 $0xFFFFE000  }
0x3e: {  	[spmem:s9] =	stream.linear.scatter [tilespmem:s31], [sflag:$0x3], $0x2000, $0x38;
	[tilespmem:$0x1E400] =	vst v63  }
0x3f: {  	_ =	swait.ge [sflag:s0], $0x2000  }
0x40: {  	[sflag:s0] =	ssyncset.done $0x0  }
0x41: {  	[sflag:s0] =	ssyncadd.s32 $0xFFFFE000  }
0x42: {  	[spmem:s10] =	stream.linear.scatter [tilespmem:s31], [sflag:$0x3], $0x400, $0x38;
	[tilespmem:$0x1E400] =	vst v63  }
0x43: {  	_ =	swait.ge [sflag:s0], $0x400  }
0x44: {  	[sflag:s0] =	ssyncset.done $0x0  }
0x45: {  	[sflag:s0] =	ssyncadd.s32 $0xFFFFFC00  }
0x46: {  	s25 =	simm.s32 $0x0;
	[bflag:$0x0] =	sbarrier.arrive $0xFFFF  }
0x47: {  	[tilespmem:s25], [sflag:$0x3] =	stream.linear.gather [hbm4b:s11+s25], $0x5000, $0x38;
	[tilespmem:$0x1E400] =	vst v63  }
0x48: {  	_ =	swait.ge [sflag:s0], $0x5000  }
0x49: {  	[sflag:s0] =	ssyncset.done $0x0  }
0x4a: {  	s24 =	simm.s32 $0x5000;
	s1 =	rddreg [dreg:$0x4];
	[sflag:s0] =	ssyncadd.s32 $0xFFFFB000  }
0x4b: {  	[tilespmem:s24], [sflag:$0x3] =	stream.linear.gather [hbm4b:s1+s25], $0x5000, $0x38;
	[tilespmem:$0x1E400] =	vst v63  }
0x4c: {  	_ =	swait.ge [sflag:s0], $0x5000  }
0x4d: {  	[sflag:s0] =	ssyncset.done $0x0  }
0x4e: {  	s25 =	simm.s32 $0x0;
	[sflag:s0] =	ssyncadd.s32 $0xFFFFB000  }
0x4f: {  	[tilespmem:s16], [sflag:$0x1] =	stream.indirect.gather [hbm4b:s4+s12], $0x80, s25, s12, $0xb8;
	[tilespmem:$0x1E400] =	vst v63  }
0x50: {  	s1 =	simm.s32 $0x80  }
0x51: {  	[tilespmem:s18], [sflag:$0x2] =	stream.indirect.gather [hbm4b:s4+s12], $0x80, s1, s12, $0xb8;
	[tilespmem:$0x1E400] =	vst v63  }
0x52: {  	_ =	swait.ge [sflag:s20], $0x3E80  }
0x53: {  	[sflag:s20] =	ssyncset.done $0x0  }
0x54: {  	s24 =	simm.s32 $0x5000;
	[sflag:s20] =	ssyncadd.s32 $0xFFFFC180  }
0x55: {  	[spmem:s2] =	stream.indirect.scatter.add.f32 [tilespmem:s16], [sflag:$0x3], $0x80, s24, s12, $0xb8;
	[tilespmem:$0x1E400] =	vst v63  }
0x56: {  	_ =	swait.ge [sflag:s0], $0x3E80  }
0x57: {  	[sflag:s0] =	ssyncset.done $0x0  }
0x58: {  	[sflag:s0] =	ssyncadd.s32 $0xFFFFC180  }
0x59: {  	_ =	swait.ge [sflag:s22], $0x3E80  }
0x5a: {  	[sflag:s22] =	ssyncset.done $0x0  }
0x5b: {  	s25 =	simm.s32 $0x5080;
	[sflag:s22] =	ssyncadd.s32 $0xFFFFC180  }
0x5c: {  	[spmem:s2] =	stream.indirect.scatter.add.f32 [tilespmem:s18], [sflag:$0x3], $0x80, s25, s12, $0xb8;
	[tilespmem:$0x1E400] =	vst v63  }
0x5d: {  	_ =	swait.ge [sflag:s0], $0x3E80  }
0x5e: {  	s23 =	simm.s32 $0x400;
	s24 =	simm.s32 $0x800;
	[sflag:s0] =	ssyncset.done $0x0  }
.LBB2_4:
0x5f: {  	s1 =	sshra.s32 s23, $0x2  }
0x60: {  	[sflag:s0] =	ssyncadd.s32 $0xFFFFC180;
	s23 =	smov.u32 s24;
	s25 =	sadd.s32 $0x400, s24  }
0x61: {  	[tilespmem:s16], [sflag:$0x1] =	stream.indirect.gather [hbm4b:s4+s12], $0x80, s1, s12, $0xb8;
	[tilespmem:$0x1E400] =	vst v63  }
0x62: {  	p0 =	sne.s32 s24, $0x13C00;
	s24 =	sadd.s32 $0x80, s1  }
0x63: {  	[tilespmem:s18], [sflag:$0x2] =	stream.indirect.gather [hbm4b:s4+s12], $0x80, s24, s12, $0xb8;
	[tilespmem:$0x1E400] =	vst v63  }
0x64: {  	_ =	swait.ge [sflag:s20], $0x3E80  }
0x65: {  	[sflag:s20] =	ssyncset.done $0x0  }
0x66: {  	s24 =	sadd.s32 $0x5000, s1;
	[sflag:s20] =	ssyncadd.s32 $0xFFFFC180  }
0x67: {  	[spmem:s2] =	stream.indirect.scatter.add.f32 [tilespmem:s16], [sflag:$0x3], $0x80, s24, s12, $0xb8;
	[tilespmem:$0x1E400] =	vst v63  }
0x68: {  	_ =	swait.ge [sflag:s0], $0x3E80  }
0x69: {  	[sflag:s0] =	ssyncset.done $0x0  }
0x6a: {  	[sflag:s0] =	ssyncadd.s32 $0xFFFFC180  }
0x6b: {  	_ =	swait.ge [sflag:s22], $0x3E80  }
.Ltmp1:
0x6c: {  	[sflag:s22] =	ssyncset.done $0x0;
	(pc) =	sbr.rel @p0 .LBB2_4-.Ltmp1, $4  }
0x6d: {  	s1 =	sadd.s32 $0x5080, s1;
	[sflag:s22] =	ssyncadd.s32 $0xFFFFC180  }
0x6e: {  	[spmem:s2] =	stream.indirect.scatter.add.f32 [tilespmem:s18], [sflag:$0x3], $0x80, s1, s12, $0xb8;
	[tilespmem:$0x1E400] =	vst v63  }
0x6f: {  	_ =	swait.ge [sflag:s0], $0x3E80  }
0x70: {  	s24 =	smov.u32 s25;
	[sflag:s0] =	ssyncset.done $0x0  }
0x71: {  	s1 =	sshra.s32 s23, $0x2;
	[sflag:s0] =	ssyncadd.s32 $0xFFFFC180  }
0x72: {  	[tilespmem:s16], [sflag:$0x1] =	stream.indirect.gather [hbm4b:s4+s12], $0x80, s1, s12, $0xb8;
	[tilespmem:$0x1E400] =	vst v63  }
0x73: {  	s23 =	sadd.s32 $0x80, s1  }
0x74: {  	[tilespmem:s18], [sflag:$0x2] =	stream.indirect.gather [hbm4b:s4+s12], $0x80, s23, s12, $0xb8;
	[tilespmem:$0x1E400] =	vst v63  }
0x75: {  	_ =	swait.ge [sflag:s20], $0x3E80  }
0x76: {  	[sflag:s20] =	ssyncset.done $0x0  }
0x77: {  	s25 =	sadd.s32 $0x5000, s1;
	[sflag:s20] =	ssyncadd.s32 $0xFFFFC180  }
0x78: {  	[spmem:s2] =	stream.indirect.scatter.add.f32 [tilespmem:s16], [sflag:$0x3], $0x80, s25, s12, $0xb8;
	[tilespmem:$0x1E400] =	vst v63  }
0x79: {  	_ =	swait.ge [sflag:s0], $0x3E80  }
0x7a: {  	[sflag:s0] =	ssyncset.done $0x0  }
0x7b: {  	[sflag:s0] =	ssyncadd.s32 $0xFFFFC180  }
0x7c: {  	_ =	swait.ge [sflag:s22], $0x3E80  }
0x7d: {  	[sflag:s22] =	ssyncset.done $0x0  }
0x7e: {  	s1 =	sadd.s32 $0x5080, s1;
	[sflag:s22] =	ssyncadd.s32 $0xFFFFC180  }
0x7f: {  	[spmem:s2] =	stream.indirect.scatter.add.f32 [tilespmem:s18], [sflag:$0x3], $0x80, s1, s12, $0xb8;
	[tilespmem:$0x1E400] =	vst v63  }
0x80: {  	_ =	swait.ge [sflag:s0], $0x3E80  }
0x81: {  	[sflag:s0] =	ssyncset.done $0x0  }
0x82: {  	[sflag:s0] =	ssyncadd.s32 $0xFFFFC180  }
0x83: {  	[bflag:$0x0] =	sbarrier.arrive $0xFFFF  }
0x84: {  	[tilespmem:s31], [sflag:$0x3] =	stream.linear.gather [spmem:s13], $0x2000, $0x38;
	[tilespmem:$0x1E400] =	vst v63  }
0x85: {  	_ =	swait.ge [sflag:s0], $0x2000  }
0x86: {  	[sflag:s0] =	ssyncset.done $0x0  }
0x87: {  	s1 =	simm.s32 $0x0;
	[sflag:s0] =	ssyncadd.s32 $0xFFFFE000  }
0x88: {  	[hbm4b:s14+s1] =	stream.linear.scatter [tilespmem:s31], [sflag:$0x3], $0x2000, $0x38;
	[tilespmem:$0x1E400] =	vst v63  }
0x89: {  	_ =	swait.ge [sflag:s0], $0x2000  }
0x8a: {  	[sflag:s0] =	ssyncset.done $0x0  }
0x8b: {  	[sflag:s0] =	ssyncadd.s32 $0xFFFFE000  }
0x8c: {  	[tilespmem:s31], [sflag:$0x3] =	stream.linear.gather [spmem:s15], $0x2000, $0x38;
	[tilespmem:$0x1E400] =	vst v63  }
0x8d: {  	_ =	swait.ge [sflag:s0], $0x2000  }
0x8e: {  	[sflag:s0] =	ssyncset.done $0x0  }
0x8f: {  	s24 =	rddreg [dreg:$0x5];
	[sflag:s0] =	ssyncadd.s32 $0xFFFFE000  }
0x90: {  	[hbm4b:s24+s1] =	stream.linear.scatter [tilespmem:s31], [sflag:$0x3], $0x2000, $0x38;
	[tilespmem:$0x1E400] =	vst v63  }
0x91: {  	_ =	swait.ge [sflag:s0], $0x2000  }
0x92: {  	[sflag:s0] =	ssyncset.done $0x0  }
0x93: {  	[sflag:s0] =	ssyncadd.s32 $0xFFFFE000  }
0x94: {  	[tilespmem:s31], [sflag:$0x3] =	stream.linear.gather [spmem:s17], $0x2000, $0x38;
	[tilespmem:$0x1E400] =	vst v63  }
0x95: {  	_ =	swait.ge [sflag:s0], $0x2000  }
0x96: {  	[sflag:s0] =	ssyncset.done $0x0  }
0x97: {  	s25 =	rddreg [dreg:$0x6];
	[sflag:s0] =	ssyncadd.s32 $0xFFFFE000  }
0x98: {  	[hbm4b:s25+s1] =	stream.linear.scatter [tilespmem:s31], [sflag:$0x3], $0x2000, $0x38;
	[tilespmem:$0x1E400] =	vst v63  }
0x99: {  	_ =	swait.ge [sflag:s0], $0x2000  }
0x9a: {  	[sflag:s0] =	ssyncset.done $0x0  }
0x9b: {  	[sflag:s0] =	ssyncadd.s32 $0xFFFFE000  }
0x9c: {  	[tilespmem:s31], [sflag:$0x3] =	stream.linear.gather [spmem:s19], $0x2000, $0x38;
	[tilespmem:$0x1E400] =	vst v63  }
0x9d: {  	_ =	swait.ge [sflag:s0], $0x2000  }
0x9e: {  	[sflag:s0] =	ssyncset.done $0x0  }
0x9f: {  	s24 =	rddreg [dreg:$0x7];
	[sflag:s0] =	ssyncadd.s32 $0xFFFFE000  }
0xa0: {  	[hbm4b:s24+s1] =	stream.linear.scatter [tilespmem:s31], [sflag:$0x3], $0x2000, $0x38;
	[tilespmem:$0x1E400] =	vst v63  }
0xa1: {  	_ =	swait.ge [sflag:s0], $0x2000  }
0xa2: {  	[sflag:s0] =	ssyncset.done $0x0  }
0xa3: {  	[sflag:s0] =	ssyncadd.s32 $0xFFFFE000  }
0xa4: {  	[tilespmem:s31], [sflag:$0x3] =	stream.linear.gather [spmem:s21], $0x2000, $0x38;
	[tilespmem:$0x1E400] =	vst v63  }
0xa5: {  	_ =	swait.ge [sflag:s0], $0x2000  }
0xa6: {  	[sflag:s0] =	ssyncset.done $0x0  }
0xa7: {  	s25 =	rddreg [dreg:$0x8];
	[sflag:s0] =	ssyncadd.s32 $0xFFFFE000  }
0xa8: {  	[hbm4b:s25+s1] =	stream.linear.scatter [tilespmem:s31], [sflag:$0x3], $0x2000, $0x38;
	[tilespmem:$0x1E400] =	vst v63  }
0xa9: {  	_ =	swait.ge [sflag:s0], $0x2000  }
0xaa: {  	[sflag:s0] =	ssyncset.done $0x0  }
0xab: {  	[sflag:s0] =	ssyncadd.s32 $0xFFFFE000  }
0xac: {  	s23 =	simm.s32 $0x0;
	s24 =	simm.s32 $0x200;
	[bflag:$0x0] =	sbarrier.arrive $0xFFFF  }
.LBB2_6:
0xad: {  	p0 =	sne.s32 s24, $0x7E00;
	[tilespmem:s23+$0x12070] =	vst v0  }
0xae: {  	[tilespmem:s23+$0x12000] =	vst v0  }
0xaf: {  	[tilespmem:s23+$0x12010] =	vst v0  }
.Ltmp2:
0xb0: {  	[tilespmem:s23+$0x12020] =	vst v0;
	(pc) =	sbr.rel @p0 .LBB2_6-.Ltmp2, $4  }
0xb1: {  	[tilespmem:s23+$0x12030] =	vst v0  }
0xb2: {  	[tilespmem:s23+$0x12040] =	vst v0  }
0xb3: {  	[tilespmem:s23+$0x12050] =	vst v0  }
0xb4: {  	[tilespmem:s23+$0x12060] =	vst v0;
	s23 =	sshra.s32 s24, $0x2;
	s24 =	sadd.s32 $0x200, s24  }
0xb5: {  	[tilespmem:s23+$0x12070] =	vst v0  }
0xb6: {  	[tilespmem:s23+$0x12000] =	vst v0  }
0xb7: {  	[tilespmem:s23+$0x12010] =	vst v0  }
0xb8: {  	[tilespmem:s23+$0x12020] =	vst v0  }
0xb9: {  	[tilespmem:s23+$0x12030] =	vst v0  }
0xba: {  	[tilespmem:s23+$0x12040] =	vst v0  }
0xbb: {  	[tilespmem:s23+$0x12050] =	vst v0  }
0xbc: {  	[tilespmem:s23+$0x12060] =	vst v0  }
0xbd: {  	[spmem:s5] =	stream.linear.scatter [tilespmem:s31], [sflag:$0x3], $0x2000, $0x38;
	[tilespmem:$0x1E400] =	vst v63  }
0xbe: {  	_ =	swait.ge [sflag:s0], $0x2000  }
0xbf: {  	[sflag:s0] =	ssyncset.done $0x0  }
0xc0: {  	[sflag:s0] =	ssyncadd.s32 $0xFFFFE000  }
0xc1: {  	[spmem:s6] =	stream.linear.scatter [tilespmem:s31], [sflag:$0x3], $0x2000, $0x38;
	[tilespmem:$0x1E400] =	vst v63  }
0xc2: {  	_ =	swait.ge [sflag:s0], $0x2000  }
0xc3: {  	[sflag:s0] =	ssyncset.done $0x0  }
0xc4: {  	[sflag:s0] =	ssyncadd.s32 $0xFFFFE000  }
0xc5: {  	[spmem:s7] =	stream.linear.scatter [tilespmem:s31], [sflag:$0x3], $0x2000, $0x38;
	[tilespmem:$0x1E400] =	vst v63  }
0xc6: {  	_ =	swait.ge [sflag:s0], $0x2000  }
0xc7: {  	[sflag:s0] =	ssyncset.done $0x0  }
0xc8: {  	[sflag:s0] =	ssyncadd.s32 $0xFFFFE000  }
0xc9: {  	[spmem:s8] =	stream.linear.scatter [tilespmem:s31], [sflag:$0x3], $0x2000, $0x38;
	[tilespmem:$0x1E400] =	vst v63  }
0xca: {  	_ =	swait.ge [sflag:s0], $0x2000  }
0xcb: {  	[sflag:s0] =	ssyncset.done $0x0  }
0xcc: {  	[sflag:s0] =	ssyncadd.s32 $0xFFFFE000  }
0xcd: {  	[spmem:s9] =	stream.linear.scatter [tilespmem:s31], [sflag:$0x3], $0x2000, $0x38;
	[tilespmem:$0x1E400] =	vst v63  }
0xce: {  	_ =	swait.ge [sflag:s0], $0x2000  }
0xcf: {  	[sflag:s0] =	ssyncset.done $0x0  }
0xd0: {  	[sflag:s0] =	ssyncadd.s32 $0xFFFFE000  }
0xd1: {  	[spmem:s10] =	stream.linear.scatter [tilespmem:s31], [sflag:$0x3], $0x400, $0x38;
	[tilespmem:$0x1E400] =	vst v63  }
0xd2: {  	_ =	swait.ge [sflag:s0], $0x400  }
0xd3: {  	[sflag:s0] =	ssyncset.done $0x0  }
0xd4: {  	[sflag:s0] =	ssyncadd.s32 $0xFFFFFC00  }
0xd5: {  	s1 =	simm.s32 $0x0;
	[bflag:$0x0] =	sbarrier.arrive $0xFFFF  }
0xd6: {  	[tilespmem:s1], [sflag:$0x3] =	stream.linear.gather [hbm4b:s11+s1], $0x5000, $0x38;
	[tilespmem:$0x1E400] =	vst v63  }
0xd7: {  	_ =	swait.ge [sflag:s0], $0x5000  }
0xd8: {  	[sflag:s0] =	ssyncset.done $0x0  }
0xd9: {  	s24 =	simm.s32 $0x5000;
	s25 =	rddreg [dreg:$0x9];
	[sflag:s0] =	ssyncadd.s32 $0xFFFFB000  }
0xda: {  	[tilespmem:s24], [sflag:$0x3] =	stream.linear.gather [hbm4b:s25+s1], $0x5000, $0x38;
	[tilespmem:$0x1E400] =	vst v63  }
0xdb: {  	_ =	swait.ge [sflag:s0], $0x5000  }
0xdc: {  	[sflag:s0] =	ssyncset.done $0x0  }
0xdd: {  	s25 =	simm.s32 $0x0;
	[sflag:s0] =	ssyncadd.s32 $0xFFFFB000  }
0xde: {  	[tilespmem:s16], [sflag:$0x1] =	stream.indirect.gather [hbm4b:s4+s12], $0x80, s25, s12, $0xb8;
	[tilespmem:$0x1E400] =	vst v63  }
0xdf: {  	s23 =	simm.s32 $0x80  }
0xe0: {  	[tilespmem:s18], [sflag:$0x2] =	stream.indirect.gather [hbm4b:s4+s12], $0x80, s23, s12, $0xb8;
	[tilespmem:$0x1E400] =	vst v63  }
0xe1: {  	_ =	swait.ge [sflag:s20], $0x3E80  }
0xe2: {  	[sflag:s20] =	ssyncset.done $0x0  }
0xe3: {  	s24 =	simm.s32 $0x5000;
	[sflag:s20] =	ssyncadd.s32 $0xFFFFC180  }
0xe4: {  	[spmem:s2] =	stream.indirect.scatter.add.f32 [tilespmem:s16], [sflag:$0x3], $0x80, s24, s12, $0xb8;
	[tilespmem:$0x1E400] =	vst v63  }
0xe5: {  	_ =	swait.ge [sflag:s0], $0x3E80  }
0xe6: {  	[sflag:s0] =	ssyncset.done $0x0  }
0xe7: {  	[sflag:s0] =	ssyncadd.s32 $0xFFFFC180  }
0xe8: {  	_ =	swait.ge [sflag:s22], $0x3E80  }
0xe9: {  	[sflag:s22] =	ssyncset.done $0x0  }
0xea: {  	s25 =	simm.s32 $0x5080;
	[sflag:s22] =	ssyncadd.s32 $0xFFFFC180  }
0xeb: {  	[spmem:s2] =	stream.indirect.scatter.add.f32 [tilespmem:s18], [sflag:$0x3], $0x80, s25, s12, $0xb8;
	[tilespmem:$0x1E400] =	vst v63  }
0xec: {  	_ =	swait.ge [sflag:s0], $0x3E80  }
0xed: {  	s23 =	simm.s32 $0x400;
	s24 =	simm.s32 $0x800;
	[sflag:s0] =	ssyncset.done $0x0  }
.LBB2_8:
0xee: {  	s1 =	sshra.s32 s23, $0x2  }
0xef: {  	[sflag:s0] =	ssyncadd.s32 $0xFFFFC180;
	s23 =	smov.u32 s24;
	s25 =	sadd.s32 $0x400, s24  }
0xf0: {  	[tilespmem:s16], [sflag:$0x1] =	stream.indirect.gather [hbm4b:s4+s12], $0x80, s1, s12, $0xb8;
	[tilespmem:$0x1E400] =	vst v63  }
0xf1: {  	p0 =	sne.s32 s24, $0x13C00;
	s24 =	sadd.s32 $0x80, s1  }
0xf2: {  	[tilespmem:s18], [sflag:$0x2] =	stream.indirect.gather [hbm4b:s4+s12], $0x80, s24, s12, $0xb8;
	[tilespmem:$0x1E400] =	vst v63  }
0xf3: {  	_ =	swait.ge [sflag:s20], $0x3E80  }
0xf4: {  	[sflag:s20] =	ssyncset.done $0x0  }
0xf5: {  	s24 =	sadd.s32 $0x5000, s1;
	[sflag:s20] =	ssyncadd.s32 $0xFFFFC180  }
0xf6: {  	[spmem:s2] =	stream.indirect.scatter.add.f32 [tilespmem:s16], [sflag:$0x3], $0x80, s24, s12, $0xb8;
	[tilespmem:$0x1E400] =	vst v63  }
0xf7: {  	_ =	swait.ge [sflag:s0], $0x3E80  }
0xf8: {  	[sflag:s0] =	ssyncset.done $0x0  }
0xf9: {  	[sflag:s0] =	ssyncadd.s32 $0xFFFFC180  }
0xfa: {  	_ =	swait.ge [sflag:s22], $0x3E80  }
.Ltmp3:
0xfb: {  	[sflag:s22] =	ssyncset.done $0x0;
	(pc) =	sbr.rel @p0 .LBB2_8-.Ltmp3, $4  }
0xfc: {  	s1 =	sadd.s32 $0x5080, s1;
	[sflag:s22] =	ssyncadd.s32 $0xFFFFC180  }
0xfd: {  	[spmem:s2] =	stream.indirect.scatter.add.f32 [tilespmem:s18], [sflag:$0x3], $0x80, s1, s12, $0xb8;
	[tilespmem:$0x1E400] =	vst v63  }
0xfe: {  	_ =	swait.ge [sflag:s0], $0x3E80  }
0xff: {  	s24 =	smov.u32 s25;
	[sflag:s0] =	ssyncset.done $0x0  }
0x100: {  	s1 =	sshra.s32 s23, $0x2;
	[sflag:s0] =	ssyncadd.s32 $0xFFFFC180  }
0x101: {  	[tilespmem:s16], [sflag:$0x1] =	stream.indirect.gather [hbm4b:s4+s12], $0x80, s1, s12, $0xb8;
	[tilespmem:$0x1E400] =	vst v63  }
0x102: {  	s23 =	sadd.s32 $0x80, s1  }
0x103: {  	[tilespmem:s18], [sflag:$0x2] =	stream.indirect.gather [hbm4b:s4+s12], $0x80, s23, s12, $0xb8;
	[tilespmem:$0x1E400] =	vst v63  }
0x104: {  	_ =	swait.ge [sflag:s20], $0x3E80  }
0x105: {  	[sflag:s20] =	ssyncset.done $0x0  }
0x106: {  	s25 =	sadd.s32 $0x5000, s1;
	[sflag:s20] =	ssyncadd.s32 $0xFFFFC180  }
0x107: {  	[spmem:s2] =	stream.indirect.scatter.add.f32 [tilespmem:s16], [sflag:$0x3], $0x80, s25, s12, $0xb8;
	[tilespmem:$0x1E400] =	vst v63  }
0x108: {  	_ =	swait.ge [sflag:s0], $0x3E80  }
0x109: {  	[sflag:s0] =	ssyncset.done $0x0  }
0x10a: {  	[sflag:s0] =	ssyncadd.s32 $0xFFFFC180  }
0x10b: {  	_ =	swait.ge [sflag:s22], $0x3E80  }
0x10c: {  	[sflag:s22] =	ssyncset.done $0x0  }
0x10d: {  	s1 =	sadd.s32 $0x5080, s1;
	[sflag:s22] =	ssyncadd.s32 $0xFFFFC180  }
0x10e: {  	[spmem:s2] =	stream.indirect.scatter.add.f32 [tilespmem:s18], [sflag:$0x3], $0x80, s1, s12, $0xb8;
	[tilespmem:$0x1E400] =	vst v63  }
0x10f: {  	_ =	swait.ge [sflag:s0], $0x3E80  }
0x110: {  	[sflag:s0] =	ssyncset.done $0x0  }
0x111: {  	[sflag:s0] =	ssyncadd.s32 $0xFFFFC180  }
0x112: {  	[bflag:$0x0] =	sbarrier.arrive $0xFFFF  }
0x113: {  	[tilespmem:s31], [sflag:$0x3] =	stream.linear.gather [spmem:s13], $0x2000, $0x38;
	[tilespmem:$0x1E400] =	vst v63  }
0x114: {  	_ =	swait.ge [sflag:s0], $0x2000  }
0x115: {  	[sflag:s0] =	ssyncset.done $0x0  }
0x116: {  	s24 =	simm.s32 $0x0;
	s25 =	rddreg [dreg:$0xa];
	[sflag:s0] =	ssyncadd.s32 $0xFFFFE000  }
0x117: {  	[hbm4b:s25+s24] =	stream.linear.scatter [tilespmem:s31], [sflag:$0x3], $0x2000, $0x38;
	[tilespmem:$0x1E400] =	vst v63  }
0x118: {  	_ =	swait.ge [sflag:s0], $0x2000  }
0x119: {  	[sflag:s0] =	ssyncset.done $0x0  }
0x11a: {  	[sflag:s0] =	ssyncadd.s32 $0xFFFFE000  }
0x11b: {  	[tilespmem:s31], [sflag:$0x3] =	stream.linear.gather [spmem:s15], $0x2000, $0x38;
	[tilespmem:$0x1E400] =	vst v63  }
0x11c: {  	_ =	swait.ge [sflag:s0], $0x2000  }
0x11d: {  	[sflag:s0] =	ssyncset.done $0x0  }
0x11e: {  	[sflag:s0] =	ssyncadd.s32 $0xFFFFE000  }
0x11f: {  	[hbm4b:s26+s24] =	stream.linear.scatter [tilespmem:s31], [sflag:$0x3], $0x2000, $0x38;
	[tilespmem:$0x1E400] =	vst v63  }
0x120: {  	_ =	swait.ge [sflag:s0], $0x2000  }
0x121: {  	[sflag:s0] =	ssyncset.done $0x0  }
0x122: {  	[sflag:s0] =	ssyncadd.s32 $0xFFFFE000  }
0x123: {  	[tilespmem:s31], [sflag:$0x3] =	stream.linear.gather [spmem:s17], $0x2000, $0x38;
	[tilespmem:$0x1E400] =	vst v63  }
0x124: {  	_ =	swait.ge [sflag:s0], $0x2000  }
0x125: {  	[sflag:s0] =	ssyncset.done $0x0  }
0x126: {  	[sflag:s0] =	ssyncadd.s32 $0xFFFFE000  }
0x127: {  	[hbm4b:s28+s24] =	stream.linear.scatter [tilespmem:s31], [sflag:$0x3], $0x2000, $0x38;
	[tilespmem:$0x1E400] =	vst v63  }
0x128: {  	_ =	swait.ge [sflag:s0], $0x2000  }
0x129: {  	[sflag:s0] =	ssyncset.done $0x0  }
0x12a: {  	[sflag:s0] =	ssyncadd.s32 $0xFFFFE000  }
0x12b: {  	[tilespmem:s31], [sflag:$0x3] =	stream.linear.gather [spmem:s19], $0x2000, $0x38;
	[tilespmem:$0x1E400] =	vst v63  }
0x12c: {  	_ =	swait.ge [sflag:s0], $0x2000  }
0x12d: {  	[sflag:s0] =	ssyncset.done $0x0  }
0x12e: {  	[sflag:s0] =	ssyncadd.s32 $0xFFFFE000  }
0x12f: {  	[hbm4b:s29+s24] =	stream.linear.scatter [tilespmem:s31], [sflag:$0x3], $0x2000, $0x38;
	[tilespmem:$0x1E400] =	vst v63  }
0x130: {  	_ =	swait.ge [sflag:s0], $0x2000  }
0x131: {  	[sflag:s0] =	ssyncset.done $0x0  }
0x132: {  	[sflag:s0] =	ssyncadd.s32 $0xFFFFE000  }
0x133: {  	[tilespmem:s31], [sflag:$0x3] =	stream.linear.gather [spmem:s21], $0x2000, $0x38;
	[tilespmem:$0x1E400] =	vst v63  }
0x134: {  	_ =	swait.ge [sflag:s0], $0x2000  }
0x135: {  	[sflag:s0] =	ssyncset.done $0x0  }
0x136: {  	[sflag:s0] =	ssyncadd.s32 $0xFFFFE000  }
0x137: {  	[hbm4b:s30+s24] =	stream.linear.scatter [tilespmem:s31], [sflag:$0x3], $0x2000, $0x38;
	[tilespmem:$0x1E400] =	vst v63  }
0x138: {  	_ =	swait.ge [sflag:s0], $0x2000  }
0x139: {  	[sflag:s0] =	ssyncset.done $0x0  }
0x13a: {  	[sflag:s0] =	ssyncadd.s32 $0xFFFFE000  }
0x13b: {  	s23 =	simm.s32 $0x0;
	s24 =	simm.s32 $0x200;
	[bflag:$0x0] =	sbarrier.arrive $0xFFFF  }
.LBB2_10:
0x13c: {  	p0 =	sne.s32 s24, $0x7E00;
	[tilespmem:s23+$0x12070] =	vst v0  }
0x13d: {  	[tilespmem:s23+$0x12000] =	vst v0  }
0x13e: {  	[tilespmem:s23+$0x12010] =	vst v0  }
.Ltmp4:
0x13f: {  	[tilespmem:s23+$0x12020] =	vst v0;
	(pc) =	sbr.rel @p0 .LBB2_10-.Ltmp4, $4  }
0x140: {  	[tilespmem:s23+$0x12030] =	vst v0  }
0x141: {  	[tilespmem:s23+$0x12040] =	vst v0  }
0x142: {  	[tilespmem:s23+$0x12050] =	vst v0  }
0x143: {  	[tilespmem:s23+$0x12060] =	vst v0;
	s23 =	sshra.s32 s24, $0x2;
	s24 =	sadd.s32 $0x200, s24  }
0x144: {  	[tilespmem:s23+$0x12070] =	vst v0  }
0x145: {  	[tilespmem:s23+$0x12000] =	vst v0;
	s3 =	sadd.s32 $0x1, s3;
	s1 =	rddreg [dreg:$0xb]  }
0x146: {  	[tilespmem:s23+$0x12010] =	vst v0;
	p0 =	sne.s32 s3, s1  }
.Ltmp5:
0x147: {  	[tilespmem:s23+$0x12020] =	vst v0;
	(pc) =	sbr.rel @p0 .LBB2_1-.Ltmp5, $4  }
0x148: {  	[tilespmem:s23+$0x12030] =	vst v0  }
0x149: {  	[tilespmem:s23+$0x12040] =	vst v0  }
0x14a: {  	[tilespmem:s23+$0x12050] =	vst v0  }
0x14b: {  	[tilespmem:s23+$0x12060] =	vst v0  }
0x14c: {  	_ =	sfence.sel $0x180000  }
0x14d: {  	[bflag:$0x0] =	sbarrier.arrive $0xFFFF  }
0x14e: {  	_ =	strace $0x9000004A  }
0x14f: {  	s0 =	stileid.u32;
	[bflag:$0x2] =	sbarrier.arrive $0xFFFF  }
0x150: {  	p0 =	sne.s32 s0, $0x0;
	s0 =	rddreg [dreg:$0x3]  }
0x151: {  	s0 =	sadd.s32 @!p0 $0x100000, s0  }
0x152: {  	[sflag:s0] =	ssyncadd.tile.s32 @!p0 $0x1;
	_ =	shalt  }
.Lfunc_end2:
_tile_overlayer_lowered:
.L_overlay_start_2:
0x153: {  	(tag) =	ssettag $0x2  }
0x154: {  	s0 =	rddreg [dreg:$0x0];
	s2 =	stileid.u32  }
0x155: {  	s1 =	rddreg [dreg:$0x1];
	p0 =	sne.s32 s2, $0x0  }
0x156: {  	s3 =	rddreg [dreg:$0x2];
	[bflag:$0x3] =	sbarrier.arrive $0xFFFF;
	s2 =	simm.s32 @!p0 $0x1C03  }
0x157: {  	[timem:s3], [sflag:s2] =	dma.local @!p0 [hbm:s0], s1  }
0x158: {  	s0 =	simm.s32 @!p0 $0x3  }
0x159: {  	_ =	swait.ge @!p0 [sflag:s0], s1  }
0x15a: {  	s1 =	ssub.s32 @!p0 $0x0, s1;
	[sflag:s0] =	ssyncset.done @!p0 $0x0  }
0x15b: {  	[sflag:s0] =	ssyncadd.s32 @!p0 s1  }
0x15c: {  	[bflag:$0x3] =	sbarrier.arrive $0xFFFF  }
0x15d: {  	_ =	shalt  }

// kernel: kernel.5.cloned.1.call-start
scs
__scs_entry_jumppad:
0x0: {  	(pc) =	sbr.rel $0x88, $3  }
0x1: {  	(tag) =	ssettag $0x0;
	lr =	simm.s32 $0x1  }
0x2: {  	[smem:$0x3F99] =	sst lr;
	_ =	strace $0xD0000000  }
0x3: {  	_ = 	snop  }
0x4: {  	_ = 	snop  }
0x5: {  	_ = 	snop  }
0x6: {  	_ = 	snop  }
0x7: {  	_ = 	snop  }
__scs_overlays_trampoline_lowered:
0x8: {  	[smem:$0x3FA8] =	sst s0  }
0x9: {  	[smem:$0x3FA9] =	sst s1  }
0xa: {  	[smem:$0x3FAA] =	sst s2  }
0xb: {  	[smem:$0x3FAB] =	sst s3  }
0xc: {  	[smem:$0x3FAC] =	sst s4  }
0xd: {  	[smem:$0x3FAD] =	sst s5  }
0xe: {  	[smem:$0x3FAE] =	sst s6  }
0xf: {  	[smem:$0x3FAF] =	sst s7  }
0x10: {  	[smem:$0x3FB0] =	sst s8  }
0x11: {  	[smem:$0x3FB1] =	sst s9;
	s0 =	simm.s32 @!p0 $0x0  }
0x12: {  	s1 =	sld [smem:$0x3F97];
	s0 =	simm.s32 @p0 $0x1  }
0x13: {  	[smem:$0x3FB2] =	sst s0;
	s0 =	simm.s32 @!p1 $0x0  }
0x14: {  	s2 =	sld [smem:$0x3F96];
	s0 =	simm.s32 @p1 $0x1  }
0x15: {  	[smem:$0x3FB3] =	sst s0;
	s0 =	simm.s32 @!p2 $0x0  }
0x16: {  	s3 =	sld [smem:$0x3FDB];
	s0 =	simm.s32 @p2 $0x1  }
0x17: {  	s4 =	simm.s32 $0x1BF5;
	[smem:$0x3FB5] =	sst s0  }
0x18: {  	s0 =	sld [smem:$0x3F98];
	_ =	swait.ge [sflag:s4], $0x0  }
0x19: {  	s7 =	sld [smem:$0x3F99]  }
0x1a: {  	s8 =	sadd.s32 $0xFFFFE003, lr  }
0x1b: {  	s9 =	sadd.s32 $0xFFFFFEF7, lr;
	s5 =	simm.s32 $0xFFFFFFFF;
	p2 =	slt.u32 s8, $0xFFFFF086  }
0x1c: {  	p1 =	slt.u32 s9, $0xF7A;
	s5 =	simm.s32 @!p2 $0x0  }
0x1d: {  	s5 =	simm.s32 @p1 $0x1;
	p0 =	seq.s32 s7, s2  }
0x1e: {  	s7 =	smul.u32 @!p0 $0xF7A, s2;
	p2 =	seq.s32 @!p0 s5, $0x0  }
0x1f: {  	s9 =	smul.u32 $0xF7A, s1;
	s8 =	simm.s32 @!p0 $0x1BF5;
	p2 =	por !p2, p0  }
0x20: {  	[sflag:s8] =	ssyncset.s32 @!p0 $0xFFFFF086;
	s6 =	sadd.s32 @!p0 s3, s7;
	s7 =	simm.s32 @!p0 $0x108  }
0x21: {  	s3 =	sadd.s32 s3, s9;
	s6 =	sadd.s32 @!p0 $0x88, s6;
	s7 =	simm.s32 @p2 $0x1082  }
0x22: {  	[simem:s7], [sflag:s8] =	dma.local @!p0 [hbm:s6], $0xF7A  }
0x23: {  	s9 =	sor.u32 $0xD0000000, s2;
	s6 =	simm.s32 $0x108;
	_ =	swait.ge @!p0 [sflag:s8], $0x0  }
0x24: {  	s3 =	sadd.s32 $0x88, s3;
	s6 =	simm.s32 @!p1 $0x1082;
	[sflag:s4] =	ssyncset.s32 $0xFFFFF086  }
0x25: {  	[simem:s6], [sflag:s4] =	dma.local [hbm:s3], $0xF7A  }
0x26: {  	[smem:$0x3F99] =	sst s1;
	(tag) =	ssettag s2;
	_ =	strace s9  }
0x27: {  	s1 =	sld [smem:$0x3FA9]  }
0x28: {  	s2 =	sld [smem:$0x3FAA]  }
0x29: {  	s4 =	sld [smem:$0x3FAC]  }
0x2a: {  	p0 =	seq.s32 s5, $0x0;
	s5 =	sld [smem:$0x3FAD]  }
0x2b: {  	s6 =	sld [smem:$0x3FAE]  }
0x2c: {  	s7 =	sld [smem:$0x3FAF]  }
0x2d: {  	s3 =	simm.s32 $0x108;
	s8 =	sld [smem:$0x3FB0]  }
0x2e: {  	s3 =	simm.s32 @!p0 $0x1082;
	s9 =	sld [smem:$0x3FB1]  }
0x2f: {  	lr =	sadd.s32 s0, s3;
	s0 =	sld [smem:$0x3FA8]  }
0x30: {  	s3 =	sld [smem:$0x3FAB]  }
0x31: {  	[smem:$0x3FB4] =	sst s10  }
0x32: {  	s10 =	sld [smem:$0x3FB2];
	_ =	sdelay $0x3  }
0x33: {  	p0 =	seq.s32 s10, $0x1;
	s10 =	sld [smem:$0x3FB4];
	_ =	sdelay $0x3  }
0x34: {  	[smem:$0x3FB4] =	sst s10  }
0x35: {  	s10 =	sld [smem:$0x3FB3];
	_ =	sdelay $0x3  }
0x36: {  	p1 =	seq.s32 s10, $0x1;
	s10 =	sld [smem:$0x3FB4];
	_ =	sdelay $0x3  }
0x37: {  	[smem:$0x3FB4] =	sst s10  }
0x38: {  	s10 =	sld [smem:$0x3FB5]  }
0x39: {  	_ = 	snop;
	(pc) =	sbr.ind lr, $3  }
0x3a: {  	_ = 	snop  }
0x3b: {  	_ = 	snop  }
0x3c: {  	p2 =	seq.s32 s10, $0x1;
	s10 =	sld [smem:$0x3FB4]  }
0x3d: {  	_ =	shalt  }
0x3e: {  	_ =	shalt  }
0x3f: {  	_ =	shalt  }
0x40: {  	_ =	shalt  }
0x41: {  	_ =	shalt  }
0x42: {  	_ =	shalt  }
0x43: {  	_ =	shalt  }
0x44: {  	_ =	shalt  }
0x45: {  	_ =	shalt  }
0x46: {  	_ =	shalt  }
0x47: {  	_ =	shalt  }
0x48: {  	_ =	shalt  }
0x49: {  	_ =	shalt  }
0x4a: {  	_ =	shalt  }
0x4b: {  	_ =	shalt  }
0x4c: {  	_ =	shalt  }
0x4d: {  	_ =	shalt  }
0x4e: {  	_ =	shalt  }
0x4f: {  	_ =	shalt  }
0x50: {  	_ =	shalt  }
0x51: {  	_ =	shalt  }
0x52: {  	_ =	shalt  }
0x53: {  	_ =	shalt  }
0x54: {  	_ =	shalt  }
0x55: {  	_ =	shalt  }
0x56: {  	_ =	shalt  }
0x57: {  	_ =	shalt  }
0x58: {  	_ =	shalt  }
0x59: {  	_ =	shalt  }
0x5a: {  	_ =	shalt  }
0x5b: {  	_ =	shalt  }
0x5c: {  	_ =	shalt  }
0x5d: {  	_ =	shalt  }
0x5e: {  	_ =	shalt  }
0x5f: {  	_ =	shalt  }
0x60: {  	_ =	shalt  }
0x61: {  	_ =	shalt  }
0x62: {  	_ =	shalt  }
0x63: {  	_ =	shalt  }
0x64: {  	_ =	shalt  }
0x65: {  	_ =	shalt  }
0x66: {  	_ =	shalt  }
0x67: {  	_ =	shalt  }
0x68: {  	_ =	shalt  }
0x69: {  	_ =	shalt  }
0x6a: {  	_ =	shalt  }
0x6b: {  	_ =	shalt  }
0x6c: {  	_ =	shalt  }
0x6d: {  	_ =	shalt  }
0x6e: {  	_ =	shalt  }
0x6f: {  	_ =	shalt  }
0x70: {  	_ =	shalt  }
0x71: {  	_ =	shalt  }
0x72: {  	_ =	shalt  }
0x73: {  	_ =	shalt  }
0x74: {  	_ =	shalt  }
0x75: {  	_ =	shalt  }
0x76: {  	_ =	shalt  }
0x77: {  	_ =	shalt  }
0x78: {  	_ =	shalt  }
0x79: {  	_ =	shalt  }
0x7a: {  	_ =	shalt  }
0x7b: {  	_ =	shalt  }
0x7c: {  	_ =	shalt  }
0x7d: {  	_ =	shalt  }
0x7e: {  	_ =	shalt  }
0x7f: {  	_ =	shalt  }
0x80: {  	_ =	shalt  }
0x81: {  	_ =	shalt  }
0x82: {  	_ =	shalt  }
0x83: {  	_ =	shalt  }
0x84: {  	_ =	shalt  }
0x85: {  	_ =	shalt  }
0x86: {  	_ =	shalt  }
0x87: {  	_ =	shalt  }
.Lfunc_end0:
.L_simem_size_0:
called_computation.1_lowered:
.L_overlay_start_0:
0x88: {  	s2 =	sld [smem:$0x3FD9]  }
0x89: {  	s3 =	sld [smem:$0x3FFE];
	_ =	sdelay $0x1  }
0x8a: {  	s1 =	srdreg.scid  }
0x8b: {  	s0 =	sand.u32 $0x1, s1  }
0x8c: {  	s16 =	sshll.u32 s0, $0xA;
	s2 =	sadd.s32 s3, s2  }
0x8d: {  	s2 =	sadd.s32 s2, s16  }
0x8e: {  	[smem:$0x3FC0] =	sst s2  }
0x8f: {  	_ = 	snop  }
0x90: {  	(tm) =	ssettm $0x1  }
0x91: {  	s17 =	sld [smem:$0x3FFB];
	_ =	sdelay $0x3  }
0x92: {  	_ =	strace s17  }
0x93: {  	s2 =	sld [smem:$0x3FFC];
	_ =	sdelay $0x3  }
0x94: {  	_ =	strace s2  }
0x95: {  	s2 =	sld [smem:$0x3FFD];
	_ =	sdelay $0x3  }
0x96: {  	_ =	strace s2  }
0x97: {  	_ =	strace $0x8FFFFFFF  }
0x98: {  	s18 =	sld [smem:$0x3FDB];
	_ =	sdelay $0x1  }
0x99: {  	s19 =	simm.s32 $_scs_section_size  }
0x9a: {  	s4 =	simm.s32 $_size__tile_overlayer_lowered;
	s5 =	simm.s32 $_tile_overlayer_lowered  }
0x9b: {  	s22 =	simm.s32 $0x1BFF;
	s21 =	sshll.u32 s5, $0x1;
	s2 =	sadd.s32 s19, s18  }
0x9c: {  	s6 =	simm.s32 $0x0;
	s20 =	sshll.u32 s4, $0x1;
	s4 =	sadd.s32 s21, s2  }
0x9d: {  	[timem:s6], [sflag:s22] =	dma.local [hbm:s4], s20  }
0x9e: {  	_ =	swait.ge [sflag:s22], s20  }
0x9f: {  	s3 =	ssub.s32 $0x0, s20;
	[sflag:s22] =	ssyncset.done $0x0  }
0xa0: {  	[sflag:s22] =	ssyncadd.s32 s3;
	_ =	sdelay $0x1  }
0xa1: {  	s23 =	simm.s32 $0x1B8B  }
0xa2: {  	_ =	swait.ge [sflag:s23], $0x1  }
0xa3: {  	[sflag:s23] =	ssyncset.done $0x0  }
0xa4: {  	s25 =	simm.s32 $0x1B8E;
	s24 =	sld [smem:$0x3FFE];
	[sflag:s23] =	ssyncadd.s32 $0xFFFFFFFF  }
0xa5: {  	s26 =	simm.s32 $execute0_lowered;
	[smem:$0x3FD2] =	sst s25  }
0xa6: {  	s4 =	sshll.u32 s26, $0x1;
	_ =	strace $0x80000046;
	[dreg:$0x1] =	wrdreg $0xFFFFFFFF  }
0xa7: {  	s28 =	simm.s32 $_size_execute0_lowered;
	s2 =	sadd.s32 s2, s4;
	[dreg:$0x0] =	wrdreg $0x0  }
0xa8: {  	s4 =	sshll.u32 s28, $0x1;
	[dreg:$0x2] =	wrdreg s2  }
0xa9: {  	[dreg:$0x3] =	wrdreg s4  }
0xaa: {  	[dreg:$0x4] =	wrdreg $0xC0  }
0xab: {  	_ =	task [dreg:s6], $0x5FFFF  }
0xac: {  	[dreg:$0x1] =	wrdreg $0xFFFFFFFF  }
0xad: {  	[dreg:$0x0] =	wrdreg $0x60  }
0xae: {  	[dreg:$0x2] =	wrdreg s24  }
0xaf: {  	[dreg:$0x3] =	wrdreg $0xA8000  }
0xb0: {  	[dreg:$0x4] =	wrdreg $0x9  }
0xb1: {  	_ =	task.clear_ibuf [dreg:s6], $0x5FFFF;
	_ =	strace $0x90000046  }
0xb2: {  	s29 =	simm.s32 $0x9;
	_ =	strace $0x80000048  }
0xb3: {  	_ =	swait.ge [sflag:s29], $0x1  }
0xb4: {  	[sflag:s29] =	ssyncadd.s32 $0xFFFFFFFF  }
0xb5: {  	_ =	strace $0x90000048  }
0xb6: {  	_ =	sfence  }
0xb7: {  	s30 =	sld [smem:$0x0];
	_ =	sdelay $0x2  }
0xb8: {  	s31 =	sshll.u32 s1, $0xD;
	s1 =	sshrl.u32 s1, $0x2  }
0xb9: {  	s3 =	sand.u32 $0x4000, s31;
	s1 =	sadd.s32 s1, s30  }
0xba: {  	s0 =	sor.u32 s3, s0;
	s1 =	sshll.u32 s1, $0x11  }
0xbb: {  	s0 =	sor.u32 s1, s0  }
0xbc: {  	s0 =	sadd.s32 $0x8F2B, s0  }
0xbd: {  	[sflag:s0] =	ssyncadd.remote.s32 $0x1  }
0xbe: {  	_ =	sfence.sel $0xFFFF  }
0xbf: {  	[dreg:$0x0] =	wrdreg $0xFFFFFFFF;
	(pc) =	sbr.abs _section_cstart, $3  }
0xc0: {  	[dreg:$0x1] =	wrdreg $0xFFFFFFFF  }
0xc1: {  	_ =	task.clear_ibuf [dreg:s6], $0x2FFFF;
	_ =	strace $0x9FFFFFFF  }
0xc2: {  	(tm) =	ssettm $0x7FFFFFFF  }
0xc3: {  	_ =	shalt  }
tec
execute0_lowered:
.L_overlay_start_1:
0x0: {  	(tag) =	ssettag $0x1  }
0x1: {  	s4 =	rddreg [dreg:$0x0]  }
0x2: {  	s0 =	srdreg.scid;
	s2 =	rddreg [dreg:$0x1]  }
0x3: {  	s3 =	simm.s32 $0x0;
	s21 =	simm.s32 $0x6800;
	s22 =	simm.s32 $0x1  }
0x4: {  	s23 =	simm.s32 $0x7D;
	s5 =	sand.u32 $0x1, s0;
	s0 =	stileid.u32  }
0x5: {  	s24 =	simm.s32 $0x2800;
	s25 =	simm.s32 $0x0;
	s29 =	smul.u32 $0x15000, s0  }
0x6: {  	[smem:$0x7FF] =	sst s3;
	s10 =	sadd.s32 $0x28C00, s4;
	s7 =	smul.u32 $0x14000, s0  }
0x7: {  	s1 =	sshll.u32 s5, $0x4;
	s30 =	ssub.s32 $0x2, s5;
	s9 =	smul.u32 $0x5000, s0  }
0x8: {  	s31 =	smul.u32 $0x140000, s5;
	s1 =	sor.u32 s0, s1;
	s8 =	sshrl.u32 s30, $0x1  }
0x9: {  	s6 =	smul.u32 $0x2800, s1;
	s1 =	rddreg [dreg:$0x2];
	_ =	strace $0x80000047  }
0xa: {  	s20 =	ssub.s32 s30, s8;
	s11 =	sadd.s32 $0x4000, s9;
	s7 =	sshrl.u32 s7, $0x2  }
0xb: {  	s9 =	sadd.s32 s9, s31;
	s8 =	sadd.s32 s31, s11;
	s7 =	sadd.s32 s7, s2  }
0xc: {  	s9 =	sshrl.u32 s9, $0x3;
	s20 =	smax.u32 s20, $0x1;
	s6 =	sshrl.u32 s6, $0x3  }
0xd: {  	s12 =	sshrl.u32 s8, $0x3;
	s8 =	sadd.s32 s10, s9;
	s9 =	sadd.s32 s11, s2  }
0xe: {  	s17 =	sadd.s32 s6, s4;
	s6 =	sshrl.u32 s29, $0x2;
	s10 =	sadd.s32 s10, s12  }
0xf: {  	s12 =	sadd.s32 $0xA000, s8;
	s13 =	sadd.s32 $0xA800, s8;
	s15 =	sadd.s32 $0x14000, s8  }
0x10: {  	s16 =	sadd.s32 $0x14800, s8;
	s18 =	sadd.s32 $0x1E000, s8;
	s19 =	sadd.s32 $0x1E800, s8  }
0x11: {  	s4 =	sadd.s32 s6, s2;
	s6 =	sadd.s32 $0xC00, s17;
	s11 =	sadd.s32 $0xAC00, s17  }
0x12: {  	v0 =	vimm.f32 $0.0e+00;
	v1 =	vimm.f32 $1.000000000e+00;
	s14 =	sadd.s32 $0x14C00, s17;
	s17 =	sadd.s32 $0x1EC00, s17;
	s5 =	sadd.s32 $0x4000, s4  }
.LBB2_1:
0x13: {  	s26 =	simm.s32 $0x0  }
.LBB2_2:
0x14: {  	p0 =	sne.s32 s26, $0xFE00  }
.Ltmp0:
0x15: {  	_ = 	snop;
	(pc) =	sbr.rel @p0 .LBB2_2-.Ltmp0, $3  }
0x16: {  	_ =	sdelay $0x1  }
0x17: {  	s28 =	sshra.s32 s26, $0x2  }
0x18: {  	s26 =	sadd.s32 $0x200, s26;
	[tilespmem:s28+$0x6800] =	vst v0  }
0x19: {  	s26 =	simm.s32 $0x200;
	s28 =	simm.s32 $0x0  }
.LBB2_4:
0x1a: {  	p0 =	sne.s32 s26, $0xF800;
	[tilespmem:s28+$0x2800] =	vst v1;
	s28 =	smov.u32 s26;
	s26 =	sadd.s32 $0x200, s26  }
.Ltmp1:
0x1b: {  	(pc) =	sbr.rel @p0 .LBB2_4-.Ltmp1, $2  }
0x1c: {  	_ =	sdelay $0x2  }
0x1d: {  	s28 =	sshra.s32 s28, $0x2  }
0x1e: {  	[tilespmem:s28+$0x2800] =	vst v1  }
0x1f: {  	[spmem:s4] =	stream.linear.scatter [tilespmem:s21], [sflag:$0x1], $0x4000, $0x38;
	[tilespmem:$0xB280] =	vst v63  }
0x20: {  	_ =	swait.ge [sflag:s22], $0x4000  }
0x21: {  	[sflag:s22] =	ssyncset.done $0x0  }
0x22: {  	[sflag:s22] =	ssyncadd.s32 $0xFFFFC000  }
0x23: {  	[spmem:s5] =	stream.linear.scatter [tilespmem:s21], [sflag:$0x1], $0x1400, $0x38;
	[tilespmem:$0xB280] =	vst v63  }
0x24: {  	_ =	swait.ge [sflag:s22], $0x1400  }
0x25: {  	[sflag:s22] =	ssyncset.done $0x0  }
0x26: {  	s26 =	simm.s32 $0x0;
	[sflag:s22] =	ssyncadd.s32 $0xFFFFEC00  }
0x27: {  	[tilespmem:s26], [sflag:$0x1] =	stream.linear.gather [hbm4b:s6+s26], $0x2800, $0x38;
	[tilespmem:$0xB280] =	vst v63  }
0x28: {  	_ =	swait.ge [sflag:s22], $0x2800  }
0x29: {  	[sflag:s22] =	ssyncset.done $0x0  }
0x2a: {  	[sflag:s22] =	ssyncadd.s32 $0xFFFFD800  }
0x2b: {  	s31 =	simm.s32 $0x0;
	[bflag:$0x0] =	sbarrier.arrive $0xFFFF  }
0x2c: {  	[spmem:s2] =	stream.indirect.scatter.add.f32 [tilespmem:s24], [sflag:$0x1], $0x10, s31, s23, $0xb8;
	[tilespmem:$0xB280] =	vst v63  }
0x2d: {  	_ =	swait.ge [sflag:s22], $0x7D0  }
0x2e: {  	s26 =	simm.s32 $0x200;
	[sflag:s22] =	ssyncset.done $0x0  }
.LBB2_6:
0x2f: {  	s28 =	sshra.s32 s26, $0x2;
	[sflag:s22] =	ssyncadd.s32 $0xFFFFF830;
	p0 =	sne.s32 s26, $0x9E00  }
0x30: {  	[spmem:s2] =	stream.indirect.scatter.add.f32 [tilespmem:s24], [sflag:$0x1], $0x10, s28, s23, $0xb8;
	[tilespmem:$0xB280] =	vst v63  }
.Ltmp2:
0x31: {  	_ = 	snop;
	(pc) =	sbr.rel @p0 .LBB2_6-.Ltmp2, $4  }
0x32: {  	_ = 	snop  }
0x33: {  	s26 =	sadd.s32 $0x200, s26  }
0x34: {  	_ =	swait.ge [sflag:s22], $0x7D0  }
0x35: {  	[sflag:s22] =	ssyncset.done $0x0  }
0x36: {  	[sflag:s22] =	ssyncadd.s32 $0xFFFFF830  }
0x37: {  	[bflag:$0x0] =	sbarrier.arrive $0xFFFF  }
0x38: {  	[tilespmem:s21], [sflag:$0x1] =	stream.linear.gather [spmem:s7], $0x4000, $0x38;
	[tilespmem:$0xB280] =	vst v63  }
0x39: {  	_ =	swait.ge [sflag:s22], $0x4000  }
0x3a: {  	[sflag:s22] =	ssyncset.done $0x0  }
0x3b: {  	s26 =	simm.s32 $0x0;
	[sflag:s22] =	ssyncadd.s32 $0xFFFFC000  }
0x3c: {  	[hbm4b:s8+s26] =	stream.linear.scatter [tilespmem:s21], [sflag:$0x1], $0x4000, $0x38;
	[tilespmem:$0xB280] =	vst v63  }
0x3d: {  	_ =	swait.ge [sflag:s22], $0x4000  }
0x3e: {  	[sflag:s22] =	ssyncset.done $0x0  }
0x3f: {  	[sflag:s22] =	ssyncadd.s32 $0xFFFFC000  }
0x40: {  	[tilespmem:s21], [sflag:$0x1] =	stream.linear.gather [spmem:s9], $0x1000, $0x38;
	[tilespmem:$0xB280] =	vst v63  }
0x41: {  	_ =	swait.ge [sflag:s22], $0x1000  }
0x42: {  	[sflag:s22] =	ssyncset.done $0x0  }
0x43: {  	[sflag:s22] =	ssyncadd.s32 $0xFFFFF000  }
0x44: {  	[hbm4b:s10+s26] =	stream.linear.scatter [tilespmem:s21], [sflag:$0x1], $0x1000, $0x38;
	[tilespmem:$0xB280] =	vst v63  }
0x45: {  	_ =	swait.ge [sflag:s22], $0x1000  }
0x46: {  	[sflag:s22] =	ssyncset.done $0x0  }
0x47: {  	[sflag:s22] =	ssyncadd.s32 $0xFFFFF000  }
0x48: {  	[bflag:$0x0] =	sbarrier.arrive $0xFFFF  }
0x49: {  	[spmem:s4] =	stream.linear.scatter [tilespmem:s21], [sflag:$0x1], $0x4000, $0x38;
	[tilespmem:$0xB280] =	vst v63  }
0x4a: {  	_ =	swait.ge [sflag:s22], $0x4000  }
0x4b: {  	[sflag:s22] =	ssyncset.done $0x0  }
0x4c: {  	[sflag:s22] =	ssyncadd.s32 $0xFFFFC000  }
0x4d: {  	[spmem:s5] =	stream.linear.scatter [tilespmem:s21], [sflag:$0x1], $0x1400, $0x38;
	[tilespmem:$0xB280] =	vst v63  }
0x4e: {  	_ =	swait.ge [sflag:s22], $0x1400  }
0x4f: {  	[sflag:s22] =	ssyncset.done $0x0  }
0x50: {  	[sflag:s22] =	ssyncadd.s32 $0xFFFFEC00  }
0x51: {  	[tilespmem:s26], [sflag:$0x1] =	stream.linear.gather [hbm4b:s11+s26], $0x2800, $0x38;
	[tilespmem:$0xB280] =	vst v63  }
0x52: {  	_ =	swait.ge [sflag:s22], $0x2800  }
0x53: {  	[sflag:s22] =	ssyncset.done $0x0  }
0x54: {  	[sflag:s22] =	ssyncadd.s32 $0xFFFFD800  }
0x55: {  	s31 =	simm.s32 $0x0;
	[bflag:$0x0] =	sbarrier.arrive $0xFFFF  }
0x56: {  	[spmem:s2] =	stream.indirect.scatter.add.f32 [tilespmem:s24], [sflag:$0x1], $0x10, s31, s23, $0xb8;
	[tilespmem:$0xB280] =	vst v63  }
0x57: {  	_ =	swait.ge [sflag:s22], $0x7D0  }
0x58: {  	s26 =	simm.s32 $0x200;
	[sflag:s22] =	ssyncset.done $0x0  }
.LBB2_8:
0x59: {  	s28 =	sshra.s32 s26, $0x2;
	[sflag:s22] =	ssyncadd.s32 $0xFFFFF830;
	p0 =	sne.s32 s26, $0x9E00  }
0x5a: {  	[spmem:s2] =	stream.indirect.scatter.add.f32 [tilespmem:s24], [sflag:$0x1], $0x10, s28, s23, $0xb8;
	[tilespmem:$0xB280] =	vst v63  }
.Ltmp3:
0x5b: {  	_ = 	snop;
	(pc) =	sbr.rel @p0 .LBB2_8-.Ltmp3, $4  }
0x5c: {  	_ = 	snop  }
0x5d: {  	s26 =	sadd.s32 $0x200, s26  }
0x5e: {  	_ =	swait.ge [sflag:s22], $0x7D0  }
0x5f: {  	[sflag:s22] =	ssyncset.done $0x0  }
0x60: {  	[sflag:s22] =	ssyncadd.s32 $0xFFFFF830  }
0x61: {  	[bflag:$0x0] =	sbarrier.arrive $0xFFFF  }
0x62: {  	[tilespmem:s21], [sflag:$0x1] =	stream.linear.gather [spmem:s7], $0x4000, $0x38;
	[tilespmem:$0xB280] =	vst v63  }
0x63: {  	_ =	swait.ge [sflag:s22], $0x4000  }
0x64: {  	[sflag:s22] =	ssyncset.done $0x0  }
0x65: {  	s26 =	simm.s32 $0x0;
	[sflag:s22] =	ssyncadd.s32 $0xFFFFC000  }
0x66: {  	[hbm4b:s12+s26] =	stream.linear.scatter [tilespmem:s21], [sflag:$0x1], $0x4000, $0x38;
	[tilespmem:$0xB280] =	vst v63  }
0x67: {  	_ =	swait.ge [sflag:s22], $0x4000  }
0x68: {  	[sflag:s22] =	ssyncset.done $0x0  }
0x69: {  	[sflag:s22] =	ssyncadd.s32 $0xFFFFC000  }
0x6a: {  	[tilespmem:s21], [sflag:$0x1] =	stream.linear.gather [spmem:s9], $0x1000, $0x38;
	[tilespmem:$0xB280] =	vst v63  }
0x6b: {  	_ =	swait.ge [sflag:s22], $0x1000  }
0x6c: {  	[sflag:s22] =	ssyncset.done $0x0  }
0x6d: {  	[sflag:s22] =	ssyncadd.s32 $0xFFFFF000  }
0x6e: {  	[hbm4b:s13+s26] =	stream.linear.scatter [tilespmem:s21], [sflag:$0x1], $0x1000, $0x38;
	[tilespmem:$0xB280] =	vst v63  }
0x6f: {  	_ =	swait.ge [sflag:s22], $0x1000  }
0x70: {  	[sflag:s22] =	ssyncset.done $0x0  }
0x71: {  	[sflag:s22] =	ssyncadd.s32 $0xFFFFF000  }
0x72: {  	[bflag:$0x0] =	sbarrier.arrive $0xFFFF  }
0x73: {  	[spmem:s4] =	stream.linear.scatter [tilespmem:s21], [sflag:$0x1], $0x4000, $0x38;
	[tilespmem:$0xB280] =	vst v63  }
0x74: {  	_ =	swait.ge [sflag:s22], $0x4000  }
0x75: {  	[sflag:s22] =	ssyncset.done $0x0  }
0x76: {  	[sflag:s22] =	ssyncadd.s32 $0xFFFFC000  }
0x77: {  	[spmem:s5] =	stream.linear.scatter [tilespmem:s21], [sflag:$0x1], $0x1400, $0x38;
	[tilespmem:$0xB280] =	vst v63  }
0x78: {  	_ =	swait.ge [sflag:s22], $0x1400  }
0x79: {  	[sflag:s22] =	ssyncset.done $0x0  }
0x7a: {  	[sflag:s22] =	ssyncadd.s32 $0xFFFFEC00  }
0x7b: {  	[tilespmem:s26], [sflag:$0x1] =	stream.linear.gather [hbm4b:s14+s26], $0x2800, $0x38;
	[tilespmem:$0xB280] =	vst v63  }
0x7c: {  	_ =	swait.ge [sflag:s22], $0x2800  }
0x7d: {  	[sflag:s22] =	ssyncset.done $0x0  }
0x7e: {  	[sflag:s22] =	ssyncadd.s32 $0xFFFFD800  }
0x7f: {  	s31 =	simm.s32 $0x0;
	[bflag:$0x0] =	sbarrier.arrive $0xFFFF  }
0x80: {  	[spmem:s2] =	stream.indirect.scatter.add.f32 [tilespmem:s24], [sflag:$0x1], $0x10, s31, s23, $0xb8;
	[tilespmem:$0xB280] =	vst v63  }
0x81: {  	_ =	swait.ge [sflag:s22], $0x7D0  }
0x82: {  	s26 =	simm.s32 $0x200;
	[sflag:s22] =	ssyncset.done $0x0  }
.LBB2_10:
0x83: {  	s28 =	sshra.s32 s26, $0x2;
	[sflag:s22] =	ssyncadd.s32 $0xFFFFF830;
	p0 =	sne.s32 s26, $0x9E00  }
0x84: {  	[spmem:s2] =	stream.indirect.scatter.add.f32 [tilespmem:s24], [sflag:$0x1], $0x10, s28, s23, $0xb8;
	[tilespmem:$0xB280] =	vst v63  }
.Ltmp4:
0x85: {  	_ = 	snop;
	(pc) =	sbr.rel @p0 .LBB2_10-.Ltmp4, $4  }
0x86: {  	_ = 	snop  }
0x87: {  	s26 =	sadd.s32 $0x200, s26  }
0x88: {  	_ =	swait.ge [sflag:s22], $0x7D0  }
0x89: {  	[sflag:s22] =	ssyncset.done $0x0  }
0x8a: {  	[sflag:s22] =	ssyncadd.s32 $0xFFFFF830  }
0x8b: {  	[bflag:$0x0] =	sbarrier.arrive $0xFFFF  }
0x8c: {  	[tilespmem:s21], [sflag:$0x1] =	stream.linear.gather [spmem:s7], $0x4000, $0x38;
	[tilespmem:$0xB280] =	vst v63  }
0x8d: {  	_ =	swait.ge [sflag:s22], $0x4000  }
0x8e: {  	[sflag:s22] =	ssyncset.done $0x0  }
0x8f: {  	s26 =	simm.s32 $0x0;
	[sflag:s22] =	ssyncadd.s32 $0xFFFFC000  }
0x90: {  	[hbm4b:s15+s26] =	stream.linear.scatter [tilespmem:s21], [sflag:$0x1], $0x4000, $0x38;
	[tilespmem:$0xB280] =	vst v63  }
0x91: {  	_ =	swait.ge [sflag:s22], $0x4000  }
0x92: {  	[sflag:s22] =	ssyncset.done $0x0  }
0x93: {  	[sflag:s22] =	ssyncadd.s32 $0xFFFFC000  }
0x94: {  	[tilespmem:s21], [sflag:$0x1] =	stream.linear.gather [spmem:s9], $0x1000, $0x38;
	[tilespmem:$0xB280] =	vst v63  }
0x95: {  	_ =	swait.ge [sflag:s22], $0x1000  }
0x96: {  	[sflag:s22] =	ssyncset.done $0x0  }
0x97: {  	[sflag:s22] =	ssyncadd.s32 $0xFFFFF000  }
0x98: {  	[hbm4b:s16+s26] =	stream.linear.scatter [tilespmem:s21], [sflag:$0x1], $0x1000, $0x38;
	[tilespmem:$0xB280] =	vst v63  }
0x99: {  	_ =	swait.ge [sflag:s22], $0x1000  }
0x9a: {  	[sflag:s22] =	ssyncset.done $0x0  }
0x9b: {  	[sflag:s22] =	ssyncadd.s32 $0xFFFFF000  }
0x9c: {  	[bflag:$0x0] =	sbarrier.arrive $0xFFFF  }
0x9d: {  	[spmem:s4] =	stream.linear.scatter [tilespmem:s21], [sflag:$0x1], $0x4000, $0x38;
	[tilespmem:$0xB280] =	vst v63  }
0x9e: {  	_ =	swait.ge [sflag:s22], $0x4000  }
0x9f: {  	[sflag:s22] =	ssyncset.done $0x0  }
0xa0: {  	[sflag:s22] =	ssyncadd.s32 $0xFFFFC000  }
0xa1: {  	[spmem:s5] =	stream.linear.scatter [tilespmem:s21], [sflag:$0x1], $0x1400, $0x38;
	[tilespmem:$0xB280] =	vst v63  }
0xa2: {  	_ =	swait.ge [sflag:s22], $0x1400  }
0xa3: {  	[sflag:s22] =	ssyncset.done $0x0  }
0xa4: {  	[sflag:s22] =	ssyncadd.s32 $0xFFFFEC00  }
0xa5: {  	[tilespmem:s26], [sflag:$0x1] =	stream.linear.gather [hbm4b:s17+s26], $0x2800, $0x38;
	[tilespmem:$0xB280] =	vst v63  }
0xa6: {  	_ =	swait.ge [sflag:s22], $0x2800  }
0xa7: {  	[sflag:s22] =	ssyncset.done $0x0  }
0xa8: {  	[sflag:s22] =	ssyncadd.s32 $0xFFFFD800  }
0xa9: {  	s31 =	simm.s32 $0x0;
	[bflag:$0x0] =	sbarrier.arrive $0xFFFF  }
0xaa: {  	[spmem:s2] =	stream.indirect.scatter.add.f32 [tilespmem:s24], [sflag:$0x1], $0x10, s31, s23, $0xb8;
	[tilespmem:$0xB280] =	vst v63  }
0xab: {  	_ =	swait.ge [sflag:s22], $0x7D0  }
0xac: {  	s26 =	simm.s32 $0x200;
	[sflag:s22] =	ssyncset.done $0x0  }
.LBB2_12:
0xad: {  	s28 =	sshra.s32 s26, $0x2;
	[sflag:s22] =	ssyncadd.s32 $0xFFFFF830;
	p0 =	sne.s32 s26, $0x9E00  }
0xae: {  	[spmem:s2] =	stream.indirect.scatter.add.f32 [tilespmem:s24], [sflag:$0x1], $0x10, s28, s23, $0xb8;
	[tilespmem:$0xB280] =	vst v63  }
.Ltmp5:
0xaf: {  	_ = 	snop;
	(pc) =	sbr.rel @p0 .LBB2_12-.Ltmp5, $4  }
0xb0: {  	_ = 	snop  }
0xb1: {  	s26 =	sadd.s32 $0x200, s26  }
0xb2: {  	_ =	swait.ge [sflag:s22], $0x7D0  }
0xb3: {  	[sflag:s22] =	ssyncset.done $0x0  }
0xb4: {  	[sflag:s22] =	ssyncadd.s32 $0xFFFFF830  }
0xb5: {  	[bflag:$0x0] =	sbarrier.arrive $0xFFFF  }
0xb6: {  	[tilespmem:s21], [sflag:$0x1] =	stream.linear.gather [spmem:s7], $0x4000, $0x38;
	[tilespmem:$0xB280] =	vst v63  }
0xb7: {  	_ =	swait.ge [sflag:s22], $0x4000  }
0xb8: {  	[sflag:s22] =	ssyncset.done $0x0  }
0xb9: {  	[sflag:s22] =	ssyncadd.s32 $0xFFFFC000  }
0xba: {  	[hbm4b:s18+s3] =	stream.linear.scatter [tilespmem:s21], [sflag:$0x1], $0x4000, $0x38;
	[tilespmem:$0xB280] =	vst v63  }
0xbb: {  	_ =	swait.ge [sflag:s22], $0x4000  }
0xbc: {  	[sflag:s22] =	ssyncset.done $0x0  }
0xbd: {  	[sflag:s22] =	ssyncadd.s32 $0xFFFFC000  }
0xbe: {  	[tilespmem:s21], [sflag:$0x1] =	stream.linear.gather [spmem:s9], $0x1000, $0x38;
	[tilespmem:$0xB280] =	vst v63  }
0xbf: {  	_ =	swait.ge [sflag:s22], $0x1000  }
0xc0: {  	s25 =	sadd.s32 $0x1, s25;
	[sflag:s22] =	ssyncset.done $0x0  }
0xc1: {  	p0 =	sne.s32 s25, s20;
	[sflag:s22] =	ssyncadd.s32 $0xFFFFF000  }
0xc2: {  	[hbm4b:s19+s3] =	stream.linear.scatter [tilespmem:s21], [sflag:$0x1], $0x1000, $0x38;
	[tilespmem:$0xB280] =	vst v63  }
.Ltmp6:
0xc3: {  	_ =	swait.ge [sflag:s22], $0x1000;
	(pc) =	sbr.rel @p0 .LBB2_1-.Ltmp6, $3  }
0xc4: {  	[sflag:s22] =	ssyncset.done $0x0  }
0xc5: {  	[sflag:s22] =	ssyncadd.s32 $0xFFFFF000  }
0xc6: {  	[bflag:$0x0] =	sbarrier.arrive $0xFFFF;
	_ =	sdelay $0x1  }
0xc7: {  	_ =	sfence.sel $0x180000  }
0xc8: {  	[bflag:$0x0] =	sbarrier.arrive $0xFFFF  }
0xc9: {  	p0 =	sne.s32 s0, $0x0;
	_ =	strace $0x90000047  }
0xca: {  	s0 =	sadd.s32 @!p0 $0x100000, s1;
	[bflag:$0x2] =	sbarrier.arrive $0xFFFF  }
0xcb: {  	[sflag:s0] =	ssyncadd.tile.s32 @!p0 $0x1;
	_ =	shalt  }
.Lfunc_end2:
_tile_overlayer_lowered:
.L_overlay_start_2:
0xcc: {  	(tag) =	ssettag $0x2  }
0xcd: {  	s0 =	rddreg [dreg:$0x0];
	s2 =	stileid.u32  }
0xce: {  	s1 =	rddreg [dreg:$0x1];
	p0 =	sne.s32 s2, $0x0  }
0xcf: {  	s3 =	rddreg [dreg:$0x2];
	[bflag:$0x3] =	sbarrier.arrive $0xFFFF;
	s2 =	simm.s32 @!p0 $0x1C01  }
0xd0: {  	[timem:s3], [sflag:s2] =	dma.local @!p0 [hbm:s0], s1  }
0xd1: {  	s0 =	simm.s32 @!p0 $0x1  }
0xd2: {  	_ =	swait.ge @!p0 [sflag:s0], s1  }
0xd3: {  	s1 =	ssub.s32 @!p0 $0x0, s1;
	[sflag:s0] =	ssyncset.done @!p0 $0x0  }
0xd4: {  	[sflag:s0] =	ssyncadd.s32 @!p0 s1  }
0xd5: {  	[bflag:$0x3] =	sbarrier.arrive $0xFFFF  }
0xd6: {  	_ =	shalt  }

</sc_bundles>
